<compile_context>
chip_gen: v7x
topology: tpu7x:2x2x1
jax: 0.10.2.dev20260603
libtpu: 0.0.44.dev20260713+nightly
codegen_flags: <defaults>
</compile_context>

<pallas_src>
import functools

import jax
import jax.numpy as jnp
from jax import lax
from jax.experimental import pallas as pl
from jax.experimental.pallas import tpu as pltpu
from jax.experimental.pallas import tpu_sc as plsc

_N = 10000
_E = 160000
_H = 512
_G = 64
_T = 28
_NC = 2
_NS = 16
_NW = _NC * _NS
_CH = 128
_NCH = 40
_EW = _CH * _NCH
_EP = _EW * _NW
_DEG = 10240
_CSZ = 280576
_BLK = 2000

_mesh = plsc.VectorSubcoreMesh(
    core_axis_name="c", subcore_axis_name="s", num_cores=_NC, num_subcores=_NS)



@functools.partial(
    pl.kernel,
    out_type=jax.ShapeDtypeStruct((2, _NC, _DEG), jnp.float32),
    mesh=_mesh,
    compiler_params=pltpu.CompilerParams(needs_layout_passes=False),
    scratch_types=[
        pltpu.VMEM((_NCH, _CH), jnp.int32),
        pltpu.VMEM((_CH,), jnp.float32),
        pltpu.VMEM_SHARED((_DEG,), jnp.float32),
        pltpu.VMEM_SHARED((_DEG,), jnp.float32),
        pltpu.SemaphoreType.DMA,
    ],
)
def _sc_degrees(dst0, dst1, ones_hbm, zeros_hbm, out_hbm, dstv, onesv, sh0, sh1,
                sem):
    c = lax.axis_index("c")
    s = lax.axis_index("s")
    wid = s * _NC + c
    sl = _DEG // _NS
    pltpu.sync_copy(zeros_hbm.at[pl.ds(0, sl)], sh0.at[pl.ds(s * sl, sl)])
    pltpu.sync_copy(zeros_hbm.at[pl.ds(0, sl)], sh1.at[pl.ds(s * sl, sl)])
    pltpu.sync_copy(ones_hbm, onesv)
    plsc.subcore_barrier()
    for dh, sh in ((dst0, sh0), (dst1, sh1)):
        pltpu.sync_copy(dh.at[wid], dstv)

        def fire(j, carry, sh=sh):
            pltpu.async_copy(onesv, sh.at[dstv.at[j]], sem, add=True)
            return carry

        lax.fori_loop(0, _NCH, fire, 0)

        def drain(j, carry, sh=sh):
            pltpu.make_async_copy(onesv, sh.at[dstv.at[j]], sem).wait()
            return carry

        lax.fori_loop(0, _NCH, drain, 0)
    plsc.subcore_barrier()
    for e, sh in enumerate((sh0, sh1)):
        pltpu.sync_copy(sh.at[pl.ds(s * sl, sl)],
                        out_hbm.at[e, c, pl.ds(s * sl, sl)])


@functools.partial(
    pl.kernel,
    out_type=jax.ShapeDtypeStruct((2, _NC, _CSZ), jnp.float32),
    mesh=_mesh,
    compiler_params=pltpu.CompilerParams(needs_layout_passes=False),
    scratch_types=[
        pltpu.VMEM((_NCH, _CH), jnp.int32),
        pltpu.VMEM((_NCH, _CH), jnp.int32),
        pltpu.VMEM((_DEG,), jnp.int32),
        pltpu.VMEM((_DEG,), jnp.float32),
        pltpu.VMEM((_NCH, _CH), jnp.float32),
        pltpu.VMEM((_NCH, _CH), jnp.int32),
        pltpu.VMEM_SHARED((_CSZ,), jnp.float32),
        pltpu.VMEM_SHARED((_CSZ,), jnp.float32),
        pltpu.SemaphoreType.DMA,
    ],
)
def _sc_cbuild(src0, dst0, src1, dst1, atom_hbm, dinv_hbm, zeros_hbm, out_hbm,
               srcv, dstv, atomv, dinvv, valb, idxb, csh0, csh1, sem):
    c = lax.axis_index("c")
    s = lax.axis_index("s")
    wid = s * _NC + c
    sl = _CSZ // _NS
    pltpu.sync_copy(zeros_hbm.at[pl.ds(0, sl)], csh0.at[pl.ds(s * sl, sl)])
    pltpu.sync_copy(zeros_hbm.at[pl.ds(0, sl)], csh1.at[pl.ds(s * sl, sl)])
    pltpu.sync_copy(atom_hbm, atomv)
    plsc.subcore_barrier()
    for e, (sh, dh, csh) in enumerate(((src0, dst0, csh0), (src1, dst1, csh1))):
        pltpu.sync_copy(dinv_hbm.at[e], dinvv)
        pltpu.sync_copy(sh.at[wid], srcv)
        pltpu.sync_copy(dh.at[wid], dstv)

        def chunk(j, carry, csh=csh):
            for k in range(_CH // 16):
                sv = srcv[j, pl.ds(k * 16, 16)]
                dv = dstv[j, pl.ds(k * 16, 16)]
                av = plsc.load_gather(atomv, [sv])
                vv = plsc.load_gather(dinvv, [sv])
                idxb[j, pl.ds(k * 16, 16)] = dv * _T + av
                valb[j, pl.ds(k * 16, 16)] = vv
            pltpu.async_copy(valb.at[j], csh.at[idxb.at[j]], sem, add=True)
            return carry

        lax.fori_loop(0, _NCH, chunk, 0)

        def drain(j, carry, csh=csh):
            pltpu.make_async_copy(valb.at[j], csh.at[idxb.at[j]], sem).wait()
            return carry

        lax.fori_loop(0, _NCH, drain, 0)
    plsc.subcore_barrier()
    for e, csh in enumerate((csh0, csh1)):
        pltpu.sync_copy(csh.at[pl.ds(s * sl, sl)],
                        out_hbm.at[e, c, pl.ds(s * sl, sl)])


@functools.partial(
    pl.kernel,
    out_type=jax.ShapeDtypeStruct((2, _NC, _DEG), jnp.float32),
    mesh=_mesh,
    compiler_params=pltpu.CompilerParams(needs_layout_passes=False),
    scratch_types=[
        pltpu.VMEM((_NCH, _CH), jnp.int32),
        pltpu.VMEM((_NCH, _CH), jnp.int32),
        pltpu.VMEM((_DEG,), jnp.float32),
        pltpu.VMEM((_NCH, _CH), jnp.float32),
        pltpu.VMEM_SHARED((_DEG,), jnp.float32),
        pltpu.VMEM_SHARED((_DEG,), jnp.float32),
        pltpu.SemaphoreType.DMA,
    ],
)
def _sc_umsg(src0, dst0, src1, dst1, g_hbm, zeros_hbm, out_hbm,
             srcv, dstv, gvv, valb, ush0, ush1, sem):
    c = lax.axis_index("c")
    s = lax.axis_index("s")
    wid = s * _NC + c
    sl = _DEG // _NS
    pltpu.sync_copy(zeros_hbm.at[pl.ds(0, sl)], ush0.at[pl.ds(s * sl, sl)])
    pltpu.sync_copy(zeros_hbm.at[pl.ds(0, sl)], ush1.at[pl.ds(s * sl, sl)])
    plsc.subcore_barrier()
    for e, (sh, dh, ush) in enumerate(((src0, dst0, ush0), (src1, dst1, ush1))):
        pltpu.sync_copy(g_hbm.at[e], gvv)
        pltpu.sync_copy(sh.at[wid], srcv)
        pltpu.sync_copy(dh.at[wid], dstv)

        def chunk(j, carry, ush=ush):
            for k in range(_CH // 16):
                sv = srcv[j, pl.ds(k * 16, 16)]
                valb[j, pl.ds(k * 16, 16)] = plsc.load_gather(gvv, [sv])
            pltpu.async_copy(valb.at[j], ush.at[dstv.at[j]], sem, add=True)
            return carry

        lax.fori_loop(0, _NCH, chunk, 0)

        def drain(j, carry, ush=ush):
            pltpu.make_async_copy(valb.at[j], ush.at[dstv.at[j]], sem).wait()
            return carry

        lax.fori_loop(0, _NCH, drain, 0)
    plsc.subcore_barrier()
    for e, ush in enumerate((ush0, ush1)):
        pltpu.sync_copy(ush.at[pl.ds(s * sl, sl)],
                        out_hbm.at[e, c, pl.ds(s * sl, sl)])



def _tc_dinv_body(deg_ref, dinv_ref):
    d = deg_ref[...]
    pe = d[0:1] + d[1:2] + 1.0
    pv = d[2:3] + d[3:4] + 1.0
    dinv_ref[...] = lax.rsqrt(jnp.concatenate([pe, pv], axis=0))


_tc_dinv = pl.pallas_call(
    _tc_dinv_body,
    out_shape=jax.ShapeDtypeStruct((2, _DEG), jnp.float32),
)


def _tc_main_body(cs_ref, atom_ref, embed_ref, w1_ref, b1_ref, w2_ref,
                  vw1_ref, vb1_ref, vw2_ref, de_ref, dv_ref, sg_ref):
    atom = atom_ref[...]
    onehot = (atom == lax.broadcasted_iota(jnp.int32, (_BLK, _T), 1)
              ).astype(jnp.float32)
    emb = embed_ref[...]
    cs = cs_ref[...]
    de = de_ref[...]
    dv = dv_ref[...]
    cols = []
    for dd, c0, c1, wref, bref, w2ref in (
            (de, cs[0], cs[1], w1_ref, b1_ref, w2_ref),
            (dv, cs[2], cs[3], vw1_ref, vb1_ref, vw2_ref)):
        cf = dd * (c0 + c1) + (dd * dd) * onehot
        agg = jnp.dot(cf, emb,
                      precision=lax.Precision.HIGHEST)
        h = jax.nn.relu(jnp.dot(agg, wref[...]) + bref[...])
        ht = h.astype(jnp.bfloat16).astype(jnp.float32)
        wt = w2ref[...].astype(jnp.bfloat16).astype(jnp.float32)
        sval = jnp.sum(ht * wt, axis=1,
                       keepdims=True)
        cols.append(sval)
        cols.append(dd * sval)
    sg_ref[...] = jnp.concatenate(cols, axis=1)


_tc_main = pl.pallas_call(
    _tc_main_body,
    grid=(_N // _BLK,),
    in_specs=[
        pl.BlockSpec((4, _BLK, _T), lambda i: (0, i, 0)),
        pl.BlockSpec((_BLK, 1), lambda i: (i, 0)),
        pl.BlockSpec((_T, _H), lambda i: (0, 0)),
        pl.BlockSpec((_H, _H), lambda i: (0, 0)),
        pl.BlockSpec((1, _H), lambda i: (0, 0)),
        pl.BlockSpec((1, _H), lambda i: (0, 0)),
        pl.BlockSpec((_H, _H), lambda i: (0, 0)),
        pl.BlockSpec((1, _H), lambda i: (0, 0)),
        pl.BlockSpec((1, _H), lambda i: (0, 0)),
        pl.BlockSpec((_BLK, 1), lambda i: (i, 0)),
        pl.BlockSpec((_BLK, 1), lambda i: (i, 0)),
    ],
    out_specs=pl.BlockSpec((_BLK, 4), lambda i: (i, 0)),
    out_shape=jax.ShapeDtypeStruct((_N, 4), jnp.float32),
)


def _tc_tail_body(sg_ref, ut_ref, dt_ref, batch_ref, b2_ref, vb2_ref,
                  atom_ref, embed_ref, y_ref, x_ref):
    i = pl.program_id(0)
    atom = atom_ref[...]
    onehot = (atom == lax.broadcasted_iota(jnp.int32, (_BLK, _T), 1)
              ).astype(jnp.float32)
    x_ref[...] = jnp.dot(onehot, embed_ref[...],
                         precision=lax.Precision.HIGHEST)
    sg = sg_ref[...]
    ut = ut_ref[...]
    dt = dt_ref[...]
    de = dt[:, 0:1]
    dv = dt[:, 1:2]
    s1 = sg[:, 0:1]
    sv = sg[:, 2:3]
    ue = ut[:, 0:1] + ut[:, 1:2]
    uv = ut[:, 2:3] + ut[:, 3:4]
    bias = b2_ref[0, 0] + vb2_ref[0, 0]
    val = de * de * s1 + de * ue + dv * dv * sv + dv * uv + bias
    gid = lax.broadcasted_iota(jnp.int32, (_BLK, _G), 1)
    mask = batch_ref[...] == gid
    part = jnp.sum(jnp.where(mask, val, 0.0), axis=0).reshape(1, _G)

    @pl.when(i == 0)
    def _():
        y_ref[...] = part

    @pl.when(i > 0)
    def _():
        y_ref[...] += part


_tc_tail = pl.pallas_call(
    _tc_tail_body,
    grid=(_N // _BLK,),
    in_specs=[
        pl.BlockSpec((_BLK, 4), lambda i: (i, 0)),
        pl.BlockSpec((_BLK, 4), lambda i: (i, 0)),
        pl.BlockSpec((_BLK, 2), lambda i: (i, 0)),
        pl.BlockSpec((_BLK, 1), lambda i: (i, 0)),
        pl.BlockSpec((1, 1), lambda i: (0, 0)),
        pl.BlockSpec((1, 1), lambda i: (0, 0)),
        pl.BlockSpec((_BLK, 1), lambda i: (i, 0)),
        pl.BlockSpec((_T, _H), lambda i: (0, 0)),
    ],
    out_specs=[
        pl.BlockSpec((1, _G), lambda i: (0, 0)),
        pl.BlockSpec((_BLK, _H), lambda i: (i, 0)),
    ],
    out_shape=[
        jax.ShapeDtypeStruct((1, _G), jnp.float32),
        jax.ShapeDtypeStruct((_N, _H), jnp.float32),
    ],
)



def kernel(embed, enc_w1, enc_b1, mu_w, mu_b, logstd_w, logstd_b, w1, b1, w2,
           b2, vae_w1, vae_b1, vae_w2, vae_b2, x_atom, edge_index,
           vr_edge_index, batch):
    f32 = jnp.float32
    atom = x_atom.astype(jnp.int32)

    def prep(ei):
        src = ei[0].astype(jnp.int32)
        dst = ei[1].astype(jnp.int32)
        pad = _EP - _E
        sp = jnp.concatenate([src, jnp.zeros((pad,), jnp.int32)])
        dp = jnp.concatenate([dst, jnp.full((pad,), _N, jnp.int32)])
        return sp.reshape(_NW, _NCH, _CH), dp.reshape(_NW, _NCH, _CH)

    s0p, d0p = prep(edge_index)
    s1p, d1p = prep(vr_edge_index)
    ones = jnp.ones((_CH,), f32)
    zeros = jnp.zeros((_CSZ // _NS,), f32)

    atom_pad = jnp.concatenate([atom, jnp.zeros((_DEG - _N,), jnp.int32)])
    deg = _sc_degrees(d0p, d1p, ones, zeros)
    dinv2 = _tc_dinv(deg.reshape(2 * _NC, _DEG))
    csc = _sc_cbuild(s0p, d0p, s1p, d1p, atom_pad, dinv2, zeros)
    cs4 = csc.reshape(2 * _NC, _CSZ)[:, :_N * _T].reshape(2 * _NC, _N, _T)
    de_col = dinv2[0, :_N].reshape(_N, 1)
    dv_col = dinv2[1, :_N].reshape(_N, 1)
    sg = _tc_main(cs4, atom.reshape(_N, 1), embed, w1,
                  b1.reshape(1, _H), w2.reshape(1, _H), vae_w1,
                  vae_b1.reshape(1, _H), vae_w2.reshape(1, _H),
                  de_col, dv_col)
    g2 = jnp.zeros((2, _DEG), f32).at[:, :_N].set(
        jnp.stack([sg[:, 1], sg[:, 3]]))
    u = _sc_umsg(s0p, d0p, s1p, d1p, g2, zeros)
    ut = u.reshape(2 * _NC, _DEG)[:, :_N].T
    dt = dinv2[:, :_N].T
    y2, x_out = _tc_tail(sg, ut, dt, batch.astype(jnp.int32).reshape(_N, 1),
                         b2.reshape(1, 1).astype(f32),
                         vae_b2.reshape(1, 1).astype(f32),
                         atom.reshape(_N, 1), embed)
    return (y2.reshape(_G), x_out)

# --- scband reference (transcript-rebuilt; emitter-appended) ---
"""Pipeline reference for scband-vgaegcn-8435315769738 (READ-ONLY COPY).

The authoritative reference and input builder live on the scoring server;
editing this copy changes nothing except your own understanding.
"""

import jax, jax.numpy as jnp
import numpy as np

N = 10000
E = 160000
H = 512
G = 64
NUM_ATOM_TYPES = 28


def gcn_conv(x, src, dst, W, b):
    # GCNConv with symmetric normalization and implicit self-loops
    n = x.shape[0]
    deg = jnp.zeros((n,), jnp.float32).at[dst].add(1.0) + 1.0
    dinv = jax.lax.rsqrt(deg)
    norm = (dinv[src] * dinv[dst])[:, None]
    msgs = x[src] * norm
    agg = (x * (dinv * dinv)[:, None]).at[dst].add(msgs)
    return agg @ W + b


def setup_inputs(seed: int = 0):
    key = jax.random.key(seed)
    ks = jax.random.split(key, 16)
    s = 1.0 / np.sqrt(H)
    inp = {
        'embed': jax.random.normal(ks[0], (NUM_ATOM_TYPES, H), jnp.float32) * 0.1,
        'enc_w1': jax.random.normal(ks[1], (H, H), jnp.float32) * s,
        'enc_b1': jnp.zeros((H,), jnp.float32),
        'mu_w': jax.random.normal(ks[2], (H, H), jnp.float32) * s,
        'mu_b': jnp.zeros((H,), jnp.float32),
        'logstd_w': jax.random.normal(ks[3], (H, H), jnp.float32) * s,
        'logstd_b': jnp.zeros((H,), jnp.float32),
        'w1': jax.random.normal(ks[4], (H, H), jnp.float32) * s,
        'b1': jnp.zeros((H,), jnp.float32),
        'w2': jax.random.normal(ks[5], (H, 1), jnp.float32) * s,
        'b2': jnp.zeros((1,), jnp.float32),
        'vae_w1': jax.random.normal(ks[6], (H, H), jnp.float32) * s,
        'vae_b1': jnp.zeros((H,), jnp.float32),
        'vae_w2': jax.random.normal(ks[7], (H, 1), jnp.float32) * s,
        'vae_b2': jnp.zeros((1,), jnp.float32),
        'x_atom': jax.random.randint(ks[8], (N,), 0, NUM_ATOM_TYPES),
        'edge_index': jax.random.randint(ks[9], (2, E), 0, N),
        'vr_edge_index': jax.random.randint(ks[10], (2, E), 0, N),
        'batch': jnp.sort(jax.random.randint(ks[11], (N,), 0, G)),
    }
    return inp


def reference(embed, enc_w1, enc_b1, mu_w, mu_b, logstd_w, logstd_b, w1, b1, w2, b2, vae_w1, vae_b1, vae_w2, vae_b2, x_atom, edge_index, vr_edge_index, batch):
    # embed_x: molecular=True -> Embedding(28, hidden)
    x = embed[x_atom]
    src, dst = edge_index[0], edge_index[1]
    # VGAE variational encoder (2-layer GCN -> mu, logstd); eval-mode z = mu
    h = jax.nn.relu(gcn_conv(x, src, dst, enc_w1, enc_b1))
    mu = gcn_conv(h, src, dst, mu_w, mu_b)
    logstd = gcn_conv(h, src, dst, logstd_w, logstd_b)
    z = mu + jnp.exp(logstd) * 0.0
    # main GCN stack on (x, edge_index)
    h1 = jax.nn.relu(gcn_conv(x, src, dst, w1, b1))
    x1 = gcn_conv(h1, src, dst, w2, b2)
    # vae branch GCN on (x, vr_edge_index)
    vs, vd = vr_edge_index[0], vr_edge_index[1]
    hv = jax.nn.relu(gcn_conv(x, vs, vd, vae_w1, vae_b1))
    xv = gcn_conv(hv, vs, vd, vae_w2, vae_b2)
    # keep encoder branch live (original code's use of z is truncated/broken)
    x1 = x1 + xv + 0.0 * jnp.sum(z)
    # graph readout: scatter_sum over batch assignment, then squeeze(-1)
    y_hat = jax.ops.segment_sum(x1, batch, num_segments=G)
    y_hat = y_hat.squeeze(-1)
    return (y_hat, x)

if __name__ == "__main__":
    import jax
    _d = setup_inputs()
    print(jax.jit(kernel)(*tuple(_d.values())))

</pallas_src>

<mosaic_0001>
#map = affine_map<(d0, d1) -> (0, 0, 0)>
#map1 = affine_map<(d0, d1) -> (0, 0)>
#map2 = affine_map<(d0, d1) -> (0)>
module attributes {stable_mosaic.version = 14 : i64} {
  func.func @_sc_umsg(%arg0: i32, %arg1: i32, %arg2: memref<32x40x128xi32, #tpu.memory_space<hbm>>, %arg3: memref<32x40x128xi32, #tpu.memory_space<hbm>>, %arg4: memref<32x40x128xi32, #tpu.memory_space<hbm>>, %arg5: memref<32x40x128xi32, #tpu.memory_space<hbm>>, %arg6: memref<2x10240xf32, #tpu.memory_space<hbm>>, %arg7: memref<17536xf32, #tpu.memory_space<hbm>>, %arg8: memref<2x2x10240xf32, #tpu.memory_space<hbm>>, %arg9: memref<40x128xi32, #tpu.memory_space<vmem>>, %arg10: memref<40x128xi32, #tpu.memory_space<vmem>>, %arg11: memref<10240xf32, #tpu.memory_space<vmem>>, %arg12: memref<40x128xf32, #tpu.memory_space<vmem>>, %arg13: memref<10240xf32, #tpu.memory_space<vmem_shared>>, %arg14: memref<10240xf32, #tpu.memory_space<vmem_shared>>, %arg15: memref<!tpu.dma_semaphore, #tpu.memory_space<semaphore_mem>>) attributes {dimension_semantics = [#tpu.dimension_semantics<core_parallel>, #tpu.dimension_semantics<subcore_parallel>], iteration_bounds = array<i64: 2, 16>, scalar_prefetch = 0 : i64, scratch_operands = 7 : i64, tpu.core_type = #tpu.core_type<sc_vector_subcore>, window_params = [{transform_indices = #map}, {transform_indices = #map}, {transform_indices = #map}, {transform_indices = #map}, {transform_indices = #map1}, {transform_indices = #map2}, {transform_indices = #map}]} {
    %mul3A = arith.constant 2 : i32
    %mul3A_0 = arith.muli %arg1, %mul3A : i32
    %add3A = arith.addi %mul3A_0, %arg0 : i32
    %mul3A_1 = arith.constant 640 : i32
    %mul3A_2 = arith.muli %arg1, %mul3A_1 : i32
    "tpu.region"() ({
      %run_scoped3A_40 = tpu.sem_alloc : memref<!tpu.dma_semaphore, #tpu.memory_space<semaphore_mem>>
      %dma_start3A = tpu.memref_slice %arg13[%mul3A_2] : memref<10240xf32, #tpu.memory_space<vmem_shared>> -> memref<640xf32, #tpu.memory_space<vmem_shared>>
      %dma_start3A_41 = arith.constant 0 : i32
      %dma_start3A_42 = tpu.memref_slice %arg7[%dma_start3A_41] : memref<17536xf32, #tpu.memory_space<hbm>> -> memref<640xf32, #tpu.memory_space<hbm>>
      tpu.enqueue_dma source(%dma_start3A_42 : memref<640xf32, #tpu.memory_space<hbm>>) target(%dma_start3A : memref<640xf32, #tpu.memory_space<vmem_shared>>) target_semaphore(%run_scoped3A_40 : memref<!tpu.dma_semaphore, #tpu.memory_space<semaphore_mem>>)
      %dma_wait3A = tpu.memref_slice %arg13[%mul3A_2] : memref<10240xf32, #tpu.memory_space<vmem_shared>> -> memref<640xf32, #tpu.memory_space<vmem_shared>>
      %dma_wait3A_43 = arith.constant 0 : i32
      %dma_wait3A_44 = tpu.memref_slice %arg7[%dma_wait3A_43] : memref<17536xf32, #tpu.memory_space<hbm>> -> memref<640xf32, #tpu.memory_space<hbm>>
      tpu.wait_dma2 semaphore(%run_scoped3A_40 : memref<!tpu.dma_semaphore, #tpu.memory_space<semaphore_mem>>) src(%dma_wait3A_44 : memref<640xf32, #tpu.memory_space<hbm>>) dst(%dma_wait3A : memref<640xf32, #tpu.memory_space<vmem_shared>>)
      tpu.yield
    }) : () -> ()
    %mul3A_3 = arith.constant 640 : i32
    %mul3A_4 = arith.muli %arg1, %mul3A_3 : i32
    "tpu.region"() ({
      %run_scoped3A_40 = tpu.sem_alloc : memref<!tpu.dma_semaphore, #tpu.memory_space<semaphore_mem>>
      %dma_start3A = tpu.memref_slice %arg14[%mul3A_4] : memref<10240xf32, #tpu.memory_space<vmem_shared>> -> memref<640xf32, #tpu.memory_space<vmem_shared>>
      %dma_start3A_41 = arith.constant 0 : i32
      %dma_start3A_42 = tpu.memref_slice %arg7[%dma_start3A_41] : memref<17536xf32, #tpu.memory_space<hbm>> -> memref<640xf32, #tpu.memory_space<hbm>>
      tpu.enqueue_dma source(%dma_start3A_42 : memref<640xf32, #tpu.memory_space<hbm>>) target(%dma_start3A : memref<640xf32, #tpu.memory_space<vmem_shared>>) target_semaphore(%run_scoped3A_40 : memref<!tpu.dma_semaphore, #tpu.memory_space<semaphore_mem>>)
      %dma_wait3A = tpu.memref_slice %arg14[%mul3A_4] : memref<10240xf32, #tpu.memory_space<vmem_shared>> -> memref<640xf32, #tpu.memory_space<vmem_shared>>
      %dma_wait3A_43 = arith.constant 0 : i32
      %dma_wait3A_44 = tpu.memref_slice %arg7[%dma_wait3A_43] : memref<17536xf32, #tpu.memory_space<hbm>> -> memref<640xf32, #tpu.memory_space<hbm>>
      tpu.wait_dma2 semaphore(%run_scoped3A_40 : memref<!tpu.dma_semaphore, #tpu.memory_space<semaphore_mem>>) src(%dma_wait3A_44 : memref<640xf32, #tpu.memory_space<hbm>>) dst(%dma_wait3A : memref<640xf32, #tpu.memory_space<vmem_shared>>)
      tpu.yield
    }) : () -> ()
    %barrier3A = arith.constant 0 : index
    tpu.barrier barrier_id(%barrier3A)
    %run_scoped3A = arith.constant 0 : i32
    "tpu.region"() ({
      %run_scoped3A_40 = tpu.sem_alloc : memref<!tpu.dma_semaphore, #tpu.memory_space<semaphore_mem>>
      %dma_start3A = arith.constant 0 : i32
      %dma_start3A_41 = tpu.memref_slice %arg6[%run_scoped3A, %dma_start3A] : memref<2x10240xf32, #tpu.memory_space<hbm>> -> memref<1x10240xf32, #tpu.memory_space<hbm>>
      %dma_start3A_42 = tpu.memref_squeeze %dma_start3A_41 : memref<1x10240xf32, #tpu.memory_space<hbm>> -> memref<10240xf32, #tpu.memory_space<hbm>>
      %dma_start3A_43 = arith.constant 0 : i32
      %dma_start3A_44 = tpu.memref_slice %arg6[%run_scoped3A, %dma_start3A_43] : memref<2x10240xf32, #tpu.memory_space<hbm>> -> memref<1x10240xf32, #tpu.memory_space<hbm>>
      %dma_start3A_45 = tpu.memref_squeeze %dma_start3A_44 : memref<1x10240xf32, #tpu.memory_space<hbm>> -> memref<10240xf32, #tpu.memory_space<hbm>>
      tpu.enqueue_dma source(%dma_start3A_45 : memref<10240xf32, #tpu.memory_space<hbm>>) target(%arg11 : memref<10240xf32, #tpu.memory_space<vmem>>) target_semaphore(%run_scoped3A_40 : memref<!tpu.dma_semaphore, #tpu.memory_space<semaphore_mem>>)
      %dma_wait3A = arith.constant 0 : i32
      %dma_wait3A_46 = tpu.memref_slice %arg6[%run_scoped3A, %dma_wait3A] : memref<2x10240xf32, #tpu.memory_space<hbm>> -> memref<1x10240xf32, #tpu.memory_space<hbm>>
      %dma_wait3A_47 = tpu.memref_squeeze %dma_wait3A_46 : memref<1x10240xf32, #tpu.memory_space<hbm>> -> memref<10240xf32, #tpu.memory_space<hbm>>
      %dma_wait3A_48 = arith.constant 0 : i32
      %dma_wait3A_49 = tpu.memref_slice %arg6[%run_scoped3A, %dma_wait3A_48] : memref<2x10240xf32, #tpu.memory_space<hbm>> -> memref<1x10240xf32, #tpu.memory_space<hbm>>
      %dma_wait3A_50 = tpu.memref_squeeze %dma_wait3A_49 : memref<1x10240xf32, #tpu.memory_space<hbm>> -> memref<10240xf32, #tpu.memory_space<hbm>>
      tpu.wait_dma2 semaphore(%run_scoped3A_40 : memref<!tpu.dma_semaphore, #tpu.memory_space<semaphore_mem>>) src(%dma_wait3A_50 : memref<10240xf32, #tpu.memory_space<hbm>>) dst(%arg11 : memref<10240xf32, #tpu.memory_space<vmem>>)
      tpu.yield
    }) : () -> ()
    "tpu.region"() ({
      %run_scoped3A_40 = tpu.sem_alloc : memref<!tpu.dma_semaphore, #tpu.memory_space<semaphore_mem>>
      %dma_start3A = arith.constant 0 : i32
      %dma_start3A_41 = arith.constant 0 : i32
      %dma_start3A_42 = tpu.memref_slice %arg2[%add3A, %dma_start3A, %dma_start3A_41] : memref<32x40x128xi32, #tpu.memory_space<hbm>> -> memref<1x40x128xi32, #tpu.memory_space<hbm>>
      %dma_start3A_43 = tpu.memref_squeeze %dma_start3A_42 : memref<1x40x128xi32, #tpu.memory_space<hbm>> -> memref<40x128xi32, #tpu.memory_space<hbm>>
      %dma_start3A_44 = arith.constant 0 : i32
      %dma_start3A_45 = arith.constant 0 : i32
      %dma_start3A_46 = tpu.memref_slice %arg2[%add3A, %dma_start3A_44, %dma_start3A_45] : memref<32x40x128xi32, #tpu.memory_space<hbm>> -> memref<1x40x128xi32, #tpu.memory_space<hbm>>
      %dma_start3A_47 = tpu.memref_squeeze %dma_start3A_46 : memref<1x40x128xi32, #tpu.memory_space<hbm>> -> memref<40x128xi32, #tpu.memory_space<hbm>>
      tpu.enqueue_dma source(%dma_start3A_47 : memref<40x128xi32, #tpu.memory_space<hbm>>) target(%arg9 : memref<40x128xi32, #tpu.memory_space<vmem>>) target_semaphore(%run_scoped3A_40 : memref<!tpu.dma_semaphore, #tpu.memory_space<semaphore_mem>>)
      %dma_wait3A = arith.constant 0 : i32
      %dma_wait3A_48 = arith.constant 0 : i32
      %dma_wait3A_49 = tpu.memref_slice %arg2[%add3A, %dma_wait3A, %dma_wait3A_48] : memref<32x40x128xi32, #tpu.memory_space<hbm>> -> memref<1x40x128xi32, #tpu.memory_space<hbm>>
      %dma_wait3A_50 = tpu.memref_squeeze %dma_wait3A_49 : memref<1x40x128xi32, #tpu.memory_space<hbm>> -> memref<40x128xi32, #tpu.memory_space<hbm>>
      %dma_wait3A_51 = arith.constant 0 : i32
      %dma_wait3A_52 = arith.constant 0 : i32
      %dma_wait3A_53 = tpu.memref_slice %arg2[%add3A, %dma_wait3A_51, %dma_wait3A_52] : memref<32x40x128xi32, #tpu.memory_space<hbm>> -> memref<1x40x128xi32, #tpu.memory_space<hbm>>
      %dma_wait3A_54 = tpu.memref_squeeze %dma_wait3A_53 : memref<1x40x128xi32, #tpu.memory_space<hbm>> -> memref<40x128xi32, #tpu.memory_space<hbm>>
      tpu.wait_dma2 semaphore(%run_scoped3A_40 : memref<!tpu.dma_semaphore, #tpu.memory_space<semaphore_mem>>) src(%dma_wait3A_54 : memref<40x128xi32, #tpu.memory_space<hbm>>) dst(%arg9 : memref<40x128xi32, #tpu.memory_space<vmem>>)
      tpu.yield
    }) : () -> ()
    "tpu.region"() ({
      %run_scoped3A_40 = tpu.sem_alloc : memref<!tpu.dma_semaphore, #tpu.memory_space<semaphore_mem>>
      %dma_start3A = arith.constant 0 : i32
      %dma_start3A_41 = arith.constant 0 : i32
      %dma_start3A_42 = tpu.memref_slice %arg3[%add3A, %dma_start3A, %dma_start3A_41] : memref<32x40x128xi32, #tpu.memory_space<hbm>> -> memref<1x40x128xi32, #tpu.memory_space<hbm>>
      %dma_start3A_43 = tpu.memref_squeeze %dma_start3A_42 : memref<1x40x128xi32, #tpu.memory_space<hbm>> -> memref<40x128xi32, #tpu.memory_space<hbm>>
      %dma_start3A_44 = arith.constant 0 : i32
      %dma_start3A_45 = arith.constant 0 : i32
      %dma_start3A_46 = tpu.memref_slice %arg3[%add3A, %dma_start3A_44, %dma_start3A_45] : memref<32x40x128xi32, #tpu.memory_space<hbm>> -> memref<1x40x128xi32, #tpu.memory_space<hbm>>
      %dma_start3A_47 = tpu.memref_squeeze %dma_start3A_46 : memref<1x40x128xi32, #tpu.memory_space<hbm>> -> memref<40x128xi32, #tpu.memory_space<hbm>>
      tpu.enqueue_dma source(%dma_start3A_47 : memref<40x128xi32, #tpu.memory_space<hbm>>) target(%arg10 : memref<40x128xi32, #tpu.memory_space<vmem>>) target_semaphore(%run_scoped3A_40 : memref<!tpu.dma_semaphore, #tpu.memory_space<semaphore_mem>>)
      %dma_wait3A = arith.constant 0 : i32
      %dma_wait3A_48 = arith.constant 0 : i32
      %dma_wait3A_49 = tpu.memref_slice %arg3[%add3A, %dma_wait3A, %dma_wait3A_48] : memref<32x40x128xi32, #tpu.memory_space<hbm>> -> memref<1x40x128xi32, #tpu.memory_space<hbm>>
      %dma_wait3A_50 = tpu.memref_squeeze %dma_wait3A_49 : memref<1x40x128xi32, #tpu.memory_space<hbm>> -> memref<40x128xi32, #tpu.memory_space<hbm>>
      %dma_wait3A_51 = arith.constant 0 : i32
      %dma_wait3A_52 = arith.constant 0 : i32
      %dma_wait3A_53 = tpu.memref_slice %arg3[%add3A, %dma_wait3A_51, %dma_wait3A_52] : memref<32x40x128xi32, #tpu.memory_space<hbm>> -> memref<1x40x128xi32, #tpu.memory_space<hbm>>
      %dma_wait3A_54 = tpu.memref_squeeze %dma_wait3A_53 : memref<1x40x128xi32, #tpu.memory_space<hbm>> -> memref<40x128xi32, #tpu.memory_space<hbm>>
      tpu.wait_dma2 semaphore(%run_scoped3A_40 : memref<!tpu.dma_semaphore, #tpu.memory_space<semaphore_mem>>) src(%dma_wait3A_54 : memref<40x128xi32, #tpu.memory_space<hbm>>) dst(%arg10 : memref<40x128xi32, #tpu.memory_space<vmem>>)
      tpu.yield
    }) : () -> ()
    %scan3A = arith.constant 0 : i32
    %scan3A_5 = arith.constant 0 : i32
    %scan3A_6 = arith.constant 40 : i32
    %scan3A_7 = arith.addi %scan3A_5, %scan3A_6 : i32
    %scan3A_8 = arith.constant 1 : i32
    scf.for %scan3A_40 = %scan3A_5 to %scan3A_7 step %scan3A_8  : i32 {
      %get3A = arith.index_cast %scan3A_40 : i32 to index
      %get3A_41 = arith.constant 0 : index
      %get3A_42 = tpu.vector_load %arg9[%get3A, %get3A_41] {strides = array<i32>} : memref<40x128xi32, #tpu.memory_space<vmem>>, vector<16xi32>,
      %gather3A = tpu.vector_load_idx %arg11[%get3A_42] : memref<10240xf32, #tpu.memory_space<vmem>>[vector<16xi32>], vector<16xf32>,
      %swap3A = arith.index_cast %scan3A_40 : i32 to index
      %swap3A_43 = arith.constant 0 : index
      %swap3A_44 = tpu.vector_load %arg12[%swap3A, %swap3A_43] {strides = array<i32>} : memref<40x128xf32, #tpu.memory_space<vmem>>, vector<16xf32>,
      tpu.vector_store %arg12[%swap3A, %swap3A_43], %gather3A {strides = array<i32>} : memref<40x128xf32, #tpu.memory_space<vmem>>, vector<16xf32>,
      %get3A_45 = arith.index_cast %scan3A_40 : i32 to index
      %get3A_46 = arith.constant 16 : index
      %get3A_47 = tpu.vector_load %arg9[%get3A_45, %get3A_46] {strides = array<i32>} : memref<40x128xi32, #tpu.memory_space<vmem>>, vector<16xi32>,
      %gather3A_48 = tpu.vector_load_idx %arg11[%get3A_47] : memref<10240xf32, #tpu.memory_space<vmem>>[vector<16xi32>], vector<16xf32>,
      %swap3A_49 = arith.index_cast %scan3A_40 : i32 to index
      %swap3A_50 = arith.constant 16 : index
      %swap3A_51 = tpu.vector_load %arg12[%swap3A_49, %swap3A_50] {strides = array<i32>} : memref<40x128xf32, #tpu.memory_space<vmem>>, vector<16xf32>,
      tpu.vector_store %arg12[%swap3A_49, %swap3A_50], %gather3A_48 {strides = array<i32>} : memref<40x128xf32, #tpu.memory_space<vmem>>, vector<16xf32>,
      %get3A_52 = arith.index_cast %scan3A_40 : i32 to index
      %get3A_53 = arith.constant 32 : index
      %get3A_54 = tpu.vector_load %arg9[%get3A_52, %get3A_53] {strides = array<i32>} : memref<40x128xi32, #tpu.memory_space<vmem>>, vector<16xi32>,
      %gather3A_55 = tpu.vector_load_idx %arg11[%get3A_54] : memref<10240xf32, #tpu.memory_space<vmem>>[vector<16xi32>], vector<16xf32>,
      %swap3A_56 = arith.index_cast %scan3A_40 : i32 to index
      %swap3A_57 = arith.constant 32 : index
      %swap3A_58 = tpu.vector_load %arg12[%swap3A_56, %swap3A_57] {strides = array<i32>} : memref<40x128xf32, #tpu.memory_space<vmem>>, vector<16xf32>,
      tpu.vector_store %arg12[%swap3A_56, %swap3A_57], %gather3A_55 {strides = array<i32>} : memref<40x128xf32, #tpu.memory_space<vmem>>, vector<16xf32>,
      %get3A_59 = arith.index_cast %scan3A_40 : i32 to index
      %get3A_60 = arith.constant 48 : index
      %get3A_61 = tpu.vector_load %arg9[%get3A_59, %get3A_60] {strides = array<i32>} : memref<40x128xi32, #tpu.memory_space<vmem>>, vector<16xi32>,
      %gather3A_62 = tpu.vector_load_idx %arg11[%get3A_61] : memref<10240xf32, #tpu.memory_space<vmem>>[vector<16xi32>], vector<16xf32>,
      %swap3A_63 = arith.index_cast %scan3A_40 : i32 to index
      %swap3A_64 = arith.constant 48 : index
      %swap3A_65 = tpu.vector_load %arg12[%swap3A_63, %swap3A_64] {strides = array<i32>} : memref<40x128xf32, #tpu.memory_space<vmem>>, vector<16xf32>,
      tpu.vector_store %arg12[%swap3A_63, %swap3A_64], %gather3A_62 {strides = array<i32>} : memref<40x128xf32, #tpu.memory_space<vmem>>, vector<16xf32>,
      %get3A_66 = arith.index_cast %scan3A_40 : i32 to index
      %get3A_67 = arith.constant 64 : index
      %get3A_68 = tpu.vector_load %arg9[%get3A_66, %get3A_67] {strides = array<i32>} : memref<40x128xi32, #tpu.memory_space<vmem>>, vector<16xi32>,
      %gather3A_69 = tpu.vector_load_idx %arg11[%get3A_68] : memref<10240xf32, #tpu.memory_space<vmem>>[vector<16xi32>], vector<16xf32>,
      %swap3A_70 = arith.index_cast %scan3A_40 : i32 to index
      %swap3A_71 = arith.constant 64 : index
      %swap3A_72 = tpu.vector_load %arg12[%swap3A_70, %swap3A_71] {strides = array<i32>} : memref<40x128xf32, #tpu.memory_space<vmem>>, vector<16xf32>,
      tpu.vector_store %arg12[%swap3A_70, %swap3A_71], %gather3A_69 {strides = array<i32>} : memref<40x128xf32, #tpu.memory_space<vmem>>, vector<16xf32>,
      %get3A_73 = arith.index_cast %scan3A_40 : i32 to index
      %get3A_74 = arith.constant 80 : index
      %get3A_75 = tpu.vector_load %arg9[%get3A_73, %get3A_74] {strides = array<i32>} : memref<40x128xi32, #tpu.memory_space<vmem>>, vector<16xi32>,
      %gather3A_76 = tpu.vector_load_idx %arg11[%get3A_75] : memref<10240xf32, #tpu.memory_space<vmem>>[vector<16xi32>], vector<16xf32>,
      %swap3A_77 = arith.index_cast %scan3A_40 : i32 to index
      %swap3A_78 = arith.constant 80 : index
      %swap3A_79 = tpu.vector_load %arg12[%swap3A_77, %swap3A_78] {strides = array<i32>} : memref<40x128xf32, #tpu.memory_space<vmem>>, vector<16xf32>,
      tpu.vector_store %arg12[%swap3A_77, %swap3A_78], %gather3A_76 {strides = array<i32>} : memref<40x128xf32, #tpu.memory_space<vmem>>, vector<16xf32>,
      %get3A_80 = arith.index_cast %scan3A_40 : i32 to index
      %get3A_81 = arith.constant 96 : index
      %get3A_82 = tpu.vector_load %arg9[%get3A_80, %get3A_81] {strides = array<i32>} : memref<40x128xi32, #tpu.memory_space<vmem>>, vector<16xi32>,
      %gather3A_83 = tpu.vector_load_idx %arg11[%get3A_82] : memref<10240xf32, #tpu.memory_space<vmem>>[vector<16xi32>], vector<16xf32>,
      %swap3A_84 = arith.index_cast %scan3A_40 : i32 to index
      %swap3A_85 = arith.constant 96 : index
      %swap3A_86 = tpu.vector_load %arg12[%swap3A_84, %swap3A_85] {strides = array<i32>} : memref<40x128xf32, #tpu.memory_space<vmem>>, vector<16xf32>,
      tpu.vector_store %arg12[%swap3A_84, %swap3A_85], %gather3A_83 {strides = array<i32>} : memref<40x128xf32, #tpu.memory_space<vmem>>, vector<16xf32>,
      %get3A_87 = arith.index_cast %scan3A_40 : i32 to index
      %get3A_88 = arith.constant 112 : index
      %get3A_89 = tpu.vector_load %arg9[%get3A_87, %get3A_88] {strides = array<i32>} : memref<40x128xi32, #tpu.memory_space<vmem>>, vector<16xi32>,
      %gather3A_90 = tpu.vector_load_idx %arg11[%get3A_89] : memref<10240xf32, #tpu.memory_space<vmem>>[vector<16xi32>], vector<16xf32>,
      %swap3A_91 = arith.index_cast %scan3A_40 : i32 to index
      %swap3A_92 = arith.constant 112 : index
      %swap3A_93 = tpu.vector_load %arg12[%swap3A_91, %swap3A_92] {strides = array<i32>} : memref<40x128xf32, #tpu.memory_space<vmem>>, vector<16xf32>,
      tpu.vector_store %arg12[%swap3A_91, %swap3A_92], %gather3A_90 {strides = array<i32>} : memref<40x128xf32, #tpu.memory_space<vmem>>, vector<16xf32>,
      %dma_start3A = arith.constant 0 : i32
      %dma_start3A_94 = tpu.memref_slice %arg12[%scan3A_40, %dma_start3A] : memref<40x128xf32, #tpu.memory_space<vmem>> -> memref<1x128xf32, #tpu.memory_space<vmem>>
      %dma_start3A_95 = tpu.memref_squeeze %dma_start3A_94 : memref<1x128xf32, #tpu.memory_space<vmem>> -> memref<128xf32, #tpu.memory_space<vmem>>
      %dma_start3A_96 = arith.constant 0 : i32
      %dma_start3A_97 = tpu.memref_slice %arg10[%scan3A_40, %dma_start3A_96] : memref<40x128xi32, #tpu.memory_space<vmem>> -> memref<1x128xi32, #tpu.memory_space<vmem>>
      %dma_start3A_98 = tpu.memref_squeeze %dma_start3A_97 : memref<1x128xi32, #tpu.memory_space<vmem>> -> memref<128xi32, #tpu.memory_space<vmem>>
      %dma_start3A_99 = arith.constant 0 : i32
      %dma_start3A_100 = tpu.memref_slice %arg13[%dma_start3A_99] : memref<10240xf32, #tpu.memory_space<vmem_shared>> -> memref<10240xf32, #tpu.memory_space<vmem_shared>>
      tpu.enqueue_indirect_dma source(%dma_start3A_95 : memref<128xf32, #tpu.memory_space<vmem>>) target(%dma_start3A_100 : memref<10240xf32, #tpu.memory_space<vmem_shared>>) offsets(%dma_start3A_98 : memref<128xi32, #tpu.memory_space<vmem>>) semaphore(%arg15 : memref<!tpu.dma_semaphore, #tpu.memory_space<semaphore_mem>>) {add = true}
    }
    %scan3A_9 = arith.constant 40 : i32
    %scan3A_10 = arith.constant 0 : i32
    %scan3A_11 = arith.constant 0 : i32
    %scan3A_12 = arith.constant 40 : i32
    %scan3A_13 = arith.addi %scan3A_11, %scan3A_12 : i32
    %scan3A_14 = arith.constant 1 : i32
    scf.for %scan3A_40 = %scan3A_11 to %scan3A_13 step %scan3A_14  : i32 {
      %dma_wait3A = arith.constant 0 : i32
      %dma_wait3A_41 = tpu.memref_slice %arg12[%scan3A_40, %dma_wait3A] : memref<40x128xf32, #tpu.memory_space<vmem>> -> memref<1x128xf32, #tpu.memory_space<vmem>>
      %dma_wait3A_42 = tpu.memref_squeeze %dma_wait3A_41 : memref<1x128xf32, #tpu.memory_space<vmem>> -> memref<128xf32, #tpu.memory_space<vmem>>
      %dma_wait3A_43 = arith.constant 0 : i32
      %dma_wait3A_44 = tpu.memref_slice %arg10[%scan3A_40, %dma_wait3A_43] : memref<40x128xi32, #tpu.memory_space<vmem>> -> memref<1x128xi32, #tpu.memory_space<vmem>>
      %dma_wait3A_45 = tpu.memref_squeeze %dma_wait3A_44 : memref<1x128xi32, #tpu.memory_space<vmem>> -> memref<128xi32, #tpu.memory_space<vmem>>
      %dma_wait3A_46 = arith.constant 0 : i32
      %dma_wait3A_47 = tpu.memref_slice %arg13[%dma_wait3A_46] : memref<10240xf32, #tpu.memory_space<vmem_shared>> -> memref<10240xf32, #tpu.memory_space<vmem_shared>>
      tpu.wait_indirect_dma semaphore(%arg15 : memref<!tpu.dma_semaphore, #tpu.memory_space<semaphore_mem>>) src(%dma_wait3A_42 : memref<128xf32, #tpu.memory_space<vmem>>) dst(%dma_wait3A_47 : memref<10240xf32, #tpu.memory_space<vmem_shared>>)
    }
    %scan3A_15 = arith.constant 40 : i32
    %run_scoped3A_16 = arith.constant 1 : i32
    "tpu.region"() ({
      %run_scoped3A_40 = tpu.sem_alloc : memref<!tpu.dma_semaphore, #tpu.memory_space<semaphore_mem>>
      %dma_start3A = arith.constant 0 : i32
      %dma_start3A_41 = tpu.memref_slice %arg6[%run_scoped3A_16, %dma_start3A] : memref<2x10240xf32, #tpu.memory_space<hbm>> -> memref<1x10240xf32, #tpu.memory_space<hbm>>
      %dma_start3A_42 = tpu.memref_squeeze %dma_start3A_41 : memref<1x10240xf32, #tpu.memory_space<hbm>> -> memref<10240xf32, #tpu.memory_space<hbm>>
      %dma_start3A_43 = arith.constant 0 : i32
      %dma_start3A_44 = tpu.memref_slice %arg6[%run_scoped3A_16, %dma_start3A_43] : memref<2x10240xf32, #tpu.memory_space<hbm>> -> memref<1x10240xf32, #tpu.memory_space<hbm>>
      %dma_start3A_45 = tpu.memref_squeeze %dma_start3A_44 : memref<1x10240xf32, #tpu.memory_space<hbm>> -> memref<10240xf32, #tpu.memory_space<hbm>>
      tpu.enqueue_dma source(%dma_start3A_45 : memref<10240xf32, #tpu.memory_space<hbm>>) target(%arg11 : memref<10240xf32, #tpu.memory_space<vmem>>) target_semaphore(%run_scoped3A_40 : memref<!tpu.dma_semaphore, #tpu.memory_space<semaphore_mem>>)
      %dma_wait3A = arith.constant 0 : i32
      %dma_wait3A_46 = tpu.memref_slice %arg6[%run_scoped3A_16, %dma_wait3A] : memref<2x10240xf32, #tpu.memory_space<hbm>> -> memref<1x10240xf32, #tpu.memory_space<hbm>>
      %dma_wait3A_47 = tpu.memref_squeeze %dma_wait3A_46 : memref<1x10240xf32, #tpu.memory_space<hbm>> -> memref<10240xf32, #tpu.memory_space<hbm>>
      %dma_wait3A_48 = arith.constant 0 : i32
      %dma_wait3A_49 = tpu.memref_slice %arg6[%run_scoped3A_16, %dma_wait3A_48] : memref<2x10240xf32, #tpu.memory_space<hbm>> -> memref<1x10240xf32, #tpu.memory_space<hbm>>
      %dma_wait3A_50 = tpu.memref_squeeze %dma_wait3A_49 : memref<1x10240xf32, #tpu.memory_space<hbm>> -> memref<10240xf32, #tpu.memory_space<hbm>>
      tpu.wait_dma2 semaphore(%run_scoped3A_40 : memref<!tpu.dma_semaphore, #tpu.memory_space<semaphore_mem>>) src(%dma_wait3A_50 : memref<10240xf32, #tpu.memory_space<hbm>>) dst(%arg11 : memref<10240xf32, #tpu.memory_space<vmem>>)
      tpu.yield
    }) : () -> ()
    "tpu.region"() ({
      %run_scoped3A_40 = tpu.sem_alloc : memref<!tpu.dma_semaphore, #tpu.memory_space<semaphore_mem>>
      %dma_start3A = arith.constant 0 : i32
      %dma_start3A_41 = arith.constant 0 : i32
      %dma_start3A_42 = tpu.memref_slice %arg4[%add3A, %dma_start3A, %dma_start3A_41] : memref<32x40x128xi32, #tpu.memory_space<hbm>> -> memref<1x40x128xi32, #tpu.memory_space<hbm>>
      %dma_start3A_43 = tpu.memref_squeeze %dma_start3A_42 : memref<1x40x128xi32, #tpu.memory_space<hbm>> -> memref<40x128xi32, #tpu.memory_space<hbm>>
      %dma_start3A_44 = arith.constant 0 : i32
      %dma_start3A_45 = arith.constant 0 : i32
      %dma_start3A_46 = tpu.memref_slice %arg4[%add3A, %dma_start3A_44, %dma_start3A_45] : memref<32x40x128xi32, #tpu.memory_space<hbm>> -> memref<1x40x128xi32, #tpu.memory_space<hbm>>
      %dma_start3A_47 = tpu.memref_squeeze %dma_start3A_46 : memref<1x40x128xi32, #tpu.memory_space<hbm>> -> memref<40x128xi32, #tpu.memory_space<hbm>>
      tpu.enqueue_dma source(%dma_start3A_47 : memref<40x128xi32, #tpu.memory_space<hbm>>) target(%arg9 : memref<40x128xi32, #tpu.memory_space<vmem>>) target_semaphore(%run_scoped3A_40 : memref<!tpu.dma_semaphore, #tpu.memory_space<semaphore_mem>>)
      %dma_wait3A = arith.constant 0 : i32
      %dma_wait3A_48 = arith.constant 0 : i32
      %dma_wait3A_49 = tpu.memref_slice %arg4[%add3A, %dma_wait3A, %dma_wait3A_48] : memref<32x40x128xi32, #tpu.memory_space<hbm>> -> memref<1x40x128xi32, #tpu.memory_space<hbm>>
      %dma_wait3A_50 = tpu.memref_squeeze %dma_wait3A_49 : memref<1x40x128xi32, #tpu.memory_space<hbm>> -> memref<40x128xi32, #tpu.memory_space<hbm>>
      %dma_wait3A_51 = arith.constant 0 : i32
      %dma_wait3A_52 = arith.constant 0 : i32
      %dma_wait3A_53 = tpu.memref_slice %arg4[%add3A, %dma_wait3A_51, %dma_wait3A_52] : memref<32x40x128xi32, #tpu.memory_space<hbm>> -> memref<1x40x128xi32, #tpu.memory_space<hbm>>
      %dma_wait3A_54 = tpu.memref_squeeze %dma_wait3A_53 : memref<1x40x128xi32, #tpu.memory_space<hbm>> -> memref<40x128xi32, #tpu.memory_space<hbm>>
      tpu.wait_dma2 semaphore(%run_scoped3A_40 : memref<!tpu.dma_semaphore, #tpu.memory_space<semaphore_mem>>) src(%dma_wait3A_54 : memref<40x128xi32, #tpu.memory_space<hbm>>) dst(%arg9 : memref<40x128xi32, #tpu.memory_space<vmem>>)
      tpu.yield
    }) : () -> ()
    "tpu.region"() ({
      %run_scoped3A_40 = tpu.sem_alloc : memref<!tpu.dma_semaphore, #tpu.memory_space<semaphore_mem>>
      %dma_start3A = arith.constant 0 : i32
      %dma_start3A_41 = arith.constant 0 : i32
      %dma_start3A_42 = tpu.memref_slice %arg5[%add3A, %dma_start3A, %dma_start3A_41] : memref<32x40x128xi32, #tpu.memory_space<hbm>> -> memref<1x40x128xi32, #tpu.memory_space<hbm>>
      %dma_start3A_43 = tpu.memref_squeeze %dma_start3A_42 : memref<1x40x128xi32, #tpu.memory_space<hbm>> -> memref<40x128xi32, #tpu.memory_space<hbm>>
      %dma_start3A_44 = arith.constant 0 : i32
      %dma_start3A_45 = arith.constant 0 : i32
      %dma_start3A_46 = tpu.memref_slice %arg5[%add3A, %dma_start3A_44, %dma_start3A_45] : memref<32x40x128xi32, #tpu.memory_space<hbm>> -> memref<1x40x128xi32, #tpu.memory_space<hbm>>
      %dma_start3A_47 = tpu.memref_squeeze %dma_start3A_46 : memref<1x40x128xi32, #tpu.memory_space<hbm>> -> memref<40x128xi32, #tpu.memory_space<hbm>>
      tpu.enqueue_dma source(%dma_start3A_47 : memref<40x128xi32, #tpu.memory_space<hbm>>) target(%arg10 : memref<40x128xi32, #tpu.memory_space<vmem>>) target_semaphore(%run_scoped3A_40 : memref<!tpu.dma_semaphore, #tpu.memory_space<semaphore_mem>>)
      %dma_wait3A = arith.constant 0 : i32
      %dma_wait3A_48 = arith.constant 0 : i32
      %dma_wait3A_49 = tpu.memref_slice %arg5[%add3A, %dma_wait3A, %dma_wait3A_48] : memref<32x40x128xi32, #tpu.memory_space<hbm>> -> memref<1x40x128xi32, #tpu.memory_space<hbm>>
      %dma_wait3A_50 = tpu.memref_squeeze %dma_wait3A_49 : memref<1x40x128xi32, #tpu.memory_space<hbm>> -> memref<40x128xi32, #tpu.memory_space<hbm>>
      %dma_wait3A_51 = arith.constant 0 : i32
      %dma_wait3A_52 = arith.constant 0 : i32
      %dma_wait3A_53 = tpu.memref_slice %arg5[%add3A, %dma_wait3A_51, %dma_wait3A_52] : memref<32x40x128xi32, #tpu.memory_space<hbm>> -> memref<1x40x128xi32, #tpu.memory_space<hbm>>
      %dma_wait3A_54 = tpu.memref_squeeze %dma_wait3A_53 : memref<1x40x128xi32, #tpu.memory_space<hbm>> -> memref<40x128xi32, #tpu.memory_space<hbm>>
      tpu.wait_dma2 semaphore(%run_scoped3A_40 : memref<!tpu.dma_semaphore, #tpu.memory_space<semaphore_mem>>) src(%dma_wait3A_54 : memref<40x128xi32, #tpu.memory_space<hbm>>) dst(%arg10 : memref<40x128xi32, #tpu.memory_space<vmem>>)
      tpu.yield
    }) : () -> ()
    %scan3A_17 = arith.constant 0 : i32
    %scan3A_18 = arith.constant 0 : i32
    %scan3A_19 = arith.constant 40 : i32
    %scan3A_20 = arith.addi %scan3A_18, %scan3A_19 : i32
    %scan3A_21 = arith.constant 1 : i32
    scf.for %scan3A_40 = %scan3A_18 to %scan3A_20 step %scan3A_21  : i32 {
      %get3A = arith.index_cast %scan3A_40 : i32 to index
      %get3A_41 = arith.constant 0 : index
      %get3A_42 = tpu.vector_load %arg9[%get3A, %get3A_41] {strides = array<i32>} : memref<40x128xi32, #tpu.memory_space<vmem>>, vector<16xi32>,
      %gather3A = tpu.vector_load_idx %arg11[%get3A_42] : memref<10240xf32, #tpu.memory_space<vmem>>[vector<16xi32>], vector<16xf32>,
      %swap3A = arith.index_cast %scan3A_40 : i32 to index
      %swap3A_43 = arith.constant 0 : index
      %swap3A_44 = tpu.vector_load %arg12[%swap3A, %swap3A_43] {strides = array<i32>} : memref<40x128xf32, #tpu.memory_space<vmem>>, vector<16xf32>,
      tpu.vector_store %arg12[%swap3A, %swap3A_43], %gather3A {strides = array<i32>} : memref<40x128xf32, #tpu.memory_space<vmem>>, vector<16xf32>,
      %get3A_45 = arith.index_cast %scan3A_40 : i32 to index
      %get3A_46 = arith.constant 16 : index
      %get3A_47 = tpu.vector_load %arg9[%get3A_45, %get3A_46] {strides = array<i32>} : memref<40x128xi32, #tpu.memory_space<vmem>>, vector<16xi32>,
      %gather3A_48 = tpu.vector_load_idx %arg11[%get3A_47] : memref<10240xf32, #tpu.memory_space<vmem>>[vector<16xi32>], vector<16xf32>,
      %swap3A_49 = arith.index_cast %scan3A_40 : i32 to index
      %swap3A_50 = arith.constant 16 : index
      %swap3A_51 = tpu.vector_load %arg12[%swap3A_49, %swap3A_50] {strides = array<i32>} : memref<40x128xf32, #tpu.memory_space<vmem>>, vector<16xf32>,
      tpu.vector_store %arg12[%swap3A_49, %swap3A_50], %gather3A_48 {strides = array<i32>} : memref<40x128xf32, #tpu.memory_space<vmem>>, vector<16xf32>,
      %get3A_52 = arith.index_cast %scan3A_40 : i32 to index
      %get3A_53 = arith.constant 32 : index
      %get3A_54 = tpu.vector_load %arg9[%get3A_52, %get3A_53] {strides = array<i32>} : memref<40x128xi32, #tpu.memory_space<vmem>>, vector<16xi32>,
      %gather3A_55 = tpu.vector_load_idx %arg11[%get3A_54] : memref<10240xf32, #tpu.memory_space<vmem>>[vector<16xi32>], vector<16xf32>,
      %swap3A_56 = arith.index_cast %scan3A_40 : i32 to index
      %swap3A_57 = arith.constant 32 : index
      %swap3A_58 = tpu.vector_load %arg12[%swap3A_56, %swap3A_57] {strides = array<i32>} : memref<40x128xf32, #tpu.memory_space<vmem>>, vector<16xf32>,
      tpu.vector_store %arg12[%swap3A_56, %swap3A_57], %gather3A_55 {strides = array<i32>} : memref<40x128xf32, #tpu.memory_space<vmem>>, vector<16xf32>,
      %get3A_59 = arith.index_cast %scan3A_40 : i32 to index
      %get3A_60 = arith.constant 48 : index
      %get3A_61 = tpu.vector_load %arg9[%get3A_59, %get3A_60] {strides = array<i32>} : memref<40x128xi32, #tpu.memory_space<vmem>>, vector<16xi32>,
      %gather3A_62 = tpu.vector_load_idx %arg11[%get3A_61] : memref<10240xf32, #tpu.memory_space<vmem>>[vector<16xi32>], vector<16xf32>,
      %swap3A_63 = arith.index_cast %scan3A_40 : i32 to index
      %swap3A_64 = arith.constant 48 : index
      %swap3A_65 = tpu.vector_load %arg12[%swap3A_63, %swap3A_64] {strides = array<i32>} : memref<40x128xf32, #tpu.memory_space<vmem>>, vector<16xf32>,
      tpu.vector_store %arg12[%swap3A_63, %swap3A_64], %gather3A_62 {strides = array<i32>} : memref<40x128xf32, #tpu.memory_space<vmem>>, vector<16xf32>,
      %get3A_66 = arith.index_cast %scan3A_40 : i32 to index
      %get3A_67 = arith.constant 64 : index
      %get3A_68 = tpu.vector_load %arg9[%get3A_66, %get3A_67] {strides = array<i32>} : memref<40x128xi32, #tpu.memory_space<vmem>>, vector<16xi32>,
      %gather3A_69 = tpu.vector_load_idx %arg11[%get3A_68] : memref<10240xf32, #tpu.memory_space<vmem>>[vector<16xi32>], vector<16xf32>,
      %swap3A_70 = arith.index_cast %scan3A_40 : i32 to index
      %swap3A_71 = arith.constant 64 : index
      %swap3A_72 = tpu.vector_load %arg12[%swap3A_70, %swap3A_71] {strides = array<i32>} : memref<40x128xf32, #tpu.memory_space<vmem>>, vector<16xf32>,
      tpu.vector_store %arg12[%swap3A_70, %swap3A_71], %gather3A_69 {strides = array<i32>} : memref<40x128xf32, #tpu.memory_space<vmem>>, vector<16xf32>,
      %get3A_73 = arith.index_cast %scan3A_40 : i32 to index
      %get3A_74 = arith.constant 80 : index
      %get3A_75 = tpu.vector_load %arg9[%get3A_73, %get3A_74] {strides = array<i32>} : memref<40x128xi32, #tpu.memory_space<vmem>>, vector<16xi32>,
      %gather3A_76 = tpu.vector_load_idx %arg11[%get3A_75] : memref<10240xf32, #tpu.memory_space<vmem>>[vector<16xi32>], vector<16xf32>,
      %swap3A_77 = arith.index_cast %scan3A_40 : i32 to index
      %swap3A_78 = arith.constant 80 : index
      %swap3A_79 = tpu.vector_load %arg12[%swap3A_77, %swap3A_78] {strides = array<i32>} : memref<40x128xf32, #tpu.memory_space<vmem>>, vector<16xf32>,
      tpu.vector_store %arg12[%swap3A_77, %swap3A_78], %gather3A_76 {strides = array<i32>} : memref<40x128xf32, #tpu.memory_space<vmem>>, vector<16xf32>,
      %get3A_80 = arith.index_cast %scan3A_40 : i32 to index
      %get3A_81 = arith.constant 96 : index
      %get3A_82 = tpu.vector_load %arg9[%get3A_80, %get3A_81] {strides = array<i32>} : memref<40x128xi32, #tpu.memory_space<vmem>>, vector<16xi32>,
      %gather3A_83 = tpu.vector_load_idx %arg11[%get3A_82] : memref<10240xf32, #tpu.memory_space<vmem>>[vector<16xi32>], vector<16xf32>,
      %swap3A_84 = arith.index_cast %scan3A_40 : i32 to index
      %swap3A_85 = arith.constant 96 : index
      %swap3A_86 = tpu.vector_load %arg12[%swap3A_84, %swap3A_85] {strides = array<i32>} : memref<40x128xf32, #tpu.memory_space<vmem>>, vector<16xf32>,
      tpu.vector_store %arg12[%swap3A_84, %swap3A_85], %gather3A_83 {strides = array<i32>} : memref<40x128xf32, #tpu.memory_space<vmem>>, vector<16xf32>,
      %get3A_87 = arith.index_cast %scan3A_40 : i32 to index
      %get3A_88 = arith.constant 112 : index
      %get3A_89 = tpu.vector_load %arg9[%get3A_87, %get3A_88] {strides = array<i32>} : memref<40x128xi32, #tpu.memory_space<vmem>>, vector<16xi32>,
      %gather3A_90 = tpu.vector_load_idx %arg11[%get3A_89] : memref<10240xf32, #tpu.memory_space<vmem>>[vector<16xi32>], vector<16xf32>,
      %swap3A_91 = arith.index_cast %scan3A_40 : i32 to index
      %swap3A_92 = arith.constant 112 : index
      %swap3A_93 = tpu.vector_load %arg12[%swap3A_91, %swap3A_92] {strides = array<i32>} : memref<40x128xf32, #tpu.memory_space<vmem>>, vector<16xf32>,
      tpu.vector_store %arg12[%swap3A_91, %swap3A_92], %gather3A_90 {strides = array<i32>} : memref<40x128xf32, #tpu.memory_space<vmem>>, vector<16xf32>,
      %dma_start3A = arith.constant 0 : i32
      %dma_start3A_94 = tpu.memref_slice %arg12[%scan3A_40, %dma_start3A] : memref<40x128xf32, #tpu.memory_space<vmem>> -> memref<1x128xf32, #tpu.memory_space<vmem>>
      %dma_start3A_95 = tpu.memref_squeeze %dma_start3A_94 : memref<1x128xf32, #tpu.memory_space<vmem>> -> memref<128xf32, #tpu.memory_space<vmem>>
      %dma_start3A_96 = arith.constant 0 : i32
      %dma_start3A_97 = tpu.memref_slice %arg10[%scan3A_40, %dma_start3A_96] : memref<40x128xi32, #tpu.memory_space<vmem>> -> memref<1x128xi32, #tpu.memory_space<vmem>>
      %dma_start3A_98 = tpu.memref_squeeze %dma_start3A_97 : memref<1x128xi32, #tpu.memory_space<vmem>> -> memref<128xi32, #tpu.memory_space<vmem>>
      %dma_start3A_99 = arith.constant 0 : i32
      %dma_start3A_100 = tpu.memref_slice %arg14[%dma_start3A_99] : memref<10240xf32, #tpu.memory_space<vmem_shared>> -> memref<10240xf32, #tpu.memory_space<vmem_shared>>
      tpu.enqueue_indirect_dma source(%dma_start3A_95 : memref<128xf32, #tpu.memory_space<vmem>>) target(%dma_start3A_100 : memref<10240xf32, #tpu.memory_space<vmem_shared>>) offsets(%dma_start3A_98 : memref<128xi32, #tpu.memory_space<vmem>>) semaphore(%arg15 : memref<!tpu.dma_semaphore, #tpu.memory_space<semaphore_mem>>) {add = true}
    }
    %scan3A_22 = arith.constant 40 : i32
    %scan3A_23 = arith.constant 0 : i32
    %scan3A_24 = arith.constant 0 : i32
    %scan3A_25 = arith.constant 40 : i32
    %scan3A_26 = arith.addi %scan3A_24, %scan3A_25 : i32
    %scan3A_27 = arith.constant 1 : i32
    scf.for %scan3A_40 = %scan3A_24 to %scan3A_26 step %scan3A_27  : i32 {
      %dma_wait3A = arith.constant 0 : i32
      %dma_wait3A_41 = tpu.memref_slice %arg12[%scan3A_40, %dma_wait3A] : memref<40x128xf32, #tpu.memory_space<vmem>> -> memref<1x128xf32, #tpu.memory_space<vmem>>
      %dma_wait3A_42 = tpu.memref_squeeze %dma_wait3A_41 : memref<1x128xf32, #tpu.memory_space<vmem>> -> memref<128xf32, #tpu.memory_space<vmem>>
      %dma_wait3A_43 = arith.constant 0 : i32
      %dma_wait3A_44 = tpu.memref_slice %arg10[%scan3A_40, %dma_wait3A_43] : memref<40x128xi32, #tpu.memory_space<vmem>> -> memref<1x128xi32, #tpu.memory_space<vmem>>
      %dma_wait3A_45 = tpu.memref_squeeze %dma_wait3A_44 : memref<1x128xi32, #tpu.memory_space<vmem>> -> memref<128xi32, #tpu.memory_space<vmem>>
      %dma_wait3A_46 = arith.constant 0 : i32
      %dma_wait3A_47 = tpu.memref_slice %arg14[%dma_wait3A_46] : memref<10240xf32, #tpu.memory_space<vmem_shared>> -> memref<10240xf32, #tpu.memory_space<vmem_shared>>
      tpu.wait_indirect_dma semaphore(%arg15 : memref<!tpu.dma_semaphore, #tpu.memory_space<semaphore_mem>>) src(%dma_wait3A_42 : memref<128xf32, #tpu.memory_space<vmem>>) dst(%dma_wait3A_47 : memref<10240xf32, #tpu.memory_space<vmem_shared>>)
    }
    %scan3A_28 = arith.constant 40 : i32
    %barrier3A_29 = arith.constant 0 : index
    tpu.barrier barrier_id(%barrier3A_29)
    %mul3A_30 = arith.constant 640 : i32
    %mul3A_31 = arith.muli %arg1, %mul3A_30 : i32
    %mul3A_32 = arith.constant 640 : i32
    %mul3A_33 = arith.muli %arg1, %mul3A_32 : i32
    %run_scoped3A_34 = arith.constant 0 : i32
    "tpu.region"() ({
      %run_scoped3A_40 = tpu.sem_alloc : memref<!tpu.dma_semaphore, #tpu.memory_space<semaphore_mem>>
      %dma_start3A = tpu.memref_slice %arg8[%run_scoped3A_34, %arg0, %mul3A_33] : memref<2x2x10240xf32, #tpu.memory_space<hbm>> -> memref<1x1x640xf32, #tpu.memory_space<hbm>>
      %dma_start3A_41 = tpu.memref_squeeze %dma_start3A : memref<1x1x640xf32, #tpu.memory_space<hbm>> -> memref<640xf32, #tpu.memory_space<hbm>>
      %dma_start3A_42 = tpu.memref_slice %arg13[%mul3A_31] : memref<10240xf32, #tpu.memory_space<vmem_shared>> -> memref<640xf32, #tpu.memory_space<vmem_shared>>
      tpu.enqueue_dma source(%dma_start3A_42 : memref<640xf32, #tpu.memory_space<vmem_shared>>) target(%dma_start3A_41 : memref<640xf32, #tpu.memory_space<hbm>>) target_semaphore(%run_scoped3A_40 : memref<!tpu.dma_semaphore, #tpu.memory_space<semaphore_mem>>)
      %dma_wait3A = tpu.memref_slice %arg8[%run_scoped3A_34, %arg0, %mul3A_33] : memref<2x2x10240xf32, #tpu.memory_space<hbm>> -> memref<1x1x640xf32, #tpu.memory_space<hbm>>
      %dma_wait3A_43 = tpu.memref_squeeze %dma_wait3A : memref<1x1x640xf32, #tpu.memory_space<hbm>> -> memref<640xf32, #tpu.memory_space<hbm>>
      %dma_wait3A_44 = tpu.memref_slice %arg13[%mul3A_31] : memref<10240xf32, #tpu.memory_space<vmem_shared>> -> memref<640xf32, #tpu.memory_space<vmem_shared>>
      tpu.wait_dma2 semaphore(%run_scoped3A_40 : memref<!tpu.dma_semaphore, #tpu.memory_space<semaphore_mem>>) src(%dma_wait3A_44 : memref<640xf32, #tpu.memory_space<vmem_shared>>) dst(%dma_wait3A_43 : memref<640xf32, #tpu.memory_space<hbm>>)
      tpu.yield
    }) : () -> ()
    %mul3A_35 = arith.constant 640 : i32
    %mul3A_36 = arith.muli %arg1, %mul3A_35 : i32
    %mul3A_37 = arith.constant 640 : i32
    %mul3A_38 = arith.muli %arg1, %mul3A_37 : i32
    %run_scoped3A_39 = arith.constant 1 : i32
    "tpu.region"() ({
      %run_scoped3A_40 = tpu.sem_alloc : memref<!tpu.dma_semaphore, #tpu.memory_space<semaphore_mem>>
      %dma_start3A = tpu.memref_slice %arg8[%run_scoped3A_39, %arg0, %mul3A_38] : memref<2x2x10240xf32, #tpu.memory_space<hbm>> -> memref<1x1x640xf32, #tpu.memory_space<hbm>>
      %dma_start3A_41 = tpu.memref_squeeze %dma_start3A : memref<1x1x640xf32, #tpu.memory_space<hbm>> -> memref<640xf32, #tpu.memory_space<hbm>>
      %dma_start3A_42 = tpu.memref_slice %arg14[%mul3A_36] : memref<10240xf32, #tpu.memory_space<vmem_shared>> -> memref<640xf32, #tpu.memory_space<vmem_shared>>
      tpu.enqueue_dma source(%dma_start3A_42 : memref<640xf32, #tpu.memory_space<vmem_shared>>) target(%dma_start3A_41 : memref<640xf32, #tpu.memory_space<hbm>>) target_semaphore(%run_scoped3A_40 : memref<!tpu.dma_semaphore, #tpu.memory_space<semaphore_mem>>)
      %dma_wait3A = tpu.memref_slice %arg8[%run_scoped3A_39, %arg0, %mul3A_38] : memref<2x2x10240xf32, #tpu.memory_space<hbm>> -> memref<1x1x640xf32, #tpu.memory_space<hbm>>
      %dma_wait3A_43 = tpu.memref_squeeze %dma_wait3A : memref<1x1x640xf32, #tpu.memory_space<hbm>> -> memref<640xf32, #tpu.memory_space<hbm>>
      %dma_wait3A_44 = tpu.memref_slice %arg14[%mul3A_36] : memref<10240xf32, #tpu.memory_space<vmem_shared>> -> memref<640xf32, #tpu.memory_space<vmem_shared>>
      tpu.wait_dma2 semaphore(%run_scoped3A_40 : memref<!tpu.dma_semaphore, #tpu.memory_space<semaphore_mem>>) src(%dma_wait3A_44 : memref<640xf32, #tpu.memory_space<vmem_shared>>) dst(%dma_wait3A_43 : memref<640xf32, #tpu.memory_space<hbm>>)
      tpu.yield
    }) : () -> ()
    return
  }
}

#map = affine_map<(d0, d1) -> (0, 0, 0)>
#map1 = affine_map<(d0, d1) -> (0)>
module attributes {stable_mosaic.version = 14 : i64} {
  func.func @_sc_degrees(%arg0: i32, %arg1: i32, %arg2: memref<32x40x128xi32, #tpu.memory_space<hbm>>, %arg3: memref<32x40x128xi32, #tpu.memory_space<hbm>>, %arg4: memref<128xf32, #tpu.memory_space<hbm>>, %arg5: memref<17536xf32, #tpu.memory_space<hbm>>, %arg6: memref<2x2x10240xf32, #tpu.memory_space<hbm>>, %arg7: memref<40x128xi32, #tpu.memory_space<vmem>>, %arg8: memref<128xf32, #tpu.memory_space<vmem>>, %arg9: memref<10240xf32, #tpu.memory_space<vmem_shared>>, %arg10: memref<10240xf32, #tpu.memory_space<vmem_shared>>, %arg11: memref<!tpu.dma_semaphore, #tpu.memory_space<semaphore_mem>>) attributes {dimension_semantics = [#tpu.dimension_semantics<core_parallel>, #tpu.dimension_semantics<subcore_parallel>], iteration_bounds = array<i64: 2, 16>, scalar_prefetch = 0 : i64, scratch_operands = 5 : i64, tpu.core_type = #tpu.core_type<sc_vector_subcore>, window_params = [{transform_indices = #map}, {transform_indices = #map}, {transform_indices = #map1}, {transform_indices = #map1}, {transform_indices = #map}]} {
    %mul3A = arith.constant 2 : i32
    %mul3A_0 = arith.muli %arg1, %mul3A : i32
    %add3A = arith.addi %mul3A_0, %arg0 : i32
    %mul3A_1 = arith.constant 640 : i32
    %mul3A_2 = arith.muli %arg1, %mul3A_1 : i32
    "tpu.region"() ({
      %run_scoped3A_38 = tpu.sem_alloc : memref<!tpu.dma_semaphore, #tpu.memory_space<semaphore_mem>>
      %dma_start3A = tpu.memref_slice %arg9[%mul3A_2] : memref<10240xf32, #tpu.memory_space<vmem_shared>> -> memref<640xf32, #tpu.memory_space<vmem_shared>>
      %dma_start3A_39 = arith.constant 0 : i32
      %dma_start3A_40 = tpu.memref_slice %arg5[%dma_start3A_39] : memref<17536xf32, #tpu.memory_space<hbm>> -> memref<640xf32, #tpu.memory_space<hbm>>
      tpu.enqueue_dma source(%dma_start3A_40 : memref<640xf32, #tpu.memory_space<hbm>>) target(%dma_start3A : memref<640xf32, #tpu.memory_space<vmem_shared>>) target_semaphore(%run_scoped3A_38 : memref<!tpu.dma_semaphore, #tpu.memory_space<semaphore_mem>>)
      %dma_wait3A = tpu.memref_slice %arg9[%mul3A_2] : memref<10240xf32, #tpu.memory_space<vmem_shared>> -> memref<640xf32, #tpu.memory_space<vmem_shared>>
      %dma_wait3A_41 = arith.constant 0 : i32
      %dma_wait3A_42 = tpu.memref_slice %arg5[%dma_wait3A_41] : memref<17536xf32, #tpu.memory_space<hbm>> -> memref<640xf32, #tpu.memory_space<hbm>>
      tpu.wait_dma2 semaphore(%run_scoped3A_38 : memref<!tpu.dma_semaphore, #tpu.memory_space<semaphore_mem>>) src(%dma_wait3A_42 : memref<640xf32, #tpu.memory_space<hbm>>) dst(%dma_wait3A : memref<640xf32, #tpu.memory_space<vmem_shared>>)
      tpu.yield
    }) : () -> ()
    %mul3A_3 = arith.constant 640 : i32
    %mul3A_4 = arith.muli %arg1, %mul3A_3 : i32
    "tpu.region"() ({
      %run_scoped3A_38 = tpu.sem_alloc : memref<!tpu.dma_semaphore, #tpu.memory_space<semaphore_mem>>
      %dma_start3A = tpu.memref_slice %arg10[%mul3A_4] : memref<10240xf32, #tpu.memory_space<vmem_shared>> -> memref<640xf32, #tpu.memory_space<vmem_shared>>
      %dma_start3A_39 = arith.constant 0 : i32
      %dma_start3A_40 = tpu.memref_slice %arg5[%dma_start3A_39] : memref<17536xf32, #tpu.memory_space<hbm>> -> memref<640xf32, #tpu.memory_space<hbm>>
      tpu.enqueue_dma source(%dma_start3A_40 : memref<640xf32, #tpu.memory_space<hbm>>) target(%dma_start3A : memref<640xf32, #tpu.memory_space<vmem_shared>>) target_semaphore(%run_scoped3A_38 : memref<!tpu.dma_semaphore, #tpu.memory_space<semaphore_mem>>)
      %dma_wait3A = tpu.memref_slice %arg10[%mul3A_4] : memref<10240xf32, #tpu.memory_space<vmem_shared>> -> memref<640xf32, #tpu.memory_space<vmem_shared>>
      %dma_wait3A_41 = arith.constant 0 : i32
      %dma_wait3A_42 = tpu.memref_slice %arg5[%dma_wait3A_41] : memref<17536xf32, #tpu.memory_space<hbm>> -> memref<640xf32, #tpu.memory_space<hbm>>
      tpu.wait_dma2 semaphore(%run_scoped3A_38 : memref<!tpu.dma_semaphore, #tpu.memory_space<semaphore_mem>>) src(%dma_wait3A_42 : memref<640xf32, #tpu.memory_space<hbm>>) dst(%dma_wait3A : memref<640xf32, #tpu.memory_space<vmem_shared>>)
      tpu.yield
    }) : () -> ()
    "tpu.region"() ({
      %run_scoped3A_38 = tpu.sem_alloc : memref<!tpu.dma_semaphore, #tpu.memory_space<semaphore_mem>>
      tpu.enqueue_dma source(%arg4 : memref<128xf32, #tpu.memory_space<hbm>>) target(%arg8 : memref<128xf32, #tpu.memory_space<vmem>>) target_semaphore(%run_scoped3A_38 : memref<!tpu.dma_semaphore, #tpu.memory_space<semaphore_mem>>)
      tpu.wait_dma2 semaphore(%run_scoped3A_38 : memref<!tpu.dma_semaphore, #tpu.memory_space<semaphore_mem>>) src(%arg4 : memref<128xf32, #tpu.memory_space<hbm>>) dst(%arg8 : memref<128xf32, #tpu.memory_space<vmem>>)
      tpu.yield
    }) : () -> ()
    %barrier3A = arith.constant 0 : index
    tpu.barrier barrier_id(%barrier3A)
    "tpu.region"() ({
      %run_scoped3A_38 = tpu.sem_alloc : memref<!tpu.dma_semaphore, #tpu.memory_space<semaphore_mem>>
      %dma_start3A = arith.constant 0 : i32
      %dma_start3A_39 = arith.constant 0 : i32
      %dma_start3A_40 = tpu.memref_slice %arg2[%add3A, %dma_start3A, %dma_start3A_39] : memref<32x40x128xi32, #tpu.memory_space<hbm>> -> memref<1x40x128xi32, #tpu.memory_space<hbm>>
      %dma_start3A_41 = tpu.memref_squeeze %dma_start3A_40 : memref<1x40x128xi32, #tpu.memory_space<hbm>> -> memref<40x128xi32, #tpu.memory_space<hbm>>
      %dma_start3A_42 = arith.constant 0 : i32
      %dma_start3A_43 = arith.constant 0 : i32
      %dma_start3A_44 = tpu.memref_slice %arg2[%add3A, %dma_start3A_42, %dma_start3A_43] : memref<32x40x128xi32, #tpu.memory_space<hbm>> -> memref<1x40x128xi32, #tpu.memory_space<hbm>>
      %dma_start3A_45 = tpu.memref_squeeze %dma_start3A_44 : memref<1x40x128xi32, #tpu.memory_space<hbm>> -> memref<40x128xi32, #tpu.memory_space<hbm>>
      tpu.enqueue_dma source(%dma_start3A_45 : memref<40x128xi32, #tpu.memory_space<hbm>>) target(%arg7 : memref<40x128xi32, #tpu.memory_space<vmem>>) target_semaphore(%run_scoped3A_38 : memref<!tpu.dma_semaphore, #tpu.memory_space<semaphore_mem>>)
      %dma_wait3A = arith.constant 0 : i32
      %dma_wait3A_46 = arith.constant 0 : i32
      %dma_wait3A_47 = tpu.memref_slice %arg2[%add3A, %dma_wait3A, %dma_wait3A_46] : memref<32x40x128xi32, #tpu.memory_space<hbm>> -> memref<1x40x128xi32, #tpu.memory_space<hbm>>
      %dma_wait3A_48 = tpu.memref_squeeze %dma_wait3A_47 : memref<1x40x128xi32, #tpu.memory_space<hbm>> -> memref<40x128xi32, #tpu.memory_space<hbm>>
      %dma_wait3A_49 = arith.constant 0 : i32
      %dma_wait3A_50 = arith.constant 0 : i32
      %dma_wait3A_51 = tpu.memref_slice %arg2[%add3A, %dma_wait3A_49, %dma_wait3A_50] : memref<32x40x128xi32, #tpu.memory_space<hbm>> -> memref<1x40x128xi32, #tpu.memory_space<hbm>>
      %dma_wait3A_52 = tpu.memref_squeeze %dma_wait3A_51 : memref<1x40x128xi32, #tpu.memory_space<hbm>> -> memref<40x128xi32, #tpu.memory_space<hbm>>
      tpu.wait_dma2 semaphore(%run_scoped3A_38 : memref<!tpu.dma_semaphore, #tpu.memory_space<semaphore_mem>>) src(%dma_wait3A_52 : memref<40x128xi32, #tpu.memory_space<hbm>>) dst(%arg7 : memref<40x128xi32, #tpu.memory_space<vmem>>)
      tpu.yield
    }) : () -> ()
    %scan3A = arith.constant 0 : i32
    %scan3A_5 = arith.constant 0 : i32
    %scan3A_6 = arith.constant 40 : i32
    %scan3A_7 = arith.addi %scan3A_5, %scan3A_6 : i32
    %scan3A_8 = arith.constant 1 : i32
    scf.for %scan3A_38 = %scan3A_5 to %scan3A_7 step %scan3A_8  : i32 {
      %dma_start3A = arith.constant 0 : i32
      %dma_start3A_39 = tpu.memref_slice %arg7[%scan3A_38, %dma_start3A] : memref<40x128xi32, #tpu.memory_space<vmem>> -> memref<1x128xi32, #tpu.memory_space<vmem>>
      %dma_start3A_40 = tpu.memref_squeeze %dma_start3A_39 : memref<1x128xi32, #tpu.memory_space<vmem>> -> memref<128xi32, #tpu.memory_space<vmem>>
      %dma_start3A_41 = arith.constant 0 : i32
      %dma_start3A_42 = tpu.memref_slice %arg9[%dma_start3A_41] : memref<10240xf32, #tpu.memory_space<vmem_shared>> -> memref<10240xf32, #tpu.memory_space<vmem_shared>>
      tpu.enqueue_indirect_dma source(%arg8 : memref<128xf32, #tpu.memory_space<vmem>>) target(%dma_start3A_42 : memref<10240xf32, #tpu.memory_space<vmem_shared>>) offsets(%dma_start3A_40 : memref<128xi32, #tpu.memory_space<vmem>>) semaphore(%arg11 : memref<!tpu.dma_semaphore, #tpu.memory_space<semaphore_mem>>) {add = true}
    }
    %scan3A_9 = arith.constant 40 : i32
    %scan3A_10 = arith.constant 0 : i32
    %scan3A_11 = arith.constant 0 : i32
    %scan3A_12 = arith.constant 40 : i32
    %scan3A_13 = arith.addi %scan3A_11, %scan3A_12 : i32
    %scan3A_14 = arith.constant 1 : i32
    scf.for %scan3A_38 = %scan3A_11 to %scan3A_13 step %scan3A_14  : i32 {
      %dma_wait3A = arith.constant 0 : i32
      %dma_wait3A_39 = tpu.memref_slice %arg7[%scan3A_38, %dma_wait3A] : memref<40x128xi32, #tpu.memory_space<vmem>> -> memref<1x128xi32, #tpu.memory_space<vmem>>
      %dma_wait3A_40 = tpu.memref_squeeze %dma_wait3A_39 : memref<1x128xi32, #tpu.memory_space<vmem>> -> memref<128xi32, #tpu.memory_space<vmem>>
      %dma_wait3A_41 = arith.constant 0 : i32
      %dma_wait3A_42 = tpu.memref_slice %arg9[%dma_wait3A_41] : memref<10240xf32, #tpu.memory_space<vmem_shared>> -> memref<10240xf32, #tpu.memory_space<vmem_shared>>
      tpu.wait_indirect_dma semaphore(%arg11 : memref<!tpu.dma_semaphore, #tpu.memory_space<semaphore_mem>>) src(%arg8 : memref<128xf32, #tpu.memory_space<vmem>>) dst(%dma_wait3A_42 : memref<10240xf32, #tpu.memory_space<vmem_shared>>)
    }
    %scan3A_15 = arith.constant 40 : i32
    "tpu.region"() ({
      %run_scoped3A_38 = tpu.sem_alloc : memref<!tpu.dma_semaphore, #tpu.memory_space<semaphore_mem>>
      %dma_start3A = arith.constant 0 : i32
      %dma_start3A_39 = arith.constant 0 : i32
      %dma_start3A_40 = tpu.memref_slice %arg3[%add3A, %dma_start3A, %dma_start3A_39] : memref<32x40x128xi32, #tpu.memory_space<hbm>> -> memref<1x40x128xi32, #tpu.memory_space<hbm>>
      %dma_start3A_41 = tpu.memref_squeeze %dma_start3A_40 : memref<1x40x128xi32, #tpu.memory_space<hbm>> -> memref<40x128xi32, #tpu.memory_space<hbm>>
      %dma_start3A_42 = arith.constant 0 : i32
      %dma_start3A_43 = arith.constant 0 : i32
      %dma_start3A_44 = tpu.memref_slice %arg3[%add3A, %dma_start3A_42, %dma_start3A_43] : memref<32x40x128xi32, #tpu.memory_space<hbm>> -> memref<1x40x128xi32, #tpu.memory_space<hbm>>
      %dma_start3A_45 = tpu.memref_squeeze %dma_start3A_44 : memref<1x40x128xi32, #tpu.memory_space<hbm>> -> memref<40x128xi32, #tpu.memory_space<hbm>>
      tpu.enqueue_dma source(%dma_start3A_45 : memref<40x128xi32, #tpu.memory_space<hbm>>) target(%arg7 : memref<40x128xi32, #tpu.memory_space<vmem>>) target_semaphore(%run_scoped3A_38 : memref<!tpu.dma_semaphore, #tpu.memory_space<semaphore_mem>>)
      %dma_wait3A = arith.constant 0 : i32
      %dma_wait3A_46 = arith.constant 0 : i32
      %dma_wait3A_47 = tpu.memref_slice %arg3[%add3A, %dma_wait3A, %dma_wait3A_46] : memref<32x40x128xi32, #tpu.memory_space<hbm>> -> memref<1x40x128xi32, #tpu.memory_space<hbm>>
      %dma_wait3A_48 = tpu.memref_squeeze %dma_wait3A_47 : memref<1x40x128xi32, #tpu.memory_space<hbm>> -> memref<40x128xi32, #tpu.memory_space<hbm>>
      %dma_wait3A_49 = arith.constant 0 : i32
      %dma_wait3A_50 = arith.constant 0 : i32
      %dma_wait3A_51 = tpu.memref_slice %arg3[%add3A, %dma_wait3A_49, %dma_wait3A_50] : memref<32x40x128xi32, #tpu.memory_space<hbm>> -> memref<1x40x128xi32, #tpu.memory_space<hbm>>
      %dma_wait3A_52 = tpu.memref_squeeze %dma_wait3A_51 : memref<1x40x128xi32, #tpu.memory_space<hbm>> -> memref<40x128xi32, #tpu.memory_space<hbm>>
      tpu.wait_dma2 semaphore(%run_scoped3A_38 : memref<!tpu.dma_semaphore, #tpu.memory_space<semaphore_mem>>) src(%dma_wait3A_52 : memref<40x128xi32, #tpu.memory_space<hbm>>) dst(%arg7 : memref<40x128xi32, #tpu.memory_space<vmem>>)
      tpu.yield
    }) : () -> ()
    %scan3A_16 = arith.constant 0 : i32
    %scan3A_17 = arith.constant 0 : i32
    %scan3A_18 = arith.constant 40 : i32
    %scan3A_19 = arith.addi %scan3A_17, %scan3A_18 : i32
    %scan3A_20 = arith.constant 1 : i32
    scf.for %scan3A_38 = %scan3A_17 to %scan3A_19 step %scan3A_20  : i32 {
      %dma_start3A = arith.constant 0 : i32
      %dma_start3A_39 = tpu.memref_slice %arg7[%scan3A_38, %dma_start3A] : memref<40x128xi32, #tpu.memory_space<vmem>> -> memref<1x128xi32, #tpu.memory_space<vmem>>
      %dma_start3A_40 = tpu.memref_squeeze %dma_start3A_39 : memref<1x128xi32, #tpu.memory_space<vmem>> -> memref<128xi32, #tpu.memory_space<vmem>>
      %dma_start3A_41 = arith.constant 0 : i32
      %dma_start3A_42 = tpu.memref_slice %arg10[%dma_start3A_41] : memref<10240xf32, #tpu.memory_space<vmem_shared>> -> memref<10240xf32, #tpu.memory_space<vmem_shared>>
      tpu.enqueue_indirect_dma source(%arg8 : memref<128xf32, #tpu.memory_space<vmem>>) target(%dma_start3A_42 : memref<10240xf32, #tpu.memory_space<vmem_shared>>) offsets(%dma_start3A_40 : memref<128xi32, #tpu.memory_space<vmem>>) semaphore(%arg11 : memref<!tpu.dma_semaphore, #tpu.memory_space<semaphore_mem>>) {add = true}
    }
    %scan3A_21 = arith.constant 40 : i32
    %scan3A_22 = arith.constant 0 : i32
    %scan3A_23 = arith.constant 0 : i32
    %scan3A_24 = arith.constant 40 : i32
    %scan3A_25 = arith.addi %scan3A_23, %scan3A_24 : i32
    %scan3A_26 = arith.constant 1 : i32
    scf.for %scan3A_38 = %scan3A_23 to %scan3A_25 step %scan3A_26  : i32 {
      %dma_wait3A = arith.constant 0 : i32
      %dma_wait3A_39 = tpu.memref_slice %arg7[%scan3A_38, %dma_wait3A] : memref<40x128xi32, #tpu.memory_space<vmem>> -> memref<1x128xi32, #tpu.memory_space<vmem>>
      %dma_wait3A_40 = tpu.memref_squeeze %dma_wait3A_39 : memref<1x128xi32, #tpu.memory_space<vmem>> -> memref<128xi32, #tpu.memory_space<vmem>>
      %dma_wait3A_41 = arith.constant 0 : i32
      %dma_wait3A_42 = tpu.memref_slice %arg10[%dma_wait3A_41] : memref<10240xf32, #tpu.memory_space<vmem_shared>> -> memref<10240xf32, #tpu.memory_space<vmem_shared>>
      tpu.wait_indirect_dma semaphore(%arg11 : memref<!tpu.dma_semaphore, #tpu.memory_space<semaphore_mem>>) src(%arg8 : memref<128xf32, #tpu.memory_space<vmem>>) dst(%dma_wait3A_42 : memref<10240xf32, #tpu.memory_space<vmem_shared>>)
    }
    %scan3A_27 = arith.constant 40 : i32
    %barrier3A_28 = arith.constant 0 : index
    tpu.barrier barrier_id(%barrier3A_28)
    %mul3A_29 = arith.constant 640 : i32
    %mul3A_30 = arith.muli %arg1, %mul3A_29 : i32
    %mul3A_31 = arith.constant 640 : i32
    %mul3A_32 = arith.muli %arg1, %mul3A_31 : i32
    %run_scoped3A = arith.constant 0 : i32
    "tpu.region"() ({
      %run_scoped3A_38 = tpu.sem_alloc : memref<!tpu.dma_semaphore, #tpu.memory_space<semaphore_mem>>
      %dma_start3A = tpu.memref_slice %arg6[%run_scoped3A, %arg0, %mul3A_32] : memref<2x2x10240xf32, #tpu.memory_space<hbm>> -> memref<1x1x640xf32, #tpu.memory_space<hbm>>
      %dma_start3A_39 = tpu.memref_squeeze %dma_start3A : memref<1x1x640xf32, #tpu.memory_space<hbm>> -> memref<640xf32, #tpu.memory_space<hbm>>
      %dma_start3A_40 = tpu.memref_slice %arg9[%mul3A_30] : memref<10240xf32, #tpu.memory_space<vmem_shared>> -> memref<640xf32, #tpu.memory_space<vmem_shared>>
      tpu.enqueue_dma source(%dma_start3A_40 : memref<640xf32, #tpu.memory_space<vmem_shared>>) target(%dma_start3A_39 : memref<640xf32, #tpu.memory_space<hbm>>) target_semaphore(%run_scoped3A_38 : memref<!tpu.dma_semaphore, #tpu.memory_space<semaphore_mem>>)
      %dma_wait3A = tpu.memref_slice %arg6[%run_scoped3A, %arg0, %mul3A_32] : memref<2x2x10240xf32, #tpu.memory_space<hbm>> -> memref<1x1x640xf32, #tpu.memory_space<hbm>>
      %dma_wait3A_41 = tpu.memref_squeeze %dma_wait3A : memref<1x1x640xf32, #tpu.memory_space<hbm>> -> memref<640xf32, #tpu.memory_space<hbm>>
      %dma_wait3A_42 = tpu.memref_slice %arg9[%mul3A_30] : memref<10240xf32, #tpu.memory_space<vmem_shared>> -> memref<640xf32, #tpu.memory_space<vmem_shared>>
      tpu.wait_dma2 semaphore(%run_scoped3A_38 : memref<!tpu.dma_semaphore, #tpu.memory_space<semaphore_mem>>) src(%dma_wait3A_42 : memref<640xf32, #tpu.memory_space<vmem_shared>>) dst(%dma_wait3A_41 : memref<640xf32, #tpu.memory_space<hbm>>)
      tpu.yield
    }) : () -> ()
    %mul3A_33 = arith.constant 640 : i32
    %mul3A_34 = arith.muli %arg1, %mul3A_33 : i32
    %mul3A_35 = arith.constant 640 : i32
    %mul3A_36 = arith.muli %arg1, %mul3A_35 : i32
    %run_scoped3A_37 = arith.constant 1 : i32
    "tpu.region"() ({
      %run_scoped3A_38 = tpu.sem_alloc : memref<!tpu.dma_semaphore, #tpu.memory_space<semaphore_mem>>
      %dma_start3A = tpu.memref_slice %arg6[%run_scoped3A_37, %arg0, %mul3A_36] : memref<2x2x10240xf32, #tpu.memory_space<hbm>> -> memref<1x1x640xf32, #tpu.memory_space<hbm>>
      %dma_start3A_39 = tpu.memref_squeeze %dma_start3A : memref<1x1x640xf32, #tpu.memory_space<hbm>> -> memref<640xf32, #tpu.memory_space<hbm>>
      %dma_start3A_40 = tpu.memref_slice %arg10[%mul3A_34] : memref<10240xf32, #tpu.memory_space<vmem_shared>> -> memref<640xf32, #tpu.memory_space<vmem_shared>>
      tpu.enqueue_dma source(%dma_start3A_40 : memref<640xf32, #tpu.memory_space<vmem_shared>>) target(%dma_start3A_39 : memref<640xf32, #tpu.memory_space<hbm>>) target_semaphore(%run_scoped3A_38 : memref<!tpu.dma_semaphore, #tpu.memory_space<semaphore_mem>>)
      %dma_wait3A = tpu.memref_slice %arg6[%run_scoped3A_37, %arg0, %mul3A_36] : memref<2x2x10240xf32, #tpu.memory_space<hbm>> -> memref<1x1x640xf32, #tpu.memory_space<hbm>>
      %dma_wait3A_41 = tpu.memref_squeeze %dma_wait3A : memref<1x1x640xf32, #tpu.memory_space<hbm>> -> memref<640xf32, #tpu.memory_space<hbm>>
      %dma_wait3A_42 = tpu.memref_slice %arg10[%mul3A_34] : memref<10240xf32, #tpu.memory_space<vmem_shared>> -> memref<640xf32, #tpu.memory_space<vmem_shared>>
      tpu.wait_dma2 semaphore(%run_scoped3A_38 : memref<!tpu.dma_semaphore, #tpu.memory_space<semaphore_mem>>) src(%dma_wait3A_42 : memref<640xf32, #tpu.memory_space<vmem_shared>>) dst(%dma_wait3A_41 : memref<640xf32, #tpu.memory_space<hbm>>)
      tpu.yield
    }) : () -> ()
    return
  }
}

#map = affine_map<(d0, d1) -> (0, 0, 0)>
#map1 = affine_map<(d0, d1) -> (0)>
#map2 = affine_map<(d0, d1) -> (0, 0)>
module attributes {stable_mosaic.version = 14 : i64} {
  func.func @_sc_cbuild(%arg0: i32, %arg1: i32, %arg2: memref<32x40x128xi32, #tpu.memory_space<hbm>>, %arg3: memref<32x40x128xi32, #tpu.memory_space<hbm>>, %arg4: memref<32x40x128xi32, #tpu.memory_space<hbm>>, %arg5: memref<32x40x128xi32, #tpu.memory_space<hbm>>, %arg6: memref<10240xi32, #tpu.memory_space<hbm>>, %arg7: memref<2x10240xf32, #tpu.memory_space<hbm>>, %arg8: memref<17536xf32, #tpu.memory_space<hbm>>, %arg9: memref<2x2x280576xf32, #tpu.memory_space<hbm>>, %arg10: memref<40x128xi32, #tpu.memory_space<vmem>>, %arg11: memref<40x128xi32, #tpu.memory_space<vmem>>, %arg12: memref<10240xi32, #tpu.memory_space<vmem>>, %arg13: memref<10240xf32, #tpu.memory_space<vmem>>, %arg14: memref<40x128xf32, #tpu.memory_space<vmem>>, %arg15: memref<40x128xi32, #tpu.memory_space<vmem>>, %arg16: memref<280576xf32, #tpu.memory_space<vmem_shared>>, %arg17: memref<280576xf32, #tpu.memory_space<vmem_shared>>, %arg18: memref<!tpu.dma_semaphore, #tpu.memory_space<semaphore_mem>>) attributes {dimension_semantics = [#tpu.dimension_semantics<core_parallel>, #tpu.dimension_semantics<subcore_parallel>], iteration_bounds = array<i64: 2, 16>, scalar_prefetch = 0 : i64, scratch_operands = 9 : i64, tpu.core_type = #tpu.core_type<sc_vector_subcore>, window_params = [{transform_indices = #map}, {transform_indices = #map}, {transform_indices = #map}, {transform_indices = #map}, {transform_indices = #map1}, {transform_indices = #map2}, {transform_indices = #map1}, {transform_indices = #map}]} {
    %mul3A = arith.constant 2 : i32
    %mul3A_0 = arith.muli %arg1, %mul3A : i32
    %add3A = arith.addi %mul3A_0, %arg0 : i32
    %mul3A_1 = arith.constant 17536 : i32
    %mul3A_2 = arith.muli %arg1, %mul3A_1 : i32
    "tpu.region"() ({
      %run_scoped3A_40 = tpu.sem_alloc : memref<!tpu.dma_semaphore, #tpu.memory_space<semaphore_mem>>
      %dma_start3A = tpu.memref_slice %arg16[%mul3A_2] : memref<280576xf32, #tpu.memory_space<vmem_shared>> -> memref<17536xf32, #tpu.memory_space<vmem_shared>>
      %dma_start3A_41 = arith.constant 0 : i32
      %dma_start3A_42 = tpu.memref_slice %arg8[%dma_start3A_41] : memref<17536xf32, #tpu.memory_space<hbm>> -> memref<17536xf32, #tpu.memory_space<hbm>>
      tpu.enqueue_dma source(%dma_start3A_42 : memref<17536xf32, #tpu.memory_space<hbm>>) target(%dma_start3A : memref<17536xf32, #tpu.memory_space<vmem_shared>>) target_semaphore(%run_scoped3A_40 : memref<!tpu.dma_semaphore, #tpu.memory_space<semaphore_mem>>)
      %dma_wait3A = tpu.memref_slice %arg16[%mul3A_2] : memref<280576xf32, #tpu.memory_space<vmem_shared>> -> memref<17536xf32, #tpu.memory_space<vmem_shared>>
      %dma_wait3A_43 = arith.constant 0 : i32
      %dma_wait3A_44 = tpu.memref_slice %arg8[%dma_wait3A_43] : memref<17536xf32, #tpu.memory_space<hbm>> -> memref<17536xf32, #tpu.memory_space<hbm>>
      tpu.wait_dma2 semaphore(%run_scoped3A_40 : memref<!tpu.dma_semaphore, #tpu.memory_space<semaphore_mem>>) src(%dma_wait3A_44 : memref<17536xf32, #tpu.memory_space<hbm>>) dst(%dma_wait3A : memref<17536xf32, #tpu.memory_space<vmem_shared>>)
      tpu.yield
    }) : () -> ()
    %mul3A_3 = arith.constant 17536 : i32
    %mul3A_4 = arith.muli %arg1, %mul3A_3 : i32
    "tpu.region"() ({
      %run_scoped3A_40 = tpu.sem_alloc : memref<!tpu.dma_semaphore, #tpu.memory_space<semaphore_mem>>
      %dma_start3A = tpu.memref_slice %arg17[%mul3A_4] : memref<280576xf32, #tpu.memory_space<vmem_shared>> -> memref<17536xf32, #tpu.memory_space<vmem_shared>>
      %dma_start3A_41 = arith.constant 0 : i32
      %dma_start3A_42 = tpu.memref_slice %arg8[%dma_start3A_41] : memref<17536xf32, #tpu.memory_space<hbm>> -> memref<17536xf32, #tpu.memory_space<hbm>>
      tpu.enqueue_dma source(%dma_start3A_42 : memref<17536xf32, #tpu.memory_space<hbm>>) target(%dma_start3A : memref<17536xf32, #tpu.memory_space<vmem_shared>>) target_semaphore(%run_scoped3A_40 : memref<!tpu.dma_semaphore, #tpu.memory_space<semaphore_mem>>)
      %dma_wait3A = tpu.memref_slice %arg17[%mul3A_4] : memref<280576xf32, #tpu.memory_space<vmem_shared>> -> memref<17536xf32, #tpu.memory_space<vmem_shared>>
      %dma_wait3A_43 = arith.constant 0 : i32
      %dma_wait3A_44 = tpu.memref_slice %arg8[%dma_wait3A_43] : memref<17536xf32, #tpu.memory_space<hbm>> -> memref<17536xf32, #tpu.memory_space<hbm>>
      tpu.wait_dma2 semaphore(%run_scoped3A_40 : memref<!tpu.dma_semaphore, #tpu.memory_space<semaphore_mem>>) src(%dma_wait3A_44 : memref<17536xf32, #tpu.memory_space<hbm>>) dst(%dma_wait3A : memref<17536xf32, #tpu.memory_space<vmem_shared>>)
      tpu.yield
    }) : () -> ()
    "tpu.region"() ({
      %run_scoped3A_40 = tpu.sem_alloc : memref<!tpu.dma_semaphore, #tpu.memory_space<semaphore_mem>>
      tpu.enqueue_dma source(%arg6 : memref<10240xi32, #tpu.memory_space<hbm>>) target(%arg12 : memref<10240xi32, #tpu.memory_space<vmem>>) target_semaphore(%run_scoped3A_40 : memref<!tpu.dma_semaphore, #tpu.memory_space<semaphore_mem>>)
      tpu.wait_dma2 semaphore(%run_scoped3A_40 : memref<!tpu.dma_semaphore, #tpu.memory_space<semaphore_mem>>) src(%arg6 : memref<10240xi32, #tpu.memory_space<hbm>>) dst(%arg12 : memref<10240xi32, #tpu.memory_space<vmem>>)
      tpu.yield
    }) : () -> ()
    %barrier3A = arith.constant 0 : index
    tpu.barrier barrier_id(%barrier3A)
    %run_scoped3A = arith.constant 0 : i32
    "tpu.region"() ({
      %run_scoped3A_40 = tpu.sem_alloc : memref<!tpu.dma_semaphore, #tpu.memory_space<semaphore_mem>>
      %dma_start3A = arith.constant 0 : i32
      %dma_start3A_41 = tpu.memref_slice %arg7[%run_scoped3A, %dma_start3A] : memref<2x10240xf32, #tpu.memory_space<hbm>> -> memref<1x10240xf32, #tpu.memory_space<hbm>>
      %dma_start3A_42 = tpu.memref_squeeze %dma_start3A_41 : memref<1x10240xf32, #tpu.memory_space<hbm>> -> memref<10240xf32, #tpu.memory_space<hbm>>
      %dma_start3A_43 = arith.constant 0 : i32
      %dma_start3A_44 = tpu.memref_slice %arg7[%run_scoped3A, %dma_start3A_43] : memref<2x10240xf32, #tpu.memory_space<hbm>> -> memref<1x10240xf32, #tpu.memory_space<hbm>>
      %dma_start3A_45 = tpu.memref_squeeze %dma_start3A_44 : memref<1x10240xf32, #tpu.memory_space<hbm>> -> memref<10240xf32, #tpu.memory_space<hbm>>
      tpu.enqueue_dma source(%dma_start3A_45 : memref<10240xf32, #tpu.memory_space<hbm>>) target(%arg13 : memref<10240xf32, #tpu.memory_space<vmem>>) target_semaphore(%run_scoped3A_40 : memref<!tpu.dma_semaphore, #tpu.memory_space<semaphore_mem>>)
      %dma_wait3A = arith.constant 0 : i32
      %dma_wait3A_46 = tpu.memref_slice %arg7[%run_scoped3A, %dma_wait3A] : memref<2x10240xf32, #tpu.memory_space<hbm>> -> memref<1x10240xf32, #tpu.memory_space<hbm>>
      %dma_wait3A_47 = tpu.memref_squeeze %dma_wait3A_46 : memref<1x10240xf32, #tpu.memory_space<hbm>> -> memref<10240xf32, #tpu.memory_space<hbm>>
      %dma_wait3A_48 = arith.constant 0 : i32
      %dma_wait3A_49 = tpu.memref_slice %arg7[%run_scoped3A, %dma_wait3A_48] : memref<2x10240xf32, #tpu.memory_space<hbm>> -> memref<1x10240xf32, #tpu.memory_space<hbm>>
      %dma_wait3A_50 = tpu.memref_squeeze %dma_wait3A_49 : memref<1x10240xf32, #tpu.memory_space<hbm>> -> memref<10240xf32, #tpu.memory_space<hbm>>
      tpu.wait_dma2 semaphore(%run_scoped3A_40 : memref<!tpu.dma_semaphore, #tpu.memory_space<semaphore_mem>>) src(%dma_wait3A_50 : memref<10240xf32, #tpu.memory_space<hbm>>) dst(%arg13 : memref<10240xf32, #tpu.memory_space<vmem>>)
      tpu.yield
    }) : () -> ()
    "tpu.region"() ({
      %run_scoped3A_40 = tpu.sem_alloc : memref<!tpu.dma_semaphore, #tpu.memory_space<semaphore_mem>>
      %dma_start3A = arith.constant 0 : i32
      %dma_start3A_41 = arith.constant 0 : i32
      %dma_start3A_42 = tpu.memref_slice %arg2[%add3A, %dma_start3A, %dma_start3A_41] : memref<32x40x128xi32, #tpu.memory_space<hbm>> -> memref<1x40x128xi32, #tpu.memory_space<hbm>>
      %dma_start3A_43 = tpu.memref_squeeze %dma_start3A_42 : memref<1x40x128xi32, #tpu.memory_space<hbm>> -> memref<40x128xi32, #tpu.memory_space<hbm>>
      %dma_start3A_44 = arith.constant 0 : i32
      %dma_start3A_45 = arith.constant 0 : i32
      %dma_start3A_46 = tpu.memref_slice %arg2[%add3A, %dma_start3A_44, %dma_start3A_45] : memref<32x40x128xi32, #tpu.memory_space<hbm>> -> memref<1x40x128xi32, #tpu.memory_space<hbm>>
      %dma_start3A_47 = tpu.memref_squeeze %dma_start3A_46 : memref<1x40x128xi32, #tpu.memory_space<hbm>> -> memref<40x128xi32, #tpu.memory_space<hbm>>
      tpu.enqueue_dma source(%dma_start3A_47 : memref<40x128xi32, #tpu.memory_space<hbm>>) target(%arg10 : memref<40x128xi32, #tpu.memory_space<vmem>>) target_semaphore(%run_scoped3A_40 : memref<!tpu.dma_semaphore, #tpu.memory_space<semaphore_mem>>)
      %dma_wait3A = arith.constant 0 : i32
      %dma_wait3A_48 = arith.constant 0 : i32
      %dma_wait3A_49 = tpu.memref_slice %arg2[%add3A, %dma_wait3A, %dma_wait3A_48] : memref<32x40x128xi32, #tpu.memory_space<hbm>> -> memref<1x40x128xi32, #tpu.memory_space<hbm>>
      %dma_wait3A_50 = tpu.memref_squeeze %dma_wait3A_49 : memref<1x40x128xi32, #tpu.memory_space<hbm>> -> memref<40x128xi32, #tpu.memory_space<hbm>>
      %dma_wait3A_51 = arith.constant 0 : i32
      %dma_wait3A_52 = arith.constant 0 : i32
      %dma_wait3A_53 = tpu.memref_slice %arg2[%add3A, %dma_wait3A_51, %dma_wait3A_52] : memref<32x40x128xi32, #tpu.memory_space<hbm>> -> memref<1x40x128xi32, #tpu.memory_space<hbm>>
      %dma_wait3A_54 = tpu.memref_squeeze %dma_wait3A_53 : memref<1x40x128xi32, #tpu.memory_space<hbm>> -> memref<40x128xi32, #tpu.memory_space<hbm>>
      tpu.wait_dma2 semaphore(%run_scoped3A_40 : memref<!tpu.dma_semaphore, #tpu.memory_space<semaphore_mem>>) src(%dma_wait3A_54 : memref<40x128xi32, #tpu.memory_space<hbm>>) dst(%arg10 : memref<40x128xi32, #tpu.memory_space<vmem>>)
      tpu.yield
    }) : () -> ()
    "tpu.region"() ({
      %run_scoped3A_40 = tpu.sem_alloc : memref<!tpu.dma_semaphore, #tpu.memory_space<semaphore_mem>>
      %dma_start3A = arith.constant 0 : i32
      %dma_start3A_41 = arith.constant 0 : i32
      %dma_start3A_42 = tpu.memref_slice %arg3[%add3A, %dma_start3A, %dma_start3A_41] : memref<32x40x128xi32, #tpu.memory_space<hbm>> -> memref<1x40x128xi32, #tpu.memory_space<hbm>>
      %dma_start3A_43 = tpu.memref_squeeze %dma_start3A_42 : memref<1x40x128xi32, #tpu.memory_space<hbm>> -> memref<40x128xi32, #tpu.memory_space<hbm>>
      %dma_start3A_44 = arith.constant 0 : i32
      %dma_start3A_45 = arith.constant 0 : i32
      %dma_start3A_46 = tpu.memref_slice %arg3[%add3A, %dma_start3A_44, %dma_start3A_45] : memref<32x40x128xi32, #tpu.memory_space<hbm>> -> memref<1x40x128xi32, #tpu.memory_space<hbm>>
      %dma_start3A_47 = tpu.memref_squeeze %dma_start3A_46 : memref<1x40x128xi32, #tpu.memory_space<hbm>> -> memref<40x128xi32, #tpu.memory_space<hbm>>
      tpu.enqueue_dma source(%dma_start3A_47 : memref<40x128xi32, #tpu.memory_space<hbm>>) target(%arg11 : memref<40x128xi32, #tpu.memory_space<vmem>>) target_semaphore(%run_scoped3A_40 : memref<!tpu.dma_semaphore, #tpu.memory_space<semaphore_mem>>)
      %dma_wait3A = arith.constant 0 : i32
      %dma_wait3A_48 = arith.constant 0 : i32
      %dma_wait3A_49 = tpu.memref_slice %arg3[%add3A, %dma_wait3A, %dma_wait3A_48] : memref<32x40x128xi32, #tpu.memory_space<hbm>> -> memref<1x40x128xi32, #tpu.memory_space<hbm>>
      %dma_wait3A_50 = tpu.memref_squeeze %dma_wait3A_49 : memref<1x40x128xi32, #tpu.memory_space<hbm>> -> memref<40x128xi32, #tpu.memory_space<hbm>>
      %dma_wait3A_51 = arith.constant 0 : i32
      %dma_wait3A_52 = arith.constant 0 : i32
      %dma_wait3A_53 = tpu.memref_slice %arg3[%add3A, %dma_wait3A_51, %dma_wait3A_52] : memref<32x40x128xi32, #tpu.memory_space<hbm>> -> memref<1x40x128xi32, #tpu.memory_space<hbm>>
      %dma_wait3A_54 = tpu.memref_squeeze %dma_wait3A_53 : memref<1x40x128xi32, #tpu.memory_space<hbm>> -> memref<40x128xi32, #tpu.memory_space<hbm>>
      tpu.wait_dma2 semaphore(%run_scoped3A_40 : memref<!tpu.dma_semaphore, #tpu.memory_space<semaphore_mem>>) src(%dma_wait3A_54 : memref<40x128xi32, #tpu.memory_space<hbm>>) dst(%arg11 : memref<40x128xi32, #tpu.memory_space<vmem>>)
      tpu.yield
    }) : () -> ()
    %scan3A = arith.constant 0 : i32
    %scan3A_5 = arith.constant 0 : i32
    %scan3A_6 = arith.constant 40 : i32
    %scan3A_7 = arith.addi %scan3A_5, %scan3A_6 : i32
    %scan3A_8 = arith.constant 1 : i32
    scf.for %scan3A_40 = %scan3A_5 to %scan3A_7 step %scan3A_8  : i32 {
      %get3A = arith.index_cast %scan3A_40 : i32 to index
      %get3A_41 = arith.constant 0 : index
      %get3A_42 = tpu.vector_load %arg10[%get3A, %get3A_41] {strides = array<i32>} : memref<40x128xi32, #tpu.memory_space<vmem>>, vector<16xi32>,
      %get3A_43 = arith.index_cast %scan3A_40 : i32 to index
      %get3A_44 = arith.constant 0 : index
      %get3A_45 = tpu.vector_load %arg11[%get3A_43, %get3A_44] {strides = array<i32>} : memref<40x128xi32, #tpu.memory_space<vmem>>, vector<16xi32>,
      %gather3A = tpu.vector_load_idx %arg12[%get3A_42] : memref<10240xi32, #tpu.memory_space<vmem>>[vector<16xi32>], vector<16xi32>,
      %gather3A_46 = tpu.vector_load_idx %arg13[%get3A_42] : memref<10240xf32, #tpu.memory_space<vmem>>[vector<16xi32>], vector<16xf32>,
      %mul3A_47 = arith.constant 28 : i32
      %mul3A_48 = vector.broadcast %mul3A_47 : i32 to vector<16xi32>
      %mul3A_49 = arith.muli %get3A_45, %mul3A_48 : vector<16xi32>
      %add3A_50 = arith.addi %mul3A_49, %gather3A : vector<16xi32>
      %swap3A = arith.index_cast %scan3A_40 : i32 to index
      %swap3A_51 = arith.constant 0 : index
      %swap3A_52 = tpu.vector_load %arg15[%swap3A, %swap3A_51] {strides = array<i32>} : memref<40x128xi32, #tpu.memory_space<vmem>>, vector<16xi32>,
      tpu.vector_store %arg15[%swap3A, %swap3A_51], %add3A_50 {strides = array<i32>} : memref<40x128xi32, #tpu.memory_space<vmem>>, vector<16xi32>,
      %swap3A_53 = arith.index_cast %scan3A_40 : i32 to index
      %swap3A_54 = arith.constant 0 : index
      %swap3A_55 = tpu.vector_load %arg14[%swap3A_53, %swap3A_54] {strides = array<i32>} : memref<40x128xf32, #tpu.memory_space<vmem>>, vector<16xf32>,
      tpu.vector_store %arg14[%swap3A_53, %swap3A_54], %gather3A_46 {strides = array<i32>} : memref<40x128xf32, #tpu.memory_space<vmem>>, vector<16xf32>,
      %get3A_56 = arith.index_cast %scan3A_40 : i32 to index
      %get3A_57 = arith.constant 16 : index
      %get3A_58 = tpu.vector_load %arg10[%get3A_56, %get3A_57] {strides = array<i32>} : memref<40x128xi32, #tpu.memory_space<vmem>>, vector<16xi32>,
      %get3A_59 = arith.index_cast %scan3A_40 : i32 to index
      %get3A_60 = arith.constant 16 : index
      %get3A_61 = tpu.vector_load %arg11[%get3A_59, %get3A_60] {strides = array<i32>} : memref<40x128xi32, #tpu.memory_space<vmem>>, vector<16xi32>,
      %gather3A_62 = tpu.vector_load_idx %arg12[%get3A_58] : memref<10240xi32, #tpu.memory_space<vmem>>[vector<16xi32>], vector<16xi32>,
      %gather3A_63 = tpu.vector_load_idx %arg13[%get3A_58] : memref<10240xf32, #tpu.memory_space<vmem>>[vector<16xi32>], vector<16xf32>,
      %mul3A_64 = arith.constant 28 : i32
      %mul3A_65 = vector.broadcast %mul3A_64 : i32 to vector<16xi32>
      %mul3A_66 = arith.muli %get3A_61, %mul3A_65 : vector<16xi32>
      %add3A_67 = arith.addi %mul3A_66, %gather3A_62 : vector<16xi32>
      %swap3A_68 = arith.index_cast %scan3A_40 : i32 to index
      %swap3A_69 = arith.constant 16 : index
      %swap3A_70 = tpu.vector_load %arg15[%swap3A_68, %swap3A_69] {strides = array<i32>} : memref<40x128xi32, #tpu.memory_space<vmem>>, vector<16xi32>,
      tpu.vector_store %arg15[%swap3A_68, %swap3A_69], %add3A_67 {strides = array<i32>} : memref<40x128xi32, #tpu.memory_space<vmem>>, vector<16xi32>,
      %swap3A_71 = arith.index_cast %scan3A_40 : i32 to index
      %swap3A_72 = arith.constant 16 : index
      %swap3A_73 = tpu.vector_load %arg14[%swap3A_71, %swap3A_72] {strides = array<i32>} : memref<40x128xf32, #tpu.memory_space<vmem>>, vector<16xf32>,
      tpu.vector_store %arg14[%swap3A_71, %swap3A_72], %gather3A_63 {strides = array<i32>} : memref<40x128xf32, #tpu.memory_space<vmem>>, vector<16xf32>,
      %get3A_74 = arith.index_cast %scan3A_40 : i32 to index
      %get3A_75 = arith.constant 32 : index
      %get3A_76 = tpu.vector_load %arg10[%get3A_74, %get3A_75] {strides = array<i32>} : memref<40x128xi32, #tpu.memory_space<vmem>>, vector<16xi32>,
      %get3A_77 = arith.index_cast %scan3A_40 : i32 to index
      %get3A_78 = arith.constant 32 : index
      %get3A_79 = tpu.vector_load %arg11[%get3A_77, %get3A_78] {strides = array<i32>} : memref<40x128xi32, #tpu.memory_space<vmem>>, vector<16xi32>,
      %gather3A_80 = tpu.vector_load_idx %arg12[%get3A_76] : memref<10240xi32, #tpu.memory_space<vmem>>[vector<16xi32>], vector<16xi32>,
      %gather3A_81 = tpu.vector_load_idx %arg13[%get3A_76] : memref<10240xf32, #tpu.memory_space<vmem>>[vector<16xi32>], vector<16xf32>,
      %mul3A_82 = arith.constant 28 : i32
      %mul3A_83 = vector.broadcast %mul3A_82 : i32 to vector<16xi32>
      %mul3A_84 = arith.muli %get3A_79, %mul3A_83 : vector<16xi32>
      %add3A_85 = arith.addi %mul3A_84, %gather3A_80 : vector<16xi32>
      %swap3A_86 = arith.index_cast %scan3A_40 : i32 to index
      %swap3A_87 = arith.constant 32 : index
      %swap3A_88 = tpu.vector_load %arg15[%swap3A_86, %swap3A_87] {strides = array<i32>} : memref<40x128xi32, #tpu.memory_space<vmem>>, vector<16xi32>,
      tpu.vector_store %arg15[%swap3A_86, %swap3A_87], %add3A_85 {strides = array<i32>} : memref<40x128xi32, #tpu.memory_space<vmem>>, vector<16xi32>,
      %swap3A_89 = arith.index_cast %scan3A_40 : i32 to index
      %swap3A_90 = arith.constant 32 : index
      %swap3A_91 = tpu.vector_load %arg14[%swap3A_89, %swap3A_90] {strides = array<i32>} : memref<40x128xf32, #tpu.memory_space<vmem>>, vector<16xf32>,
      tpu.vector_store %arg14[%swap3A_89, %swap3A_90], %gather3A_81 {strides = array<i32>} : memref<40x128xf32, #tpu.memory_space<vmem>>, vector<16xf32>,
      %get3A_92 = arith.index_cast %scan3A_40 : i32 to index
      %get3A_93 = arith.constant 48 : index
      %get3A_94 = tpu.vector_load %arg10[%get3A_92, %get3A_93] {strides = array<i32>} : memref<40x128xi32, #tpu.memory_space<vmem>>, vector<16xi32>,
      %get3A_95 = arith.index_cast %scan3A_40 : i32 to index
      %get3A_96 = arith.constant 48 : index
      %get3A_97 = tpu.vector_load %arg11[%get3A_95, %get3A_96] {strides = array<i32>} : memref<40x128xi32, #tpu.memory_space<vmem>>, vector<16xi32>,
      %gather3A_98 = tpu.vector_load_idx %arg12[%get3A_94] : memref<10240xi32, #tpu.memory_space<vmem>>[vector<16xi32>], vector<16xi32>,
      %gather3A_99 = tpu.vector_load_idx %arg13[%get3A_94] : memref<10240xf32, #tpu.memory_space<vmem>>[vector<16xi32>], vector<16xf32>,
      %mul3A_100 = arith.constant 28 : i32
      %mul3A_101 = vector.broadcast %mul3A_100 : i32 to vector<16xi32>
      %mul3A_102 = arith.muli %get3A_97, %mul3A_101 : vector<16xi32>
      %add3A_103 = arith.addi %mul3A_102, %gather3A_98 : vector<16xi32>
      %swap3A_104 = arith.index_cast %scan3A_40 : i32 to index
      %swap3A_105 = arith.constant 48 : index
      %swap3A_106 = tpu.vector_load %arg15[%swap3A_104, %swap3A_105] {strides = array<i32>} : memref<40x128xi32, #tpu.memory_space<vmem>>, vector<16xi32>,
      tpu.vector_store %arg15[%swap3A_104, %swap3A_105], %add3A_103 {strides = array<i32>} : memref<40x128xi32, #tpu.memory_space<vmem>>, vector<16xi32>,
      %swap3A_107 = arith.index_cast %scan3A_40 : i32 to index
      %swap3A_108 = arith.constant 48 : index
      %swap3A_109 = tpu.vector_load %arg14[%swap3A_107, %swap3A_108] {strides = array<i32>} : memref<40x128xf32, #tpu.memory_space<vmem>>, vector<16xf32>,
      tpu.vector_store %arg14[%swap3A_107, %swap3A_108], %gather3A_99 {strides = array<i32>} : memref<40x128xf32, #tpu.memory_space<vmem>>, vector<16xf32>,
      %get3A_110 = arith.index_cast %scan3A_40 : i32 to index
      %get3A_111 = arith.constant 64 : index
      %get3A_112 = tpu.vector_load %arg10[%get3A_110, %get3A_111] {strides = array<i32>} : memref<40x128xi32, #tpu.memory_space<vmem>>, vector<16xi32>,
      %get3A_113 = arith.index_cast %scan3A_40 : i32 to index
      %get3A_114 = arith.constant 64 : index
      %get3A_115 = tpu.vector_load %arg11[%get3A_113, %get3A_114] {strides = array<i32>} : memref<40x128xi32, #tpu.memory_space<vmem>>, vector<16xi32>,
      %gather3A_116 = tpu.vector_load_idx %arg12[%get3A_112] : memref<10240xi32, #tpu.memory_space<vmem>>[vector<16xi32>], vector<16xi32>,
      %gather3A_117 = tpu.vector_load_idx %arg13[%get3A_112] : memref<10240xf32, #tpu.memory_space<vmem>>[vector<16xi32>], vector<16xf32>,
      %mul3A_118 = arith.constant 28 : i32
      %mul3A_119 = vector.broadcast %mul3A_118 : i32 to vector<16xi32>
      %mul3A_120 = arith.muli %get3A_115, %mul3A_119 : vector<16xi32>
      %add3A_121 = arith.addi %mul3A_120, %gather3A_116 : vector<16xi32>
      %swap3A_122 = arith.index_cast %scan3A_40 : i32 to index
      %swap3A_123 = arith.constant 64 : index
      %swap3A_124 = tpu.vector_load %arg15[%swap3A_122, %swap3A_123] {strides = array<i32>} : memref<40x128xi32, #tpu.memory_space<vmem>>, vector<16xi32>,
      tpu.vector_store %arg15[%swap3A_122, %swap3A_123], %add3A_121 {strides = array<i32>} : memref<40x128xi32, #tpu.memory_space<vmem>>, vector<16xi32>,
      %swap3A_125 = arith.index_cast %scan3A_40 : i32 to index
      %swap3A_126 = arith.constant 64 : index
      %swap3A_127 = tpu.vector_load %arg14[%swap3A_125, %swap3A_126] {strides = array<i32>} : memref<40x128xf32, #tpu.memory_space<vmem>>, vector<16xf32>,
      tpu.vector_store %arg14[%swap3A_125, %swap3A_126], %gather3A_117 {strides = array<i32>} : memref<40x128xf32, #tpu.memory_space<vmem>>, vector<16xf32>,
      %get3A_128 = arith.index_cast %scan3A_40 : i32 to index
      %get3A_129 = arith.constant 80 : index
      %get3A_130 = tpu.vector_load %arg10[%get3A_128, %get3A_129] {strides = array<i32>} : memref<40x128xi32, #tpu.memory_space<vmem>>, vector<16xi32>,
      %get3A_131 = arith.index_cast %scan3A_40 : i32 to index
      %get3A_132 = arith.constant 80 : index
      %get3A_133 = tpu.vector_load %arg11[%get3A_131, %get3A_132] {strides = array<i32>} : memref<40x128xi32, #tpu.memory_space<vmem>>, vector<16xi32>,
      %gather3A_134 = tpu.vector_load_idx %arg12[%get3A_130] : memref<10240xi32, #tpu.memory_space<vmem>>[vector<16xi32>], vector<16xi32>,
      %gather3A_135 = tpu.vector_load_idx %arg13[%get3A_130] : memref<10240xf32, #tpu.memory_space<vmem>>[vector<16xi32>], vector<16xf32>,
      %mul3A_136 = arith.constant 28 : i32
      %mul3A_137 = vector.broadcast %mul3A_136 : i32 to vector<16xi32>
      %mul3A_138 = arith.muli %get3A_133, %mul3A_137 : vector<16xi32>
      %add3A_139 = arith.addi %mul3A_138, %gather3A_134 : vector<16xi32>
      %swap3A_140 = arith.index_cast %scan3A_40 : i32 to index
      %swap3A_141 = arith.constant 80 : index
      %swap3A_142 = tpu.vector_load %arg15[%swap3A_140, %swap3A_141] {strides = array<i32>} : memref<40x128xi32, #tpu.memory_space<vmem>>, vector<16xi32>,
      tpu.vector_store %arg15[%swap3A_140, %swap3A_141], %add3A_139 {strides = array<i32>} : memref<40x128xi32, #tpu.memory_space<vmem>>, vector<16xi32>,
      %swap3A_143 = arith.index_cast %scan3A_40 : i32 to index
      %swap3A_144 = arith.constant 80 : index
      %swap3A_145 = tpu.vector_load %arg14[%swap3A_143, %swap3A_144] {strides = array<i32>} : memref<40x128xf32, #tpu.memory_space<vmem>>, vector<16xf32>,
      tpu.vector_store %arg14[%swap3A_143, %swap3A_144], %gather3A_135 {strides = array<i32>} : memref<40x128xf32, #tpu.memory_space<vmem>>, vector<16xf32>,
      %get3A_146 = arith.index_cast %scan3A_40 : i32 to index
      %get3A_147 = arith.constant 96 : index
      %get3A_148 = tpu.vector_load %arg10[%get3A_146, %get3A_147] {strides = array<i32>} : memref<40x128xi32, #tpu.memory_space<vmem>>, vector<16xi32>,
      %get3A_149 = arith.index_cast %scan3A_40 : i32 to index
      %get3A_150 = arith.constant 96 : index
      %get3A_151 = tpu.vector_load %arg11[%get3A_149, %get3A_150] {strides = array<i32>} : memref<40x128xi32, #tpu.memory_space<vmem>>, vector<16xi32>,
      %gather3A_152 = tpu.vector_load_idx %arg12[%get3A_148] : memref<10240xi32, #tpu.memory_space<vmem>>[vector<16xi32>], vector<16xi32>,
      %gather3A_153 = tpu.vector_load_idx %arg13[%get3A_148] : memref<10240xf32, #tpu.memory_space<vmem>>[vector<16xi32>], vector<16xf32>,
      %mul3A_154 = arith.constant 28 : i32
      %mul3A_155 = vector.broadcast %mul3A_154 : i32 to vector<16xi32>
      %mul3A_156 = arith.muli %get3A_151, %mul3A_155 : vector<16xi32>
      %add3A_157 = arith.addi %mul3A_156, %gather3A_152 : vector<16xi32>
      %swap3A_158 = arith.index_cast %scan3A_40 : i32 to index
      %swap3A_159 = arith.constant 96 : index
      %swap3A_160 = tpu.vector_load %arg15[%swap3A_158, %swap3A_159] {strides = array<i32>} : memref<40x128xi32, #tpu.memory_space<vmem>>, vector<16xi32>,
      tpu.vector_store %arg15[%swap3A_158, %swap3A_159], %add3A_157 {strides = array<i32>} : memref<40x128xi32, #tpu.memory_space<vmem>>, vector<16xi32>,
      %swap3A_161 = arith.index_cast %scan3A_40 : i32 to index
      %swap3A_162 = arith.constant 96 : index
      %swap3A_163 = tpu.vector_load %arg14[%swap3A_161, %swap3A_162] {strides = array<i32>} : memref<40x128xf32, #tpu.memory_space<vmem>>, vector<16xf32>,
      tpu.vector_store %arg14[%swap3A_161, %swap3A_162], %gather3A_153 {strides = array<i32>} : memref<40x128xf32, #tpu.memory_space<vmem>>, vector<16xf32>,
      %get3A_164 = arith.index_cast %scan3A_40 : i32 to index
      %get3A_165 = arith.constant 112 : index
      %get3A_166 = tpu.vector_load %arg10[%get3A_164, %get3A_165] {strides = array<i32>} : memref<40x128xi32, #tpu.memory_space<vmem>>, vector<16xi32>,
      %get3A_167 = arith.index_cast %scan3A_40 : i32 to index
      %get3A_168 = arith.constant 112 : index
      %get3A_169 = tpu.vector_load %arg11[%get3A_167, %get3A_168] {strides = array<i32>} : memref<40x128xi32, #tpu.memory_space<vmem>>, vector<16xi32>,
      %gather3A_170 = tpu.vector_load_idx %arg12[%get3A_166] : memref<10240xi32, #tpu.memory_space<vmem>>[vector<16xi32>], vector<16xi32>,
      %gather3A_171 = tpu.vector_load_idx %arg13[%get3A_166] : memref<10240xf32, #tpu.memory_space<vmem>>[vector<16xi32>], vector<16xf32>,
      %mul3A_172 = arith.constant 28 : i32
      %mul3A_173 = vector.broadcast %mul3A_172 : i32 to vector<16xi32>
      %mul3A_174 = arith.muli %get3A_169, %mul3A_173 : vector<16xi32>
      %add3A_175 = arith.addi %mul3A_174, %gather3A_170 : vector<16xi32>
      %swap3A_176 = arith.index_cast %scan3A_40 : i32 to index
      %swap3A_177 = arith.constant 112 : index
      %swap3A_178 = tpu.vector_load %arg15[%swap3A_176, %swap3A_177] {strides = array<i32>} : memref<40x128xi32, #tpu.memory_space<vmem>>, vector<16xi32>,
      tpu.vector_store %arg15[%swap3A_176, %swap3A_177], %add3A_175 {strides = array<i32>} : memref<40x128xi32, #tpu.memory_space<vmem>>, vector<16xi32>,
      %swap3A_179 = arith.index_cast %scan3A_40 : i32 to index
      %swap3A_180 = arith.constant 112 : index
      %swap3A_181 = tpu.vector_load %arg14[%swap3A_179, %swap3A_180] {strides = array<i32>} : memref<40x128xf32, #tpu.memory_space<vmem>>, vector<16xf32>,
      tpu.vector_store %arg14[%swap3A_179, %swap3A_180], %gather3A_171 {strides = array<i32>} : memref<40x128xf32, #tpu.memory_space<vmem>>, vector<16xf32>,
      %dma_start3A = arith.constant 0 : i32
      %dma_start3A_182 = tpu.memref_slice %arg14[%scan3A_40, %dma_start3A] : memref<40x128xf32, #tpu.memory_space<vmem>> -> memref<1x128xf32, #tpu.memory_space<vmem>>
      %dma_start3A_183 = tpu.memref_squeeze %dma_start3A_182 : memref<1x128xf32, #tpu.memory_space<vmem>> -> memref<128xf32, #tpu.memory_space<vmem>>
      %dma_start3A_184 = arith.constant 0 : i32
      %dma_start3A_185 = tpu.memref_slice %arg15[%scan3A_40, %dma_start3A_184] : memref<40x128xi32, #tpu.memory_space<vmem>> -> memref<1x128xi32, #tpu.memory_space<vmem>>
      %dma_start3A_186 = tpu.memref_squeeze %dma_start3A_185 : memref<1x128xi32, #tpu.memory_space<vmem>> -> memref<128xi32, #tpu.memory_space<vmem>>
      %dma_start3A_187 = arith.constant 0 : i32
      %dma_start3A_188 = tpu.memref_slice %arg16[%dma_start3A_187] : memref<280576xf32, #tpu.memory_space<vmem_shared>> -> memref<280576xf32, #tpu.memory_space<vmem_shared>>
      tpu.enqueue_indirect_dma source(%dma_start3A_183 : memref<128xf32, #tpu.memory_space<vmem>>) target(%dma_start3A_188 : memref<280576xf32, #tpu.memory_space<vmem_shared>>) offsets(%dma_start3A_186 : memref<128xi32, #tpu.memory_space<vmem>>) semaphore(%arg18 : memref<!tpu.dma_semaphore, #tpu.memory_space<semaphore_mem>>) {add = true}
    }
    %scan3A_9 = arith.constant 40 : i32
    %scan3A_10 = arith.constant 0 : i32
    %scan3A_11 = arith.constant 0 : i32
    %scan3A_12 = arith.constant 40 : i32
    %scan3A_13 = arith.addi %scan3A_11, %scan3A_12 : i32
    %scan3A_14 = arith.constant 1 : i32
    scf.for %scan3A_40 = %scan3A_11 to %scan3A_13 step %scan3A_14  : i32 {
      %dma_wait3A = arith.constant 0 : i32
      %dma_wait3A_41 = tpu.memref_slice %arg14[%scan3A_40, %dma_wait3A] : memref<40x128xf32, #tpu.memory_space<vmem>> -> memref<1x128xf32, #tpu.memory_space<vmem>>
      %dma_wait3A_42 = tpu.memref_squeeze %dma_wait3A_41 : memref<1x128xf32, #tpu.memory_space<vmem>> -> memref<128xf32, #tpu.memory_space<vmem>>
      %dma_wait3A_43 = arith.constant 0 : i32
      %dma_wait3A_44 = tpu.memref_slice %arg15[%scan3A_40, %dma_wait3A_43] : memref<40x128xi32, #tpu.memory_space<vmem>> -> memref<1x128xi32, #tpu.memory_space<vmem>>
      %dma_wait3A_45 = tpu.memref_squeeze %dma_wait3A_44 : memref<1x128xi32, #tpu.memory_space<vmem>> -> memref<128xi32, #tpu.memory_space<vmem>>
      %dma_wait3A_46 = arith.constant 0 : i32
      %dma_wait3A_47 = tpu.memref_slice %arg16[%dma_wait3A_46] : memref<280576xf32, #tpu.memory_space<vmem_shared>> -> memref<280576xf32, #tpu.memory_space<vmem_shared>>
      tpu.wait_indirect_dma semaphore(%arg18 : memref<!tpu.dma_semaphore, #tpu.memory_space<semaphore_mem>>) src(%dma_wait3A_42 : memref<128xf32, #tpu.memory_space<vmem>>) dst(%dma_wait3A_47 : memref<280576xf32, #tpu.memory_space<vmem_shared>>)
    }
    %scan3A_15 = arith.constant 40 : i32
    %run_scoped3A_16 = arith.constant 1 : i32
    "tpu.region"() ({
      %run_scoped3A_40 = tpu.sem_alloc : memref<!tpu.dma_semaphore, #tpu.memory_space<semaphore_mem>>
      %dma_start3A = arith.constant 0 : i32
      %dma_start3A_41 = tpu.memref_slice %arg7[%run_scoped3A_16, %dma_start3A] : memref<2x10240xf32, #tpu.memory_space<hbm>> -> memref<1x10240xf32, #tpu.memory_space<hbm>>
      %dma_start3A_42 = tpu.memref_squeeze %dma_start3A_41 : memref<1x10240xf32, #tpu.memory_space<hbm>> -> memref<10240xf32, #tpu.memory_space<hbm>>
      %dma_start3A_43 = arith.constant 0 : i32
      %dma_start3A_44 = tpu.memref_slice %arg7[%run_scoped3A_16, %dma_start3A_43] : memref<2x10240xf32, #tpu.memory_space<hbm>> -> memref<1x10240xf32, #tpu.memory_space<hbm>>
      %dma_start3A_45 = tpu.memref_squeeze %dma_start3A_44 : memref<1x10240xf32, #tpu.memory_space<hbm>> -> memref<10240xf32, #tpu.memory_space<hbm>>
      tpu.enqueue_dma source(%dma_start3A_45 : memref<10240xf32, #tpu.memory_space<hbm>>) target(%arg13 : memref<10240xf32, #tpu.memory_space<vmem>>) target_semaphore(%run_scoped3A_40 : memref<!tpu.dma_semaphore, #tpu.memory_space<semaphore_mem>>)
      %dma_wait3A = arith.constant 0 : i32
      %dma_wait3A_46 = tpu.memref_slice %arg7[%run_scoped3A_16, %dma_wait3A] : memref<2x10240xf32, #tpu.memory_space<hbm>> -> memref<1x10240xf32, #tpu.memory_space<hbm>>
      %dma_wait3A_47 = tpu.memref_squeeze %dma_wait3A_46 : memref<1x10240xf32, #tpu.memory_space<hbm>> -> memref<10240xf32, #tpu.memory_space<hbm>>
      %dma_wait3A_48 = arith.constant 0 : i32
      %dma_wait3A_49 = tpu.memref_slice %arg7[%run_scoped3A_16, %dma_wait3A_48] : memref<2x10240xf32, #tpu.memory_space<hbm>> -> memref<1x10240xf32, #tpu.memory_space<hbm>>
      %dma_wait3A_50 = tpu.memref_squeeze %dma_wait3A_49 : memref<1x10240xf32, #tpu.memory_space<hbm>> -> memref<10240xf32, #tpu.memory_space<hbm>>
      tpu.wait_dma2 semaphore(%run_scoped3A_40 : memref<!tpu.dma_semaphore, #tpu.memory_space<semaphore_mem>>) src(%dma_wait3A_50 : memref<10240xf32, #tpu.memory_space<hbm>>) dst(%arg13 : memref<10240xf32, #tpu.memory_space<vmem>>)
      tpu.yield
    }) : () -> ()
    "tpu.region"() ({
      %run_scoped3A_40 = tpu.sem_alloc : memref<!tpu.dma_semaphore, #tpu.memory_space<semaphore_mem>>
      %dma_start3A = arith.constant 0 : i32
      %dma_start3A_41 = arith.constant 0 : i32
      %dma_start3A_42 = tpu.memref_slice %arg4[%add3A, %dma_start3A, %dma_start3A_41] : memref<32x40x128xi32, #tpu.memory_space<hbm>> -> memref<1x40x128xi32, #tpu.memory_space<hbm>>
      %dma_start3A_43 = tpu.memref_squeeze %dma_start3A_42 : memref<1x40x128xi32, #tpu.memory_space<hbm>> -> memref<40x128xi32, #tpu.memory_space<hbm>>
      %dma_start3A_44 = arith.constant 0 : i32
      %dma_start3A_45 = arith.constant 0 : i32
      %dma_start3A_46 = tpu.memref_slice %arg4[%add3A, %dma_start3A_44, %dma_start3A_45] : memref<32x40x128xi32, #tpu.memory_space<hbm>> -> memref<1x40x128xi32, #tpu.memory_space<hbm>>
      %dma_start3A_47 = tpu.memref_squeeze %dma_start3A_46 : memref<1x40x128xi32, #tpu.memory_space<hbm>> -> memref<40x128xi32, #tpu.memory_space<hbm>>
      tpu.enqueue_dma source(%dma_start3A_47 : memref<40x128xi32, #tpu.memory_space<hbm>>) target(%arg10 : memref<40x128xi32, #tpu.memory_space<vmem>>) target_semaphore(%run_scoped3A_40 : memref<!tpu.dma_semaphore, #tpu.memory_space<semaphore_mem>>)
      %dma_wait3A = arith.constant 0 : i32
      %dma_wait3A_48 = arith.constant 0 : i32
      %dma_wait3A_49 = tpu.memref_slice %arg4[%add3A, %dma_wait3A, %dma_wait3A_48] : memref<32x40x128xi32, #tpu.memory_space<hbm>> -> memref<1x40x128xi32, #tpu.memory_space<hbm>>
      %dma_wait3A_50 = tpu.memref_squeeze %dma_wait3A_49 : memref<1x40x128xi32, #tpu.memory_space<hbm>> -> memref<40x128xi32, #tpu.memory_space<hbm>>
      %dma_wait3A_51 = arith.constant 0 : i32
      %dma_wait3A_52 = arith.constant 0 : i32
      %dma_wait3A_53 = tpu.memref_slice %arg4[%add3A, %dma_wait3A_51, %dma_wait3A_52] : memref<32x40x128xi32, #tpu.memory_space<hbm>> -> memref<1x40x128xi32, #tpu.memory_space<hbm>>
      %dma_wait3A_54 = tpu.memref_squeeze %dma_wait3A_53 : memref<1x40x128xi32, #tpu.memory_space<hbm>> -> memref<40x128xi32, #tpu.memory_space<hbm>>
      tpu.wait_dma2 semaphore(%run_scoped3A_40 : memref<!tpu.dma_semaphore, #tpu.memory_space<semaphore_mem>>) src(%dma_wait3A_54 : memref<40x128xi32, #tpu.memory_space<hbm>>) dst(%arg10 : memref<40x128xi32, #tpu.memory_space<vmem>>)
      tpu.yield
    }) : () -> ()
    "tpu.region"() ({
      %run_scoped3A_40 = tpu.sem_alloc : memref<!tpu.dma_semaphore, #tpu.memory_space<semaphore_mem>>
      %dma_start3A = arith.constant 0 : i32
      %dma_start3A_41 = arith.constant 0 : i32
      %dma_start3A_42 = tpu.memref_slice %arg5[%add3A, %dma_start3A, %dma_start3A_41] : memref<32x40x128xi32, #tpu.memory_space<hbm>> -> memref<1x40x128xi32, #tpu.memory_space<hbm>>
      %dma_start3A_43 = tpu.memref_squeeze %dma_start3A_42 : memref<1x40x128xi32, #tpu.memory_space<hbm>> -> memref<40x128xi32, #tpu.memory_space<hbm>>
      %dma_start3A_44 = arith.constant 0 : i32
      %dma_start3A_45 = arith.constant 0 : i32
      %dma_start3A_46 = tpu.memref_slice %arg5[%add3A, %dma_start3A_44, %dma_start3A_45] : memref<32x40x128xi32, #tpu.memory_space<hbm>> -> memref<1x40x128xi32, #tpu.memory_space<hbm>>
      %dma_start3A_47 = tpu.memref_squeeze %dma_start3A_46 : memref<1x40x128xi32, #tpu.memory_space<hbm>> -> memref<40x128xi32, #tpu.memory_space<hbm>>
      tpu.enqueue_dma source(%dma_start3A_47 : memref<40x128xi32, #tpu.memory_space<hbm>>) target(%arg11 : memref<40x128xi32, #tpu.memory_space<vmem>>) target_semaphore(%run_scoped3A_40 : memref<!tpu.dma_semaphore, #tpu.memory_space<semaphore_mem>>)
      %dma_wait3A = arith.constant 0 : i32
      %dma_wait3A_48 = arith.constant 0 : i32
      %dma_wait3A_49 = tpu.memref_slice %arg5[%add3A, %dma_wait3A, %dma_wait3A_48] : memref<32x40x128xi32, #tpu.memory_space<hbm>> -> memref<1x40x128xi32, #tpu.memory_space<hbm>>
      %dma_wait3A_50 = tpu.memref_squeeze %dma_wait3A_49 : memref<1x40x128xi32, #tpu.memory_space<hbm>> -> memref<40x128xi32, #tpu.memory_space<hbm>>
      %dma_wait3A_51 = arith.constant 0 : i32
      %dma_wait3A_52 = arith.constant 0 : i32
      %dma_wait3A_53 = tpu.memref_slice %arg5[%add3A, %dma_wait3A_51, %dma_wait3A_52] : memref<32x40x128xi32, #tpu.memory_space<hbm>> -> memref<1x40x128xi32, #tpu.memory_space<hbm>>
      %dma_wait3A_54 = tpu.memref_squeeze %dma_wait3A_53 : memref<1x40x128xi32, #tpu.memory_space<hbm>> -> memref<40x128xi32, #tpu.memory_space<hbm>>
      tpu.wait_dma2 semaphore(%run_scoped3A_40 : memref<!tpu.dma_semaphore, #tpu.memory_space<semaphore_mem>>) src(%dma_wait3A_54 : memref<40x128xi32, #tpu.memory_space<hbm>>) dst(%arg11 : memref<40x128xi32, #tpu.memory_space<vmem>>)
      tpu.yield
    }) : () -> ()
    %scan3A_17 = arith.constant 0 : i32
    %scan3A_18 = arith.constant 0 : i32
    %scan3A_19 = arith.constant 40 : i32
    %scan3A_20 = arith.addi %scan3A_18, %scan3A_19 : i32
    %scan3A_21 = arith.constant 1 : i32
    scf.for %scan3A_40 = %scan3A_18 to %scan3A_20 step %scan3A_21  : i32 {
      %get3A = arith.index_cast %scan3A_40 : i32 to index
      %get3A_41 = arith.constant 0 : index
      %get3A_42 = tpu.vector_load %arg10[%get3A, %get3A_41] {strides = array<i32>} : memref<40x128xi32, #tpu.memory_space<vmem>>, vector<16xi32>,
      %get3A_43 = arith.index_cast %scan3A_40 : i32 to index
      %get3A_44 = arith.constant 0 : index
      %get3A_45 = tpu.vector_load %arg11[%get3A_43, %get3A_44] {strides = array<i32>} : memref<40x128xi32, #tpu.memory_space<vmem>>, vector<16xi32>,
      %gather3A = tpu.vector_load_idx %arg12[%get3A_42] : memref<10240xi32, #tpu.memory_space<vmem>>[vector<16xi32>], vector<16xi32>,
      %gather3A_46 = tpu.vector_load_idx %arg13[%get3A_42] : memref<10240xf32, #tpu.memory_space<vmem>>[vector<16xi32>], vector<16xf32>,
      %mul3A_47 = arith.constant 28 : i32
      %mul3A_48 = vector.broadcast %mul3A_47 : i32 to vector<16xi32>
      %mul3A_49 = arith.muli %get3A_45, %mul3A_48 : vector<16xi32>
      %add3A_50 = arith.addi %mul3A_49, %gather3A : vector<16xi32>
      %swap3A = arith.index_cast %scan3A_40 : i32 to index
      %swap3A_51 = arith.constant 0 : index
      %swap3A_52 = tpu.vector_load %arg15[%swap3A, %swap3A_51] {strides = array<i32>} : memref<40x128xi32, #tpu.memory_space<vmem>>, vector<16xi32>,
      tpu.vector_store %arg15[%swap3A, %swap3A_51], %add3A_50 {strides = array<i32>} : memref<40x128xi32, #tpu.memory_space<vmem>>, vector<16xi32>,
      %swap3A_53 = arith.index_cast %scan3A_40 : i32 to index
      %swap3A_54 = arith.constant 0 : index
      %swap3A_55 = tpu.vector_load %arg14[%swap3A_53, %swap3A_54] {strides = array<i32>} : memref<40x128xf32, #tpu.memory_space<vmem>>, vector<16xf32>,
      tpu.vector_store %arg14[%swap3A_53, %swap3A_54], %gather3A_46 {strides = array<i32>} : memref<40x128xf32, #tpu.memory_space<vmem>>, vector<16xf32>,
      %get3A_56 = arith.index_cast %scan3A_40 : i32 to index
      %get3A_57 = arith.constant 16 : index
      %get3A_58 = tpu.vector_load %arg10[%get3A_56, %get3A_57] {strides = array<i32>} : memref<40x128xi32, #tpu.memory_space<vmem>>, vector<16xi32>,
      %get3A_59 = arith.index_cast %scan3A_40 : i32 to index
      %get3A_60 = arith.constant 16 : index
      %get3A_61 = tpu.vector_load %arg11[%get3A_59, %get3A_60] {strides = array<i32>} : memref<40x128xi32, #tpu.memory_space<vmem>>, vector<16xi32>,
      %gather3A_62 = tpu.vector_load_idx %arg12[%get3A_58] : memref<10240xi32, #tpu.memory_space<vmem>>[vector<16xi32>], vector<16xi32>,
      %gather3A_63 = tpu.vector_load_idx %arg13[%get3A_58] : memref<10240xf32, #tpu.memory_space<vmem>>[vector<16xi32>], vector<16xf32>,
      %mul3A_64 = arith.constant 28 : i32
      %mul3A_65 = vector.broadcast %mul3A_64 : i32 to vector<16xi32>
      %mul3A_66 = arith.muli %get3A_61, %mul3A_65 : vector<16xi32>
      %add3A_67 = arith.addi %mul3A_66, %gather3A_62 : vector<16xi32>
      %swap3A_68 = arith.index_cast %scan3A_40 : i32 to index
      %swap3A_69 = arith.constant 16 : index
      %swap3A_70 = tpu.vector_load %arg15[%swap3A_68, %swap3A_69] {strides = array<i32>} : memref<40x128xi32, #tpu.memory_space<vmem>>, vector<16xi32>,
      tpu.vector_store %arg15[%swap3A_68, %swap3A_69], %add3A_67 {strides = array<i32>} : memref<40x128xi32, #tpu.memory_space<vmem>>, vector<16xi32>,
      %swap3A_71 = arith.index_cast %scan3A_40 : i32 to index
      %swap3A_72 = arith.constant 16 : index
      %swap3A_73 = tpu.vector_load %arg14[%swap3A_71, %swap3A_72] {strides = array<i32>} : memref<40x128xf32, #tpu.memory_space<vmem>>, vector<16xf32>,
      tpu.vector_store %arg14[%swap3A_71, %swap3A_72], %gather3A_63 {strides = array<i32>} : memref<40x128xf32, #tpu.memory_space<vmem>>, vector<16xf32>,
      %get3A_74 = arith.index_cast %scan3A_40 : i32 to index
      %get3A_75 = arith.constant 32 : index
      %get3A_76 = tpu.vector_load %arg10[%get3A_74, %get3A_75] {strides = array<i32>} : memref<40x128xi32, #tpu.memory_space<vmem>>, vector<16xi32>,
      %get3A_77 = arith.index_cast %scan3A_40 : i32 to index
      %get3A_78 = arith.constant 32 : index
      %get3A_79 = tpu.vector_load %arg11[%get3A_77, %get3A_78] {strides = array<i32>} : memref<40x128xi32, #tpu.memory_space<vmem>>, vector<16xi32>,
      %gather3A_80 = tpu.vector_load_idx %arg12[%get3A_76] : memref<10240xi32, #tpu.memory_space<vmem>>[vector<16xi32>], vector<16xi32>,
      %gather3A_81 = tpu.vector_load_idx %arg13[%get3A_76] : memref<10240xf32, #tpu.memory_space<vmem>>[vector<16xi32>], vector<16xf32>,
      %mul3A_82 = arith.constant 28 : i32
      %mul3A_83 = vector.broadcast %mul3A_82 : i32 to vector<16xi32>
      %mul3A_84 = arith.muli %get3A_79, %mul3A_83 : vector<16xi32>
      %add3A_85 = arith.addi %mul3A_84, %gather3A_80 : vector<16xi32>
      %swap3A_86 = arith.index_cast %scan3A_40 : i32 to index
      %swap3A_87 = arith.constant 32 : index
      %swap3A_88 = tpu.vector_load %arg15[%swap3A_86, %swap3A_87] {strides = array<i32>} : memref<40x128xi32, #tpu.memory_space<vmem>>, vector<16xi32>,
      tpu.vector_store %arg15[%swap3A_86, %swap3A_87], %add3A_85 {strides = array<i32>} : memref<40x128xi32, #tpu.memory_space<vmem>>, vector<16xi32>,
      %swap3A_89 = arith.index_cast %scan3A_40 : i32 to index
      %swap3A_90 = arith.constant 32 : index
      %swap3A_91 = tpu.vector_load %arg14[%swap3A_89, %swap3A_90] {strides = array<i32>} : memref<40x128xf32, #tpu.memory_space<vmem>>, vector<16xf32>,
      tpu.vector_store %arg14[%swap3A_89, %swap3A_90], %gather3A_81 {strides = array<i32>} : memref<40x128xf32, #tpu.memory_space<vmem>>, vector<16xf32>,
      %get3A_92 = arith.index_cast %scan3A_40 : i32 to index
      %get3A_93 = arith.constant 48 : index
      %get3A_94 = tpu.vector_load %arg10[%get3A_92, %get3A_93] {strides = array<i32>} : memref<40x128xi32, #tpu.memory_space<vmem>>, vector<16xi32>,
      %get3A_95 = arith.index_cast %scan3A_40 : i32 to index
      %get3A_96 = arith.constant 48 : index
      %get3A_97 = tpu.vector_load %arg11[%get3A_95, %get3A_96] {strides = array<i32>} : memref<40x128xi32, #tpu.memory_space<vmem>>, vector<16xi32>,
      %gather3A_98 = tpu.vector_load_idx %arg12[%get3A_94] : memref<10240xi32, #tpu.memory_space<vmem>>[vector<16xi32>], vector<16xi32>,
      %gather3A_99 = tpu.vector_load_idx %arg13[%get3A_94] : memref<10240xf32, #tpu.memory_space<vmem>>[vector<16xi32>], vector<16xf32>,
      %mul3A_100 = arith.constant 28 : i32
      %mul3A_101 = vector.broadcast %mul3A_100 : i32 to vector<16xi32>
      %mul3A_102 = arith.muli %get3A_97, %mul3A_101 : vector<16xi32>
      %add3A_103 = arith.addi %mul3A_102, %gather3A_98 : vector<16xi32>
      %swap3A_104 = arith.index_cast %scan3A_40 : i32 to index
      %swap3A_105 = arith.constant 48 : index
      %swap3A_106 = tpu.vector_load %arg15[%swap3A_104, %swap3A_105] {strides = array<i32>} : memref<40x128xi32, #tpu.memory_space<vmem>>, vector<16xi32>,
      tpu.vector_store %arg15[%swap3A_104, %swap3A_105], %add3A_103 {strides = array<i32>} : memref<40x128xi32, #tpu.memory_space<vmem>>, vector<16xi32>,
      %swap3A_107 = arith.index_cast %scan3A_40 : i32 to index
      %swap3A_108 = arith.constant 48 : index
      %swap3A_109 = tpu.vector_load %arg14[%swap3A_107, %swap3A_108] {strides = array<i32>} : memref<40x128xf32, #tpu.memory_space<vmem>>, vector<16xf32>,
      tpu.vector_store %arg14[%swap3A_107, %swap3A_108], %gather3A_99 {strides = array<i32>} : memref<40x128xf32, #tpu.memory_space<vmem>>, vector<16xf32>,
      %get3A_110 = arith.index_cast %scan3A_40 : i32 to index
      %get3A_111 = arith.constant 64 : index
      %get3A_112 = tpu.vector_load %arg10[%get3A_110, %get3A_111] {strides = array<i32>} : memref<40x128xi32, #tpu.memory_space<vmem>>, vector<16xi32>,
      %get3A_113 = arith.index_cast %scan3A_40 : i32 to index
      %get3A_114 = arith.constant 64 : index
      %get3A_115 = tpu.vector_load %arg11[%get3A_113, %get3A_114] {strides = array<i32>} : memref<40x128xi32, #tpu.memory_space<vmem>>, vector<16xi32>,
      %gather3A_116 = tpu.vector_load_idx %arg12[%get3A_112] : memref<10240xi32, #tpu.memory_space<vmem>>[vector<16xi32>], vector<16xi32>,
      %gather3A_117 = tpu.vector_load_idx %arg13[%get3A_112] : memref<10240xf32, #tpu.memory_space<vmem>>[vector<16xi32>], vector<16xf32>,
      %mul3A_118 = arith.constant 28 : i32
      %mul3A_119 = vector.broadcast %mul3A_118 : i32 to vector<16xi32>
      %mul3A_120 = arith.muli %get3A_115, %mul3A_119 : vector<16xi32>
      %add3A_121 = arith.addi %mul3A_120, %gather3A_116 : vector<16xi32>
      %swap3A_122 = arith.index_cast %scan3A_40 : i32 to index
      %swap3A_123 = arith.constant 64 : index
      %swap3A_124 = tpu.vector_load %arg15[%swap3A_122, %swap3A_123] {strides = array<i32>} : memref<40x128xi32, #tpu.memory_space<vmem>>, vector<16xi32>,
      tpu.vector_store %arg15[%swap3A_122, %swap3A_123], %add3A_121 {strides = array<i32>} : memref<40x128xi32, #tpu.memory_space<vmem>>, vector<16xi32>,
      %swap3A_125 = arith.index_cast %scan3A_40 : i32 to index
      %swap3A_126 = arith.constant 64 : index
      %swap3A_127 = tpu.vector_load %arg14[%swap3A_125, %swap3A_126] {strides = array<i32>} : memref<40x128xf32, #tpu.memory_space<vmem>>, vector<16xf32>,
      tpu.vector_store %arg14[%swap3A_125, %swap3A_126], %gather3A_117 {strides = array<i32>} : memref<40x128xf32, #tpu.memory_space<vmem>>, vector<16xf32>,
      %get3A_128 = arith.index_cast %scan3A_40 : i32 to index
      %get3A_129 = arith.constant 80 : index
      %get3A_130 = tpu.vector_load %arg10[%get3A_128, %get3A_129] {strides = array<i32>} : memref<40x128xi32, #tpu.memory_space<vmem>>, vector<16xi32>,
      %get3A_131 = arith.index_cast %scan3A_40 : i32 to index
      %get3A_132 = arith.constant 80 : index
      %get3A_133 = tpu.vector_load %arg11[%get3A_131, %get3A_132] {strides = array<i32>} : memref<40x128xi32, #tpu.memory_space<vmem>>, vector<16xi32>,
      %gather3A_134 = tpu.vector_load_idx %arg12[%get3A_130] : memref<10240xi32, #tpu.memory_space<vmem>>[vector<16xi32>], vector<16xi32>,
      %gather3A_135 = tpu.vector_load_idx %arg13[%get3A_130] : memref<10240xf32, #tpu.memory_space<vmem>>[vector<16xi32>], vector<16xf32>,
      %mul3A_136 = arith.constant 28 : i32
      %mul3A_137 = vector.broadcast %mul3A_136 : i32 to vector<16xi32>
      %mul3A_138 = arith.muli %get3A_133, %mul3A_137 : vector<16xi32>
      %add3A_139 = arith.addi %mul3A_138, %gather3A_134 : vector<16xi32>
      %swap3A_140 = arith.index_cast %scan3A_40 : i32 to index
      %swap3A_141 = arith.constant 80 : index
      %swap3A_142 = tpu.vector_load %arg15[%swap3A_140, %swap3A_141] {strides = array<i32>} : memref<40x128xi32, #tpu.memory_space<vmem>>, vector<16xi32>,
      tpu.vector_store %arg15[%swap3A_140, %swap3A_141], %add3A_139 {strides = array<i32>} : memref<40x128xi32, #tpu.memory_space<vmem>>, vector<16xi32>,
      %swap3A_143 = arith.index_cast %scan3A_40 : i32 to index
      %swap3A_144 = arith.constant 80 : index
      %swap3A_145 = tpu.vector_load %arg14[%swap3A_143, %swap3A_144] {strides = array<i32>} : memref<40x128xf32, #tpu.memory_space<vmem>>, vector<16xf32>,
      tpu.vector_store %arg14[%swap3A_143, %swap3A_144], %gather3A_135 {strides = array<i32>} : memref<40x128xf32, #tpu.memory_space<vmem>>, vector<16xf32>,
      %get3A_146 = arith.index_cast %scan3A_40 : i32 to index
      %get3A_147 = arith.constant 96 : index
      %get3A_148 = tpu.vector_load %arg10[%get3A_146, %get3A_147] {strides = array<i32>} : memref<40x128xi32, #tpu.memory_space<vmem>>, vector<16xi32>,
      %get3A_149 = arith.index_cast %scan3A_40 : i32 to index
      %get3A_150 = arith.constant 96 : index
      %get3A_151 = tpu.vector_load %arg11[%get3A_149, %get3A_150] {strides = array<i32>} : memref<40x128xi32, #tpu.memory_space<vmem>>, vector<16xi32>,
      %gather3A_152 = tpu.vector_load_idx %arg12[%get3A_148] : memref<10240xi32, #tpu.memory_space<vmem>>[vector<16xi32>], vector<16xi32>,
      %gather3A_153 = tpu.vector_load_idx %arg13[%get3A_148] : memref<10240xf32, #tpu.memory_space<vmem>>[vector<16xi32>], vector<16xf32>,
      %mul3A_154 = arith.constant 28 : i32
      %mul3A_155 = vector.broadcast %mul3A_154 : i32 to vector<16xi32>
      %mul3A_156 = arith.muli %get3A_151, %mul3A_155 : vector<16xi32>
      %add3A_157 = arith.addi %mul3A_156, %gather3A_152 : vector<16xi32>
      %swap3A_158 = arith.index_cast %scan3A_40 : i32 to index
      %swap3A_159 = arith.constant 96 : index
      %swap3A_160 = tpu.vector_load %arg15[%swap3A_158, %swap3A_159] {strides = array<i32>} : memref<40x128xi32, #tpu.memory_space<vmem>>, vector<16xi32>,
      tpu.vector_store %arg15[%swap3A_158, %swap3A_159], %add3A_157 {strides = array<i32>} : memref<40x128xi32, #tpu.memory_space<vmem>>, vector<16xi32>,
      %swap3A_161 = arith.index_cast %scan3A_40 : i32 to index
      %swap3A_162 = arith.constant 96 : index
      %swap3A_163 = tpu.vector_load %arg14[%swap3A_161, %swap3A_162] {strides = array<i32>} : memref<40x128xf32, #tpu.memory_space<vmem>>, vector<16xf32>,
      tpu.vector_store %arg14[%swap3A_161, %swap3A_162], %gather3A_153 {strides = array<i32>} : memref<40x128xf32, #tpu.memory_space<vmem>>, vector<16xf32>,
      %get3A_164 = arith.index_cast %scan3A_40 : i32 to index
      %get3A_165 = arith.constant 112 : index
      %get3A_166 = tpu.vector_load %arg10[%get3A_164, %get3A_165] {strides = array<i32>} : memref<40x128xi32, #tpu.memory_space<vmem>>, vector<16xi32>,
      %get3A_167 = arith.index_cast %scan3A_40 : i32 to index
      %get3A_168 = arith.constant 112 : index
      %get3A_169 = tpu.vector_load %arg11[%get3A_167, %get3A_168] {strides = array<i32>} : memref<40x128xi32, #tpu.memory_space<vmem>>, vector<16xi32>,
      %gather3A_170 = tpu.vector_load_idx %arg12[%get3A_166] : memref<10240xi32, #tpu.memory_space<vmem>>[vector<16xi32>], vector<16xi32>,
      %gather3A_171 = tpu.vector_load_idx %arg13[%get3A_166] : memref<10240xf32, #tpu.memory_space<vmem>>[vector<16xi32>], vector<16xf32>,
      %mul3A_172 = arith.constant 28 : i32
      %mul3A_173 = vector.broadcast %mul3A_172 : i32 to vector<16xi32>
      %mul3A_174 = arith.muli %get3A_169, %mul3A_173 : vector<16xi32>
      %add3A_175 = arith.addi %mul3A_174, %gather3A_170 : vector<16xi32>
      %swap3A_176 = arith.index_cast %scan3A_40 : i32 to index
      %swap3A_177 = arith.constant 112 : index
      %swap3A_178 = tpu.vector_load %arg15[%swap3A_176, %swap3A_177] {strides = array<i32>} : memref<40x128xi32, #tpu.memory_space<vmem>>, vector<16xi32>,
      tpu.vector_store %arg15[%swap3A_176, %swap3A_177], %add3A_175 {strides = array<i32>} : memref<40x128xi32, #tpu.memory_space<vmem>>, vector<16xi32>,
      %swap3A_179 = arith.index_cast %scan3A_40 : i32 to index
      %swap3A_180 = arith.constant 112 : index
      %swap3A_181 = tpu.vector_load %arg14[%swap3A_179, %swap3A_180] {strides = array<i32>} : memref<40x128xf32, #tpu.memory_space<vmem>>, vector<16xf32>,
      tpu.vector_store %arg14[%swap3A_179, %swap3A_180], %gather3A_171 {strides = array<i32>} : memref<40x128xf32, #tpu.memory_space<vmem>>, vector<16xf32>,
      %dma_start3A = arith.constant 0 : i32
      %dma_start3A_182 = tpu.memref_slice %arg14[%scan3A_40, %dma_start3A] : memref<40x128xf32, #tpu.memory_space<vmem>> -> memref<1x128xf32, #tpu.memory_space<vmem>>
      %dma_start3A_183 = tpu.memref_squeeze %dma_start3A_182 : memref<1x128xf32, #tpu.memory_space<vmem>> -> memref<128xf32, #tpu.memory_space<vmem>>
      %dma_start3A_184 = arith.constant 0 : i32
      %dma_start3A_185 = tpu.memref_slice %arg15[%scan3A_40, %dma_start3A_184] : memref<40x128xi32, #tpu.memory_space<vmem>> -> memref<1x128xi32, #tpu.memory_space<vmem>>
      %dma_start3A_186 = tpu.memref_squeeze %dma_start3A_185 : memref<1x128xi32, #tpu.memory_space<vmem>> -> memref<128xi32, #tpu.memory_space<vmem>>
      %dma_start3A_187 = arith.constant 0 : i32
      %dma_start3A_188 = tpu.memref_slice %arg17[%dma_start3A_187] : memref<280576xf32, #tpu.memory_space<vmem_shared>> -> memref<280576xf32, #tpu.memory_space<vmem_shared>>
      tpu.enqueue_indirect_dma source(%dma_start3A_183 : memref<128xf32, #tpu.memory_space<vmem>>) target(%dma_start3A_188 : memref<280576xf32, #tpu.memory_space<vmem_shared>>) offsets(%dma_start3A_186 : memref<128xi32, #tpu.memory_space<vmem>>) semaphore(%arg18 : memref<!tpu.dma_semaphore, #tpu.memory_space<semaphore_mem>>) {add = true}
    }
    %scan3A_22 = arith.constant 40 : i32
    %scan3A_23 = arith.constant 0 : i32
    %scan3A_24 = arith.constant 0 : i32
    %scan3A_25 = arith.constant 40 : i32
    %scan3A_26 = arith.addi %scan3A_24, %scan3A_25 : i32
    %scan3A_27 = arith.constant 1 : i32
    scf.for %scan3A_40 = %scan3A_24 to %scan3A_26 step %scan3A_27  : i32 {
      %dma_wait3A = arith.constant 0 : i32
      %dma_wait3A_41 = tpu.memref_slice %arg14[%scan3A_40, %dma_wait3A] : memref<40x128xf32, #tpu.memory_space<vmem>> -> memref<1x128xf32, #tpu.memory_space<vmem>>
      %dma_wait3A_42 = tpu.memref_squeeze %dma_wait3A_41 : memref<1x128xf32, #tpu.memory_space<vmem>> -> memref<128xf32, #tpu.memory_space<vmem>>
      %dma_wait3A_43 = arith.constant 0 : i32
      %dma_wait3A_44 = tpu.memref_slice %arg15[%scan3A_40, %dma_wait3A_43] : memref<40x128xi32, #tpu.memory_space<vmem>> -> memref<1x128xi32, #tpu.memory_space<vmem>>
      %dma_wait3A_45 = tpu.memref_squeeze %dma_wait3A_44 : memref<1x128xi32, #tpu.memory_space<vmem>> -> memref<128xi32, #tpu.memory_space<vmem>>
      %dma_wait3A_46 = arith.constant 0 : i32
      %dma_wait3A_47 = tpu.memref_slice %arg17[%dma_wait3A_46] : memref<280576xf32, #tpu.memory_space<vmem_shared>> -> memref<280576xf32, #tpu.memory_space<vmem_shared>>
      tpu.wait_indirect_dma semaphore(%arg18 : memref<!tpu.dma_semaphore, #tpu.memory_space<semaphore_mem>>) src(%dma_wait3A_42 : memref<128xf32, #tpu.memory_space<vmem>>) dst(%dma_wait3A_47 : memref<280576xf32, #tpu.memory_space<vmem_shared>>)
    }
    %scan3A_28 = arith.constant 40 : i32
    %barrier3A_29 = arith.constant 0 : index
    tpu.barrier barrier_id(%barrier3A_29)
    %mul3A_30 = arith.constant 17536 : i32
    %mul3A_31 = arith.muli %arg1, %mul3A_30 : i32
    %mul3A_32 = arith.constant 17536 : i32
    %mul3A_33 = arith.muli %arg1, %mul3A_32 : i32
    %run_scoped3A_34 = arith.constant 0 : i32
    "tpu.region"() ({
      %run_scoped3A_40 = tpu.sem_alloc : memref<!tpu.dma_semaphore, #tpu.memory_space<semaphore_mem>>
      %dma_start3A = tpu.memref_slice %arg9[%run_scoped3A_34, %arg0, %mul3A_33] : memref<2x2x280576xf32, #tpu.memory_space<hbm>> -> memref<1x1x17536xf32, #tpu.memory_space<hbm>>
      %dma_start3A_41 = tpu.memref_squeeze %dma_start3A : memref<1x1x17536xf32, #tpu.memory_space<hbm>> -> memref<17536xf32, #tpu.memory_space<hbm>>
      %dma_start3A_42 = tpu.memref_slice %arg16[%mul3A_31] : memref<280576xf32, #tpu.memory_space<vmem_shared>> -> memref<17536xf32, #tpu.memory_space<vmem_shared>>
      tpu.enqueue_dma source(%dma_start3A_42 : memref<17536xf32, #tpu.memory_space<vmem_shared>>) target(%dma_start3A_41 : memref<17536xf32, #tpu.memory_space<hbm>>) target_semaphore(%run_scoped3A_40 : memref<!tpu.dma_semaphore, #tpu.memory_space<semaphore_mem>>)
      %dma_wait3A = tpu.memref_slice %arg9[%run_scoped3A_34, %arg0, %mul3A_33] : memref<2x2x280576xf32, #tpu.memory_space<hbm>> -> memref<1x1x17536xf32, #tpu.memory_space<hbm>>
      %dma_wait3A_43 = tpu.memref_squeeze %dma_wait3A : memref<1x1x17536xf32, #tpu.memory_space<hbm>> -> memref<17536xf32, #tpu.memory_space<hbm>>
      %dma_wait3A_44 = tpu.memref_slice %arg16[%mul3A_31] : memref<280576xf32, #tpu.memory_space<vmem_shared>> -> memref<17536xf32, #tpu.memory_space<vmem_shared>>
      tpu.wait_dma2 semaphore(%run_scoped3A_40 : memref<!tpu.dma_semaphore, #tpu.memory_space<semaphore_mem>>) src(%dma_wait3A_44 : memref<17536xf32, #tpu.memory_space<vmem_shared>>) dst(%dma_wait3A_43 : memref<17536xf32, #tpu.memory_space<hbm>>)
      tpu.yield
    }) : () -> ()
    %mul3A_35 = arith.constant 17536 : i32
    %mul3A_36 = arith.muli %arg1, %mul3A_35 : i32
    %mul3A_37 = arith.constant 17536 : i32
    %mul3A_38 = arith.muli %arg1, %mul3A_37 : i32
    %run_scoped3A_39 = arith.constant 1 : i32
    "tpu.region"() ({
      %run_scoped3A_40 = tpu.sem_alloc : memref<!tpu.dma_semaphore, #tpu.memory_space<semaphore_mem>>
      %dma_start3A = tpu.memref_slice %arg9[%run_scoped3A_39, %arg0, %mul3A_38] : memref<2x2x280576xf32, #tpu.memory_space<hbm>> -> memref<1x1x17536xf32, #tpu.memory_space<hbm>>
      %dma_start3A_41 = tpu.memref_squeeze %dma_start3A : memref<1x1x17536xf32, #tpu.memory_space<hbm>> -> memref<17536xf32, #tpu.memory_space<hbm>>
      %dma_start3A_42 = tpu.memref_slice %arg17[%mul3A_36] : memref<280576xf32, #tpu.memory_space<vmem_shared>> -> memref<17536xf32, #tpu.memory_space<vmem_shared>>
      tpu.enqueue_dma source(%dma_start3A_42 : memref<17536xf32, #tpu.memory_space<vmem_shared>>) target(%dma_start3A_41 : memref<17536xf32, #tpu.memory_space<hbm>>) target_semaphore(%run_scoped3A_40 : memref<!tpu.dma_semaphore, #tpu.memory_space<semaphore_mem>>)
      %dma_wait3A = tpu.memref_slice %arg9[%run_scoped3A_39, %arg0, %mul3A_38] : memref<2x2x280576xf32, #tpu.memory_space<hbm>> -> memref<1x1x17536xf32, #tpu.memory_space<hbm>>
      %dma_wait3A_43 = tpu.memref_squeeze %dma_wait3A : memref<1x1x17536xf32, #tpu.memory_space<hbm>> -> memref<17536xf32, #tpu.memory_space<hbm>>
      %dma_wait3A_44 = tpu.memref_slice %arg17[%mul3A_36] : memref<280576xf32, #tpu.memory_space<vmem_shared>> -> memref<17536xf32, #tpu.memory_space<vmem_shared>>
      tpu.wait_dma2 semaphore(%run_scoped3A_40 : memref<!tpu.dma_semaphore, #tpu.memory_space<semaphore_mem>>) src(%dma_wait3A_44 : memref<17536xf32, #tpu.memory_space<vmem_shared>>) dst(%dma_wait3A_43 : memref<17536xf32, #tpu.memory_space<hbm>>)
      tpu.yield
    }) : () -> ()
    return
  }
}

module attributes {stable_mosaic.version = 14 : i64} {
  func.func @_tc_dinv_body(%arg0: memref<4x10240xf32, #tpu.memory_space<vmem>>, %arg1: memref<2x10240xf32, #tpu.memory_space<vmem>>) attributes {dimension_semantics = [], scalar_prefetch = 0 : i64, scratch_operands = 0 : i64, tpu.core_type = #tpu.core_type<tc>} {
    %get3A = arith.constant 0 : index
    %get3A_0 = arith.constant 0 : index
    %get3A_1 = vector.load %arg0[%get3A, %get3A_0] : memref<4x10240xf32, #tpu.memory_space<vmem>>, vector<4x10240xf32>
    %slice3A = vector.extract_strided_slice %get3A_1 {offsets = [0, 0], sizes = [1, 10240], strides = [1, 1]} : vector<4x10240xf32> to vector<1x10240xf32>
    %slice3A_2 = vector.extract_strided_slice %get3A_1 {offsets = [1, 0], sizes = [1, 10240], strides = [1, 1]} : vector<4x10240xf32> to vector<1x10240xf32>
    %add3A = arith.addf %slice3A, %slice3A_2 : vector<1x10240xf32>
    %add3A_3 = arith.constant 1.000000e+00 : f32
    %add3A_4 = vector.broadcast %add3A_3 : f32 to vector<1x10240xf32>
    %add3A_5 = arith.addf %add3A, %add3A_4 : vector<1x10240xf32>
    %slice3A_6 = vector.extract_strided_slice %get3A_1 {offsets = [2, 0], sizes = [1, 10240], strides = [1, 1]} : vector<4x10240xf32> to vector<1x10240xf32>
    %slice3A_7 = vector.extract_strided_slice %get3A_1 {offsets = [3, 0], sizes = [1, 10240], strides = [1, 1]} : vector<4x10240xf32> to vector<1x10240xf32>
    %add3A_8 = arith.addf %slice3A_6, %slice3A_7 : vector<1x10240xf32>
    %add3A_9 = arith.constant 1.000000e+00 : f32
    %add3A_10 = vector.broadcast %add3A_9 : f32 to vector<1x10240xf32>
    %add3A_11 = arith.addf %add3A_8, %add3A_10 : vector<1x10240xf32>
    %concatenate3A = tpu.concatenate %add3A_5, %add3A_11 in 0 : vector<1x10240xf32>, vector<1x10240xf32> -> vector<2x10240xf32>
    %rsqrt3A = math.rsqrt %concatenate3A : vector<2x10240xf32>
    %swap3A = arith.constant 0 : index
    %swap3A_12 = arith.constant 0 : index
    %swap3A_13 = vector.load %arg1[%swap3A, %swap3A_12] : memref<2x10240xf32, #tpu.memory_space<vmem>>, vector<2x10240xf32>
    tpu.vector_store %arg1[%swap3A, %swap3A_12], %rsqrt3A {strides = array<i32>} : memref<2x10240xf32, #tpu.memory_space<vmem>>, vector<2x10240xf32>,
    return
  }
}

module attributes {stable_mosaic.version = 14 : i64} {
  func.func @_tc_main_body(%arg0: i32, %arg1: memref<4x2000x28xf32, #tpu.memory_space<vmem>>, %arg2: memref<2000x1xi32, #tpu.memory_space<vmem>>, %arg3: memref<28x512xf32, #tpu.memory_space<vmem>>, %arg4: memref<512x512xf32, #tpu.memory_space<vmem>>, %arg5: memref<1x512xf32, #tpu.memory_space<vmem>>, %arg6: memref<1x512xf32, #tpu.memory_space<vmem>>, %arg7: memref<512x512xf32, #tpu.memory_space<vmem>>, %arg8: memref<1x512xf32, #tpu.memory_space<vmem>>, %arg9: memref<1x512xf32, #tpu.memory_space<vmem>>, %arg10: memref<2000x1xf32, #tpu.memory_space<vmem>>, %arg11: memref<2000x1xf32, #tpu.memory_space<vmem>>, %arg12: memref<2000x4xf32, #tpu.memory_space<vmem>>) attributes {dimension_semantics = [#tpu.dimension_semantics<arbitrary>], iteration_bounds = array<i64: 5>, scalar_prefetch = 0 : i64, scratch_operands = 0 : i64, tpu.core_type = #tpu.core_type<tc>, window_params = [{transform_indices = @transform_0, window_bounds = array<i64: 4, 2000, 28>}, {transform_indices = @transform_1, window_bounds = array<i64: 2000, 1>}, {pipeline_mode = #tpu.pipeline_mode<synchronous>, transform_indices = @transform_2, window_bounds = array<i64: 28, 512>}, {pipeline_mode = #tpu.pipeline_mode<synchronous>, transform_indices = @transform_3, window_bounds = array<i64: 512, 512>}, {pipeline_mode = #tpu.pipeline_mode<synchronous>, transform_indices = @transform_4, window_bounds = array<i64: 1, 512>}, {pipeline_mode = #tpu.pipeline_mode<synchronous>, transform_indices = @transform_5, window_bounds = array<i64: 1, 512>}, {pipeline_mode = #tpu.pipeline_mode<synchronous>, transform_indices = @transform_6, window_bounds = array<i64: 512, 512>}, {pipeline_mode = #tpu.pipeline_mode<synchronous>, transform_indices = @transform_7, window_bounds = array<i64: 1, 512>}, {pipeline_mode = #tpu.pipeline_mode<synchronous>, transform_indices = @transform_8, window_bounds = array<i64: 1, 512>}, {transform_indices = @transform_9, window_bounds = array<i64: 2000, 1>}, {transform_indices = @transform_10, window_bounds = array<i64: 2000, 1>}, {transform_indices = @transform_11, window_bounds = array<i64: 2000, 4>}]} {
    %get3A = arith.constant 0 : index
    %get3A_0 = arith.constant 0 : index
    %get3A_1 = vector.load %arg2[%get3A, %get3A_0] : memref<2000x1xi32, #tpu.memory_space<vmem>>, vector<2000x1xi32>
    %iota3A = tpu.iota {dimensions = array<i32: 1>} : vector<2000x28xi32>
    %eq3A = vector.broadcast %get3A_1 : vector<2000x1xi32> to vector<2000x28xi32>
    %eq3A_2 = arith.cmpi eq, %eq3A, %iota3A : vector<2000x28xi32>
    %convert_element_type3A = arith.extui %eq3A_2 : vector<2000x28xi1> to vector<2000x28xi32>
    %convert_element_type3A_3 = arith.sitofp %convert_element_type3A : vector<2000x28xi32> to vector<2000x28xf32>
    %get3A_4 = arith.constant 0 : index
    %get3A_5 = arith.constant 0 : index
    %get3A_6 = vector.load %arg3[%get3A_4, %get3A_5] : memref<28x512xf32, #tpu.memory_space<vmem>>, vector<28x512xf32>
    %get3A_7 = arith.constant 0 : index
    %get3A_8 = arith.constant 0 : index
    %get3A_9 = arith.constant 0 : index
    %get3A_10 = vector.load %arg1[%get3A_7, %get3A_8, %get3A_9] : memref<4x2000x28xf32, #tpu.memory_space<vmem>>, vector<4x2000x28xf32>
    %get3A_11 = arith.constant 0 : index
    %get3A_12 = arith.constant 0 : index
    %get3A_13 = vector.load %arg10[%get3A_11, %get3A_12] : memref<2000x1xf32, #tpu.memory_space<vmem>>, vector<2000x1xf32>
    %get3A_14 = arith.constant 0 : index
    %get3A_15 = arith.constant 0 : index
    %get3A_16 = vector.load %arg11[%get3A_14, %get3A_15] : memref<2000x1xf32, #tpu.memory_space<vmem>>, vector<2000x1xf32>
    %slice3A = vector.extract_strided_slice %get3A_10 {offsets = [0, 0, 0], sizes = [1, 2000, 28], strides = [1, 1, 1]} : vector<4x2000x28xf32> to vector<1x2000x28xf32>
    %squeeze3A = vector.shape_cast %slice3A : vector<1x2000x28xf32> to vector<2000x28xf32>
    %slice3A_17 = vector.extract_strided_slice %get3A_10 {offsets = [1, 0, 0], sizes = [1, 2000, 28], strides = [1, 1, 1]} : vector<4x2000x28xf32> to vector<1x2000x28xf32>
    %squeeze3A_18 = vector.shape_cast %slice3A_17 : vector<1x2000x28xf32> to vector<2000x28xf32>
    %slice3A_19 = vector.extract_strided_slice %get3A_10 {offsets = [2, 0, 0], sizes = [1, 2000, 28], strides = [1, 1, 1]} : vector<4x2000x28xf32> to vector<1x2000x28xf32>
    %squeeze3A_20 = vector.shape_cast %slice3A_19 : vector<1x2000x28xf32> to vector<2000x28xf32>
    %slice3A_21 = vector.extract_strided_slice %get3A_10 {offsets = [3, 0, 0], sizes = [1, 2000, 28], strides = [1, 1, 1]} : vector<4x2000x28xf32> to vector<1x2000x28xf32>
    %squeeze3A_22 = vector.shape_cast %slice3A_21 : vector<1x2000x28xf32> to vector<2000x28xf32>
    %add3A = arith.addf %squeeze3A, %squeeze3A_18 : vector<2000x28xf32>
    %mul3A = vector.broadcast %get3A_13 : vector<2000x1xf32> to vector<2000x28xf32>
    %mul3A_23 = arith.mulf %mul3A, %add3A : vector<2000x28xf32>
    %mul3A_24 = arith.mulf %get3A_13, %get3A_13 : vector<2000x1xf32>
    %mul3A_25 = vector.broadcast %mul3A_24 : vector<2000x1xf32> to vector<2000x28xf32>
    %mul3A_26 = arith.mulf %mul3A_25, %convert_element_type3A_3 : vector<2000x28xf32>
    %add3A_27 = arith.addf %mul3A_23, %mul3A_26 : vector<2000x28xf32>
    %dot_general3A = arith.constant dense<0.000000e+00> : vector<2000x512xf32>
    %dot_general3A_28 = tpu.matmul %add3A_27, %get3A_6, %dot_general3A {dimension_numbers = #tpu.dot_dimension_numbers<[1], [0], [0], [1], [0, 0, 1, 1], [], []>, precision = #tpu.contract_precision<fp32>, transpose_lhs_hint = false} : vector<2000x28xf32>, vector<28x512xf32>, vector<2000x512xf32> -> vector<2000x512xf32>
    %get3A_29 = arith.constant 0 : index
    %get3A_30 = arith.constant 0 : index
    %get3A_31 = vector.load %arg4[%get3A_29, %get3A_30] : memref<512x512xf32, #tpu.memory_space<vmem>>, vector<512x512xf32>
    %dot_general3A_32 = arith.constant dense<0.000000e+00> : vector<2000x512xf32>
    %dot_general3A_33 = tpu.matmul %dot_general3A_28, %get3A_31, %dot_general3A_32 {dimension_numbers = #tpu.dot_dimension_numbers<[1], [0], [0], [1], [0, 0, 1, 1], [], []>, transpose_lhs_hint = false} : vector<2000x512xf32>, vector<512x512xf32>, vector<2000x512xf32> -> vector<2000x512xf32>
    %get3A_34 = arith.constant 0 : index
    %get3A_35 = arith.constant 0 : index
    %get3A_36 = vector.load %arg5[%get3A_34, %get3A_35] : memref<1x512xf32, #tpu.memory_space<vmem>>, vector<1x512xf32>
    %add3A_37 = vector.broadcast %get3A_36 : vector<1x512xf32> to vector<2000x512xf32>
    %add3A_38 = arith.addf %dot_general3A_33, %add3A_37 : vector<2000x512xf32>
    %max3A = arith.constant 0.000000e+00 : f32
    %max3A_39 = vector.broadcast %max3A : f32 to vector<2000x512xf32>
    %max3A_40 = arith.maximumf %add3A_38, %max3A_39 : vector<2000x512xf32>
    %convert_element_type3A_41 = arith.truncf %max3A_40 : vector<2000x512xf32> to vector<2000x512xbf16>
    %convert_element_type3A_42 = arith.extf %convert_element_type3A_41 : vector<2000x512xbf16> to vector<2000x512xf32>
    %get3A_43 = arith.constant 0 : index
    %get3A_44 = arith.constant 0 : index
    %get3A_45 = vector.load %arg6[%get3A_43, %get3A_44] : memref<1x512xf32, #tpu.memory_space<vmem>>, vector<1x512xf32>
    %convert_element_type3A_46 = arith.truncf %get3A_45 : vector<1x512xf32> to vector<1x512xbf16>
    %convert_element_type3A_47 = arith.extf %convert_element_type3A_46 : vector<1x512xbf16> to vector<1x512xf32>
    %mul3A_48 = vector.broadcast %convert_element_type3A_47 : vector<1x512xf32> to vector<2000x512xf32>
    %mul3A_49 = arith.mulf %convert_element_type3A_42, %mul3A_48 : vector<2000x512xf32>
    %reduce_sum3A = arith.constant dense<0.000000e+00> : vector<2000xf32>
    %reduce_sum3A_50 = vector.multi_reduction <add>, %mul3A_49, %reduce_sum3A [1] : vector<2000x512xf32> to vector<2000xf32>
    %broadcast_in_dim3A = vector.shape_cast %reduce_sum3A_50 : vector<2000xf32> to vector<2000x1xf32>
    %mul3A_51 = arith.mulf %get3A_13, %broadcast_in_dim3A : vector<2000x1xf32>
    %add3A_52 = arith.addf %squeeze3A_20, %squeeze3A_22 : vector<2000x28xf32>
    %mul3A_53 = vector.broadcast %get3A_16 : vector<2000x1xf32> to vector<2000x28xf32>
    %mul3A_54 = arith.mulf %mul3A_53, %add3A_52 : vector<2000x28xf32>
    %mul3A_55 = arith.mulf %get3A_16, %get3A_16 : vector<2000x1xf32>
    %mul3A_56 = vector.broadcast %mul3A_55 : vector<2000x1xf32> to vector<2000x28xf32>
    %mul3A_57 = arith.mulf %mul3A_56, %convert_element_type3A_3 : vector<2000x28xf32>
    %add3A_58 = arith.addf %mul3A_54, %mul3A_57 : vector<2000x28xf32>
    %dot_general3A_59 = arith.constant dense<0.000000e+00> : vector<2000x512xf32>
    %dot_general3A_60 = tpu.matmul %add3A_58, %get3A_6, %dot_general3A_59 {dimension_numbers = #tpu.dot_dimension_numbers<[1], [0], [0], [1], [0, 0, 1, 1], [], []>, precision = #tpu.contract_precision<fp32>, transpose_lhs_hint = false} : vector<2000x28xf32>, vector<28x512xf32>, vector<2000x512xf32> -> vector<2000x512xf32>
    %get3A_61 = arith.constant 0 : index
    %get3A_62 = arith.constant 0 : index
    %get3A_63 = vector.load %arg7[%get3A_61, %get3A_62] : memref<512x512xf32, #tpu.memory_space<vmem>>, vector<512x512xf32>
    %dot_general3A_64 = arith.constant dense<0.000000e+00> : vector<2000x512xf32>
    %dot_general3A_65 = tpu.matmul %dot_general3A_60, %get3A_63, %dot_general3A_64 {dimension_numbers = #tpu.dot_dimension_numbers<[1], [0], [0], [1], [0, 0, 1, 1], [], []>, transpose_lhs_hint = false} : vector<2000x512xf32>, vector<512x512xf32>, vector<2000x512xf32> -> vector<2000x512xf32>
    %get3A_66 = arith.constant 0 : index
    %get3A_67 = arith.constant 0 : index
    %get3A_68 = vector.load %arg8[%get3A_66, %get3A_67] : memref<1x512xf32, #tpu.memory_space<vmem>>, vector<1x512xf32>
    %add3A_69 = vector.broadcast %get3A_68 : vector<1x512xf32> to vector<2000x512xf32>
    %add3A_70 = arith.addf %dot_general3A_65, %add3A_69 : vector<2000x512xf32>
    %max3A_71 = arith.constant 0.000000e+00 : f32
    %max3A_72 = vector.broadcast %max3A_71 : f32 to vector<2000x512xf32>
    %max3A_73 = arith.maximumf %add3A_70, %max3A_72 : vector<2000x512xf32>
    %convert_element_type3A_74 = arith.truncf %max3A_73 : vector<2000x512xf32> to vector<2000x512xbf16>
    %convert_element_type3A_75 = arith.extf %convert_element_type3A_74 : vector<2000x512xbf16> to vector<2000x512xf32>
    %get3A_76 = arith.constant 0 : index
    %get3A_77 = arith.constant 0 : index
    %get3A_78 = vector.load %arg9[%get3A_76, %get3A_77] : memref<1x512xf32, #tpu.memory_space<vmem>>, vector<1x512xf32>
    %convert_element_type3A_79 = arith.truncf %get3A_78 : vector<1x512xf32> to vector<1x512xbf16>
    %convert_element_type3A_80 = arith.extf %convert_element_type3A_79 : vector<1x512xbf16> to vector<1x512xf32>
    %mul3A_81 = vector.broadcast %convert_element_type3A_80 : vector<1x512xf32> to vector<2000x512xf32>
    %mul3A_82 = arith.mulf %convert_element_type3A_75, %mul3A_81 : vector<2000x512xf32>
    %reduce_sum3A_83 = arith.constant dense<0.000000e+00> : vector<2000xf32>
    %reduce_sum3A_84 = vector.multi_reduction <add>, %mul3A_82, %reduce_sum3A_83 [1] : vector<2000x512xf32> to vector<2000xf32>
    %broadcast_in_dim3A_85 = vector.shape_cast %reduce_sum3A_84 : vector<2000xf32> to vector<2000x1xf32>
    %mul3A_86 = arith.mulf %get3A_16, %broadcast_in_dim3A_85 : vector<2000x1xf32>
    %concatenate3A = tpu.concatenate %broadcast_in_dim3A, %mul3A_51, %broadcast_in_dim3A_85, %mul3A_86 in 1 : vector<2000x1xf32>, vector<2000x1xf32>, vector<2000x1xf32>, vector<2000x1xf32> -> vector<2000x4xf32>
    %swap3A = arith.constant 0 : index
    %swap3A_87 = arith.constant 0 : index
    %swap3A_88 = vector.load %arg12[%swap3A, %swap3A_87] : memref<2000x4xf32, #tpu.memory_space<vmem>>, vector<2000x4xf32>
    tpu.vector_store %arg12[%swap3A, %swap3A_87], %concatenate3A {strides = array<i32>} : memref<2000x4xf32, #tpu.memory_space<vmem>>, vector<2000x4xf32>,
    return
  }
  func.func @transform_0(%arg0: i32) -> (i32, i32, i32) {
    %c0_i32 = arith.constant 0 : i32
    %c0_i32_0 = arith.constant 0 : i32
    %c0_i32_1 = arith.constant 0 : i32
    return %c0_i32, %arg0, %c0_i32_0 : i32, i32, i32
  }
  func.func @transform_1(%arg0: i32) -> (i32, i32) {
    %c0_i32 = arith.constant 0 : i32
    %c0_i32_0 = arith.constant 0 : i32
    return %arg0, %c0_i32 : i32, i32
  }
  func.func @transform_2(%arg0: i32) -> (i32, i32) {
    %c0_i32 = arith.constant 0 : i32
    %c0_i32_0 = arith.constant 0 : i32
    %c0_i32_1 = arith.constant 0 : i32
    return %c0_i32, %c0_i32_0 : i32, i32
  }
  func.func @transform_3(%arg0: i32) -> (i32, i32) {
    %c0_i32 = arith.constant 0 : i32
    %c0_i32_0 = arith.constant 0 : i32
    %c0_i32_1 = arith.constant 0 : i32
    return %c0_i32, %c0_i32_0 : i32, i32
  }
  func.func @transform_4(%arg0: i32) -> (i32, i32) {
    %c0_i32 = arith.constant 0 : i32
    %c0_i32_0 = arith.constant 0 : i32
    %c0_i32_1 = arith.constant 0 : i32
    return %c0_i32, %c0_i32_0 : i32, i32
  }
  func.func @transform_5(%arg0: i32) -> (i32, i32) {
    %c0_i32 = arith.constant 0 : i32
    %c0_i32_0 = arith.constant 0 : i32
    %c0_i32_1 = arith.constant 0 : i32
    return %c0_i32, %c0_i32_0 : i32, i32
  }
  func.func @transform_6(%arg0: i32) -> (i32, i32) {
    %c0_i32 = arith.constant 0 : i32
    %c0_i32_0 = arith.constant 0 : i32
    %c0_i32_1 = arith.constant 0 : i32
    return %c0_i32, %c0_i32_0 : i32, i32
  }
  func.func @transform_7(%arg0: i32) -> (i32, i32) {
    %c0_i32 = arith.constant 0 : i32
    %c0_i32_0 = arith.constant 0 : i32
    %c0_i32_1 = arith.constant 0 : i32
    return %c0_i32, %c0_i32_0 : i32, i32
  }
  func.func @transform_8(%arg0: i32) -> (i32, i32) {
    %c0_i32 = arith.constant 0 : i32
    %c0_i32_0 = arith.constant 0 : i32
    %c0_i32_1 = arith.constant 0 : i32
    return %c0_i32, %c0_i32_0 : i32, i32
  }
  func.func @transform_9(%arg0: i32) -> (i32, i32) {
    %c0_i32 = arith.constant 0 : i32
    %c0_i32_0 = arith.constant 0 : i32
    return %arg0, %c0_i32 : i32, i32
  }
  func.func @transform_10(%arg0: i32) -> (i32, i32) {
    %c0_i32 = arith.constant 0 : i32
    %c0_i32_0 = arith.constant 0 : i32
    return %arg0, %c0_i32 : i32, i32
  }
  func.func @transform_11(%arg0: i32) -> (i32, i32) {
    %c0_i32 = arith.constant 0 : i32
    %c0_i32_0 = arith.constant 0 : i32
    return %arg0, %c0_i32 : i32, i32
  }
}

module attributes {stable_mosaic.version = 14 : i64} {
  func.func @_tc_tail_body(%arg0: i32, %arg1: memref<2000x4xf32, #tpu.memory_space<vmem>>, %arg2: memref<2000x4xf32, #tpu.memory_space<vmem>>, %arg3: memref<2000x2xf32, #tpu.memory_space<vmem>>, %arg4: memref<2000x1xi32, #tpu.memory_space<vmem>>, %arg5: memref<1x1xf32, #tpu.memory_space<vmem>>, %arg6: memref<1x1xf32, #tpu.memory_space<vmem>>, %arg7: memref<2000x1xi32, #tpu.memory_space<vmem>>, %arg8: memref<28x512xf32, #tpu.memory_space<vmem>>, %arg9: memref<1x64xf32, #tpu.memory_space<vmem>>, %arg10: memref<2000x512xf32, #tpu.memory_space<vmem>>) attributes {dimension_semantics = [#tpu.dimension_semantics<arbitrary>], iteration_bounds = array<i64: 5>, scalar_prefetch = 0 : i64, scratch_operands = 0 : i64, tpu.core_type = #tpu.core_type<tc>, window_params = [{transform_indices = @transform_0, window_bounds = array<i64: 2000, 4>}, {transform_indices = @transform_1, window_bounds = array<i64: 2000, 4>}, {transform_indices = @transform_2, window_bounds = array<i64: 2000, 2>}, {transform_indices = @transform_3, window_bounds = array<i64: 2000, 1>}, {pipeline_mode = #tpu.pipeline_mode<synchronous>, transform_indices = @transform_4, window_bounds = array<i64: 1, 1>}, {pipeline_mode = #tpu.pipeline_mode<synchronous>, transform_indices = @transform_5, window_bounds = array<i64: 1, 1>}, {transform_indices = @transform_6, window_bounds = array<i64: 2000, 1>}, {pipeline_mode = #tpu.pipeline_mode<synchronous>, transform_indices = @transform_7, window_bounds = array<i64: 28, 512>}, {pipeline_mode = #tpu.pipeline_mode<synchronous>, transform_indices = @transform_8, window_bounds = array<i64: 1, 64>}, {transform_indices = @transform_9, window_bounds = array<i64: 2000, 512>}]} {
    %get3A = arith.constant 0 : index
    %get3A_0 = arith.constant 0 : index
    %get3A_1 = vector.load %arg7[%get3A, %get3A_0] : memref<2000x1xi32, #tpu.memory_space<vmem>>, vector<2000x1xi32>
    %iota3A = tpu.iota {dimensions = array<i32: 1>} : vector<2000x28xi32>
    %eq3A = vector.broadcast %get3A_1 : vector<2000x1xi32> to vector<2000x28xi32>
    %eq3A_2 = arith.cmpi eq, %eq3A, %iota3A : vector<2000x28xi32>
    %convert_element_type3A = arith.extui %eq3A_2 : vector<2000x28xi1> to vector<2000x28xi32>
    %convert_element_type3A_3 = arith.sitofp %convert_element_type3A : vector<2000x28xi32> to vector<2000x28xf32>
    %get3A_4 = arith.constant 0 : index
    %get3A_5 = arith.constant 0 : index
    %get3A_6 = vector.load %arg8[%get3A_4, %get3A_5] : memref<28x512xf32, #tpu.memory_space<vmem>>, vector<28x512xf32>
    %dot_general3A = arith.constant dense<0.000000e+00> : vector<2000x512xf32>
    %dot_general3A_7 = tpu.matmul %convert_element_type3A_3, %get3A_6, %dot_general3A {dimension_numbers = #tpu.dot_dimension_numbers<[1], [0], [0], [1], [0, 0, 1, 1], [], []>, precision = #tpu.contract_precision<fp32>, transpose_lhs_hint = false} : vector<2000x28xf32>, vector<28x512xf32>, vector<2000x512xf32> -> vector<2000x512xf32>
    %swap3A = arith.constant 0 : index
    %swap3A_8 = arith.constant 0 : index
    %swap3A_9 = vector.load %arg10[%swap3A, %swap3A_8] : memref<2000x512xf32, #tpu.memory_space<vmem>>, vector<2000x512xf32>
    tpu.vector_store %arg10[%swap3A, %swap3A_8], %dot_general3A_7 {strides = array<i32>} : memref<2000x512xf32, #tpu.memory_space<vmem>>, vector<2000x512xf32>,
    %get3A_10 = arith.constant 0 : index
    %get3A_11 = arith.constant 0 : index
    %get3A_12 = vector.load %arg1[%get3A_10, %get3A_11] : memref<2000x4xf32, #tpu.memory_space<vmem>>, vector<2000x4xf32>
    %get3A_13 = arith.constant 0 : index
    %get3A_14 = arith.constant 0 : index
    %get3A_15 = vector.load %arg2[%get3A_13, %get3A_14] : memref<2000x4xf32, #tpu.memory_space<vmem>>, vector<2000x4xf32>
    %get3A_16 = arith.constant 0 : index
    %get3A_17 = arith.constant 0 : index
    %get3A_18 = vector.load %arg3[%get3A_16, %get3A_17] : memref<2000x2xf32, #tpu.memory_space<vmem>>, vector<2000x2xf32>
    %slice3A = vector.extract_strided_slice %get3A_18 {offsets = [0, 0], sizes = [2000, 1], strides = [1, 1]} : vector<2000x2xf32> to vector<2000x1xf32>
    %slice3A_19 = vector.extract_strided_slice %get3A_18 {offsets = [0, 1], sizes = [2000, 1], strides = [1, 1]} : vector<2000x2xf32> to vector<2000x1xf32>
    %slice3A_20 = vector.extract_strided_slice %get3A_12 {offsets = [0, 0], sizes = [2000, 1], strides = [1, 1]} : vector<2000x4xf32> to vector<2000x1xf32>
    %slice3A_21 = vector.extract_strided_slice %get3A_12 {offsets = [0, 2], sizes = [2000, 1], strides = [1, 1]} : vector<2000x4xf32> to vector<2000x1xf32>
    %slice3A_22 = vector.extract_strided_slice %get3A_15 {offsets = [0, 0], sizes = [2000, 1], strides = [1, 1]} : vector<2000x4xf32> to vector<2000x1xf32>
    %slice3A_23 = vector.extract_strided_slice %get3A_15 {offsets = [0, 1], sizes = [2000, 1], strides = [1, 1]} : vector<2000x4xf32> to vector<2000x1xf32>
    %add3A = arith.addf %slice3A_22, %slice3A_23 : vector<2000x1xf32>
    %slice3A_24 = vector.extract_strided_slice %get3A_15 {offsets = [0, 2], sizes = [2000, 1], strides = [1, 1]} : vector<2000x4xf32> to vector<2000x1xf32>
    %slice3A_25 = vector.extract_strided_slice %get3A_15 {offsets = [0, 3], sizes = [2000, 1], strides = [1, 1]} : vector<2000x4xf32> to vector<2000x1xf32>
    %add3A_26 = arith.addf %slice3A_24, %slice3A_25 : vector<2000x1xf32>
    %get3A_27 = arith.constant 0 : index
    %get3A_28 = arith.constant 0 : index
    %get3A_29 = vector.load %arg5[%get3A_27, %get3A_28] : memref<1x1xf32, #tpu.memory_space<vmem>>, vector<1x1xf32>
    %get3A_30 = vector.extract %get3A_29[0, 0] : f32 from vector<1x1xf32>
    %get3A_31 = arith.constant 0 : index
    %get3A_32 = arith.constant 0 : index
    %get3A_33 = vector.load %arg6[%get3A_31, %get3A_32] : memref<1x1xf32, #tpu.memory_space<vmem>>, vector<1x1xf32>
    %get3A_34 = vector.extract %get3A_33[0, 0] : f32 from vector<1x1xf32>
    %add3A_35 = arith.addf %get3A_30, %get3A_34 : f32
    %mul3A = arith.mulf %slice3A, %slice3A : vector<2000x1xf32>
    %mul3A_36 = arith.mulf %mul3A, %slice3A_20 : vector<2000x1xf32>
    %mul3A_37 = arith.mulf %slice3A, %add3A : vector<2000x1xf32>
    %add3A_38 = arith.addf %mul3A_36, %mul3A_37 : vector<2000x1xf32>
    %mul3A_39 = arith.mulf %slice3A_19, %slice3A_19 : vector<2000x1xf32>
    %mul3A_40 = arith.mulf %mul3A_39, %slice3A_21 : vector<2000x1xf32>
    %add3A_41 = arith.addf %add3A_38, %mul3A_40 : vector<2000x1xf32>
    %mul3A_42 = arith.mulf %slice3A_19, %add3A_26 : vector<2000x1xf32>
    %add3A_43 = arith.addf %add3A_41, %mul3A_42 : vector<2000x1xf32>
    %add3A_44 = vector.broadcast %add3A_35 : f32 to vector<2000x1xf32>
    %add3A_45 = arith.addf %add3A_43, %add3A_44 : vector<2000x1xf32>
    %iota3A_46 = tpu.iota {dimensions = array<i32: 1>} : vector<2000x64xi32>
    %get3A_47 = arith.constant 0 : index
    %get3A_48 = arith.constant 0 : index
    %get3A_49 = vector.load %arg4[%get3A_47, %get3A_48] : memref<2000x1xi32, #tpu.memory_space<vmem>>, vector<2000x1xi32>
    %eq3A_50 = vector.broadcast %get3A_49 : vector<2000x1xi32> to vector<2000x64xi32>
    %eq3A_51 = arith.cmpi eq, %eq3A_50, %iota3A_46 : vector<2000x64xi32>
    %jit3A = arith.constant 0.000000e+00 : f32
    %broadcast_in_dim3A = vector.shape_cast %add3A_45 : vector<2000x1xf32> to vector<2000x1xf32>
    %broadcast_in_dim3A_52 = vector.broadcast %broadcast_in_dim3A : vector<2000x1xf32> to vector<2000x64xf32>
    %broadcast_in_dim3A_53 = vector.broadcast %jit3A : f32 to vector<2000x64xf32>
    %select_n3A = arith.select %eq3A_51, %broadcast_in_dim3A_52, %broadcast_in_dim3A_53 : vector<2000x64xi1>, vector<2000x64xf32>
    %reduce_sum3A = arith.constant dense<0.000000e+00> : vector<64xf32>
    %reduce_sum3A_54 = vector.multi_reduction <add>, %select_n3A, %reduce_sum3A [0] : vector<2000x64xf32> to vector<64xf32>
    %reshape3A = vector.shape_cast %reduce_sum3A_54 : vector<64xf32> to vector<1x64xf32>
    %eq3A_55 = arith.constant 0 : i32
    %eq3A_56 = arith.cmpi eq, %arg0, %eq3A_55 : i32
    %convert_element_type3A_57 = arith.extui %eq3A_56 : i1 to i32
    %cond3A = arith.constant 0 : i32
    %cond3A_58 = arith.cmpi ne, %convert_element_type3A_57, %cond3A : i32
    scf.if %cond3A_58 {
      %swap3A_63 = arith.constant 0 : index
      %swap3A_64 = arith.constant 0 : index
      %swap3A_65 = vector.load %arg9[%swap3A_63, %swap3A_64] : memref<1x64xf32, #tpu.memory_space<vmem>>, vector<1x64xf32>
      tpu.vector_store %arg9[%swap3A_63, %swap3A_64], %reshape3A {strides = array<i32>} : memref<1x64xf32, #tpu.memory_space<vmem>>, vector<1x64xf32>,
    } else {
    }
    %gt3A = arith.constant 0 : i32
    %gt3A_59 = arith.cmpi sgt, %arg0, %gt3A : i32
    %convert_element_type3A_60 = arith.extui %gt3A_59 : i1 to i32
    %cond3A_61 = arith.constant 0 : i32
    %cond3A_62 = arith.cmpi ne, %convert_element_type3A_60, %cond3A_61 : i32
    scf.if %cond3A_62 {
      %get3A_63 = arith.constant 0 : index
      %get3A_64 = arith.constant 0 : index
      %get3A_65 = vector.load %arg9[%get3A_63, %get3A_64] : memref<1x64xf32, #tpu.memory_space<vmem>>, vector<1x64xf32>
      %add3A_66 = arith.addf %get3A_65, %reshape3A : vector<1x64xf32>
      %swap3A_67 = arith.constant 0 : index
      %swap3A_68 = arith.constant 0 : index
      %swap3A_69 = vector.load %arg9[%swap3A_67, %swap3A_68] : memref<1x64xf32, #tpu.memory_space<vmem>>, vector<1x64xf32>
      tpu.vector_store %arg9[%swap3A_67, %swap3A_68], %add3A_66 {strides = array<i32>} : memref<1x64xf32, #tpu.memory_space<vmem>>, vector<1x64xf32>,
    } else {
    }
    return
  }
  func.func @transform_0(%arg0: i32) -> (i32, i32) {
    %c0_i32 = arith.constant 0 : i32
    %c0_i32_0 = arith.constant 0 : i32
    return %arg0, %c0_i32 : i32, i32
  }
  func.func @transform_1(%arg0: i32) -> (i32, i32) {
    %c0_i32 = arith.constant 0 : i32
    %c0_i32_0 = arith.constant 0 : i32
    return %arg0, %c0_i32 : i32, i32
  }
  func.func @transform_2(%arg0: i32) -> (i32, i32) {
    %c0_i32 = arith.constant 0 : i32
    %c0_i32_0 = arith.constant 0 : i32
    return %arg0, %c0_i32 : i32, i32
  }
  func.func @transform_3(%arg0: i32) -> (i32, i32) {
    %c0_i32 = arith.constant 0 : i32
    %c0_i32_0 = arith.constant 0 : i32
    return %arg0, %c0_i32 : i32, i32
  }
  func.func @transform_4(%arg0: i32) -> (i32, i32) {
    %c0_i32 = arith.constant 0 : i32
    %c0_i32_0 = arith.constant 0 : i32
    %c0_i32_1 = arith.constant 0 : i32
    return %c0_i32, %c0_i32_0 : i32, i32
  }
  func.func @transform_5(%arg0: i32) -> (i32, i32) {
    %c0_i32 = arith.constant 0 : i32
    %c0_i32_0 = arith.constant 0 : i32
    %c0_i32_1 = arith.constant 0 : i32
    return %c0_i32, %c0_i32_0 : i32, i32
  }
  func.func @transform_6(%arg0: i32) -> (i32, i32) {
    %c0_i32 = arith.constant 0 : i32
    %c0_i32_0 = arith.constant 0 : i32
    return %arg0, %c0_i32 : i32, i32
  }
  func.func @transform_7(%arg0: i32) -> (i32, i32) {
    %c0_i32 = arith.constant 0 : i32
    %c0_i32_0 = arith.constant 0 : i32
    %c0_i32_1 = arith.constant 0 : i32
    return %c0_i32, %c0_i32_0 : i32, i32
  }
  func.func @transform_8(%arg0: i32) -> (i32, i32) {
    %c0_i32 = arith.constant 0 : i32
    %c0_i32_0 = arith.constant 0 : i32
    %c0_i32_1 = arith.constant 0 : i32
    return %c0_i32, %c0_i32_0 : i32, i32
  }
  func.func @transform_9(%arg0: i32) -> (i32, i32) {
    %c0_i32 = arith.constant 0 : i32
    %c0_i32_0 = arith.constant 0 : i32
    return %arg0, %c0_i32 : i32, i32
  }
}

</mosaic_0001>

<sc_bundles>
// kernel: kernel.11.cloned.1.call-start
scs
__scs_entry_jumppad:
0x0: {  	(pc) =	sbr.rel $0x88, $3  }
0x1: {  	(tag) =	ssettag $0x0;
	lr =	simm.s32 $0x1  }
0x2: {  	[smem:$0x3F94] =	sst lr;
	_ =	strace $0xD0000000  }
0x3: {  	_ = 	snop  }
0x4: {  	_ = 	snop  }
0x5: {  	_ = 	snop  }
0x6: {  	_ = 	snop  }
0x7: {  	_ = 	snop  }
__scs_overlays_trampoline_lowered:
0x8: {  	[smem:$0x3FA3] =	sst s0  }
0x9: {  	[smem:$0x3FA4] =	sst s1  }
0xa: {  	[smem:$0x3FA5] =	sst s2  }
0xb: {  	[smem:$0x3FA6] =	sst s3  }
0xc: {  	[smem:$0x3FA7] =	sst s4  }
0xd: {  	[smem:$0x3FA8] =	sst s5  }
0xe: {  	[smem:$0x3FA9] =	sst s6  }
0xf: {  	[smem:$0x3FAA] =	sst s7  }
0x10: {  	[smem:$0x3FAB] =	sst s8  }
0x11: {  	[smem:$0x3FAC] =	sst s9;
	s0 =	simm.s32 @!p0 $0x0  }
0x12: {  	s1 =	sld [smem:$0x3F92];
	s0 =	simm.s32 @p0 $0x1  }
0x13: {  	[smem:$0x3FAD] =	sst s0;
	s0 =	simm.s32 @!p1 $0x0  }
0x14: {  	s2 =	sld [smem:$0x3F91];
	s0 =	simm.s32 @p1 $0x1  }
0x15: {  	[smem:$0x3FAE] =	sst s0;
	s0 =	simm.s32 @!p2 $0x0  }
0x16: {  	s3 =	sld [smem:$0x3FDB];
	s0 =	simm.s32 @p2 $0x1  }
0x17: {  	s4 =	simm.s32 $0x1BF5;
	[smem:$0x3FB0] =	sst s0  }
0x18: {  	s0 =	sld [smem:$0x3F93];
	_ =	swait.ge [sflag:s4], $0x0  }
0x19: {  	s7 =	sld [smem:$0x3F94]  }
0x1a: {  	s8 =	sadd.s32 $0xFFFFE003, lr  }
0x1b: {  	s9 =	sadd.s32 $0xFFFFFEF7, lr;
	s5 =	simm.s32 $0xFFFFFFFF;
	p2 =	slt.u32 s8, $0xFFFFF086  }
0x1c: {  	p1 =	slt.u32 s9, $0xF7A;
	s5 =	simm.s32 @!p2 $0x0  }
0x1d: {  	s5 =	simm.s32 @p1 $0x1;
	p0 =	seq.s32 s7, s2  }
0x1e: {  	s7 =	smul.u32 @!p0 $0xF7A, s2;
	p2 =	seq.s32 @!p0 s5, $0x0  }
0x1f: {  	s9 =	smul.u32 $0xF7A, s1;
	s8 =	simm.s32 @!p0 $0x1BF5;
	p2 =	por !p2, p0  }
0x20: {  	[sflag:s8] =	ssyncset.s32 @!p0 $0xFFFFF086;
	s6 =	sadd.s32 @!p0 s3, s7;
	s7 =	simm.s32 @!p0 $0x108  }
0x21: {  	s3 =	sadd.s32 s3, s9;
	s6 =	sadd.s32 @!p0 $0x88, s6;
	s7 =	simm.s32 @p2 $0x1082  }
0x22: {  	[simem:s7], [sflag:s8] =	dma.local @!p0 [hbm:s6], $0xF7A  }
0x23: {  	s9 =	sor.u32 $0xD0000000, s2;
	s6 =	simm.s32 $0x108;
	_ =	swait.ge @!p0 [sflag:s8], $0x0  }
0x24: {  	s3 =	sadd.s32 $0x88, s3;
	s6 =	simm.s32 @!p1 $0x1082;
	[sflag:s4] =	ssyncset.s32 $0xFFFFF086  }
0x25: {  	[simem:s6], [sflag:s4] =	dma.local [hbm:s3], $0xF7A  }
0x26: {  	[smem:$0x3F94] =	sst s1;
	(tag) =	ssettag s2;
	_ =	strace s9  }
0x27: {  	s1 =	sld [smem:$0x3FA4]  }
0x28: {  	s2 =	sld [smem:$0x3FA5]  }
0x29: {  	s4 =	sld [smem:$0x3FA7]  }
0x2a: {  	p0 =	seq.s32 s5, $0x0;
	s5 =	sld [smem:$0x3FA8]  }
0x2b: {  	s6 =	sld [smem:$0x3FA9]  }
0x2c: {  	s7 =	sld [smem:$0x3FAA]  }
0x2d: {  	s3 =	simm.s32 $0x108;
	s8 =	sld [smem:$0x3FAB]  }
0x2e: {  	s3 =	simm.s32 @!p0 $0x1082;
	s9 =	sld [smem:$0x3FAC]  }
0x2f: {  	lr =	sadd.s32 s0, s3;
	s0 =	sld [smem:$0x3FA3]  }
0x30: {  	s3 =	sld [smem:$0x3FA6]  }
0x31: {  	[smem:$0x3FAF] =	sst s10  }
0x32: {  	s10 =	sld [smem:$0x3FAD];
	_ =	sdelay $0x3  }
0x33: {  	p0 =	seq.s32 s10, $0x1;
	s10 =	sld [smem:$0x3FAF];
	_ =	sdelay $0x3  }
0x34: {  	[smem:$0x3FAF] =	sst s10  }
0x35: {  	s10 =	sld [smem:$0x3FAE];
	_ =	sdelay $0x3  }
0x36: {  	p1 =	seq.s32 s10, $0x1;
	s10 =	sld [smem:$0x3FAF];
	_ =	sdelay $0x3  }
0x37: {  	[smem:$0x3FAF] =	sst s10  }
0x38: {  	s10 =	sld [smem:$0x3FB0]  }
0x39: {  	_ = 	snop;
	(pc) =	sbr.ind lr, $3  }
0x3a: {  	_ = 	snop  }
0x3b: {  	_ = 	snop  }
0x3c: {  	p2 =	seq.s32 s10, $0x1;
	s10 =	sld [smem:$0x3FAF]  }
0x3d: {  	_ =	shalt  }
0x3e: {  	_ =	shalt  }
0x3f: {  	_ =	shalt  }
0x40: {  	_ =	shalt  }
0x41: {  	_ =	shalt  }
0x42: {  	_ =	shalt  }
0x43: {  	_ =	shalt  }
0x44: {  	_ =	shalt  }
0x45: {  	_ =	shalt  }
0x46: {  	_ =	shalt  }
0x47: {  	_ =	shalt  }
0x48: {  	_ =	shalt  }
0x49: {  	_ =	shalt  }
0x4a: {  	_ =	shalt  }
0x4b: {  	_ =	shalt  }
0x4c: {  	_ =	shalt  }
0x4d: {  	_ =	shalt  }
0x4e: {  	_ =	shalt  }
0x4f: {  	_ =	shalt  }
0x50: {  	_ =	shalt  }
0x51: {  	_ =	shalt  }
0x52: {  	_ =	shalt  }
0x53: {  	_ =	shalt  }
0x54: {  	_ =	shalt  }
0x55: {  	_ =	shalt  }
0x56: {  	_ =	shalt  }
0x57: {  	_ =	shalt  }
0x58: {  	_ =	shalt  }
0x59: {  	_ =	shalt  }
0x5a: {  	_ =	shalt  }
0x5b: {  	_ =	shalt  }
0x5c: {  	_ =	shalt  }
0x5d: {  	_ =	shalt  }
0x5e: {  	_ =	shalt  }
0x5f: {  	_ =	shalt  }
0x60: {  	_ =	shalt  }
0x61: {  	_ =	shalt  }
0x62: {  	_ =	shalt  }
0x63: {  	_ =	shalt  }
0x64: {  	_ =	shalt  }
0x65: {  	_ =	shalt  }
0x66: {  	_ =	shalt  }
0x67: {  	_ =	shalt  }
0x68: {  	_ =	shalt  }
0x69: {  	_ =	shalt  }
0x6a: {  	_ =	shalt  }
0x6b: {  	_ =	shalt  }
0x6c: {  	_ =	shalt  }
0x6d: {  	_ =	shalt  }
0x6e: {  	_ =	shalt  }
0x6f: {  	_ =	shalt  }
0x70: {  	_ =	shalt  }
0x71: {  	_ =	shalt  }
0x72: {  	_ =	shalt  }
0x73: {  	_ =	shalt  }
0x74: {  	_ =	shalt  }
0x75: {  	_ =	shalt  }
0x76: {  	_ =	shalt  }
0x77: {  	_ =	shalt  }
0x78: {  	_ =	shalt  }
0x79: {  	_ =	shalt  }
0x7a: {  	_ =	shalt  }
0x7b: {  	_ =	shalt  }
0x7c: {  	_ =	shalt  }
0x7d: {  	_ =	shalt  }
0x7e: {  	_ =	shalt  }
0x7f: {  	_ =	shalt  }
0x80: {  	_ =	shalt  }
0x81: {  	_ =	shalt  }
0x82: {  	_ =	shalt  }
0x83: {  	_ =	shalt  }
0x84: {  	_ =	shalt  }
0x85: {  	_ =	shalt  }
0x86: {  	_ =	shalt  }
0x87: {  	_ =	shalt  }
.Lfunc_end0:
.L_simem_size_0:
called_computation.1_lowered:
.L_overlay_start_0:
0x88: {  	s2 =	sld [smem:$0x3FD9]  }
0x89: {  	s3 =	sld [smem:$0x3FFE];
	_ =	sdelay $0x1  }
0x8a: {  	s1 =	srdreg.scid  }
0x8b: {  	s0 =	sand.u32 $0x1, s1  }
0x8c: {  	s14 =	sshll.u32 s0, $0xA;
	s2 =	sadd.s32 s3, s2  }
0x8d: {  	s2 =	sadd.s32 s2, s14  }
0x8e: {  	[smem:$0x3FBB] =	sst s2  }
0x8f: {  	_ = 	snop  }
0x90: {  	s2 =	sld [smem:$0x3FD0];
	_ =	sdelay $0x2  }
0x91: {  	s15 =	simm.s32 $0xA;
	s4 =	simm.s32 $0x10  }
0x92: {  	[smem:s4], [sflag:s15] =	dma.local [hbm:s2], $0x1  }
0x93: {  	_ =	swait.eq [sflag:s15], $0x1  }
0x94: {  	[sflag:s15] =	ssyncset.done $0x0  }
0x95: {  	[sflag:s15] =	ssyncadd.s32 $0xFFFFFFFF  }
0x96: {  	s16 =	sld [smem:$0x11];
	(tm) =	ssettm $0x1  }
0x97: {  	s17 =	sld [smem:$0x3FFB];
	_ =	sdelay $0x3  }
0x98: {  	_ =	strace s17  }
0x99: {  	s3 =	sld [smem:$0x3FFC];
	_ =	sdelay $0x3  }
0x9a: {  	_ =	strace s3  }
0x9b: {  	s3 =	sld [smem:$0x3FFD];
	_ =	sdelay $0x3  }
0x9c: {  	_ =	strace s3  }
0x9d: {  	_ =	strace $0x8FFFFFFF  }
0x9e: {  	s18 =	sld [smem:$0x3FDB];
	_ =	sdelay $0x1  }
0x9f: {  	s19 =	simm.s32 $_scs_section_size  }
0xa0: {  	s5 =	simm.s32 $_size__tile_overlayer_lowered;
	s6 =	simm.s32 $_tile_overlayer_lowered  }
0xa1: {  	s22 =	simm.s32 $0x1BFF;
	s21 =	sshll.u32 s6, $0x1;
	s3 =	sadd.s32 s19, s18  }
0xa2: {  	s7 =	simm.s32 $0x0;
	s20 =	sshll.u32 s5, $0x1;
	s5 =	sadd.s32 s21, s3  }
0xa3: {  	[timem:s7], [sflag:s22] =	dma.local [hbm:s5], s20  }
0xa4: {  	_ =	swait.ge [sflag:s22], s20  }
0xa5: {  	s4 =	ssub.s32 $0x0, s20;
	[sflag:s22] =	ssyncset.done $0x0  }
0xa6: {  	[sflag:s22] =	ssyncadd.s32 s4;
	_ =	sdelay $0x1  }
0xa7: {  	s23 =	simm.s32 $0x1B8B  }
0xa8: {  	_ =	swait.ge [sflag:s23], $0x1  }
0xa9: {  	[sflag:s23] =	ssyncset.done $0x0  }
0xaa: {  	s25 =	simm.s32 $0x1B8E;
	s24 =	sld [smem:$0x3FFE];
	[sflag:s23] =	ssyncadd.s32 $0xFFFFFFFF  }
0xab: {  	s26 =	simm.s32 $execute0_lowered;
	[smem:$0x3FD2] =	sst s25  }
0xac: {  	s5 =	sshll.u32 s26, $0x1;
	_ =	strace $0x80000049;
	[dreg:$0x1] =	wrdreg $0xFFFFFFFF  }
0xad: {  	s28 =	simm.s32 $_size_execute0_lowered;
	s3 =	sadd.s32 s3, s5;
	[dreg:$0x0] =	wrdreg $0x0  }
0xae: {  	s5 =	sshll.u32 s28, $0x1;
	[dreg:$0x2] =	wrdreg s3  }
0xaf: {  	[dreg:$0x3] =	wrdreg s5  }
0xb0: {  	[dreg:$0x4] =	wrdreg $0xC0  }
0xb1: {  	_ =	task [dreg:s7], $0x5FFFF  }
0xb2: {  	[dreg:$0x1] =	wrdreg $0xFFFFFFFF  }
0xb3: {  	[dreg:$0x0] =	wrdreg $0x60  }
0xb4: {  	[dreg:$0x2] =	wrdreg s24  }
0xb5: {  	[dreg:$0x3] =	wrdreg s16  }
0xb6: {  	[dreg:$0x4] =	wrdreg $0xA0000  }
0xb7: {  	[dreg:$0x5] =	wrdreg $0xE4800  }
0xb8: {  	[dreg:$0x6] =	wrdreg $0x9  }
0xb9: {  	_ =	task.clear_ibuf [dreg:s7], $0x7FFFF;
	_ =	strace $0x90000049  }
0xba: {  	s29 =	simm.s32 $0x9;
	_ =	strace $0x8000004B  }
0xbb: {  	_ =	swait.ge [sflag:s29], $0x1  }
0xbc: {  	[sflag:s29] =	ssyncadd.s32 $0xFFFFFFFF  }
0xbd: {  	_ =	strace $0x9000004B  }
0xbe: {  	_ =	sfence  }
0xbf: {  	s30 =	sld [smem:$0x0];
	_ =	sdelay $0x2  }
0xc0: {  	s31 =	sshll.u32 s1, $0xD;
	s1 =	sshrl.u32 s1, $0x2  }
0xc1: {  	s3 =	sand.u32 $0x4000, s31;
	s1 =	sadd.s32 s1, s30  }
0xc2: {  	s0 =	sor.u32 s3, s0;
	s1 =	sshll.u32 s1, $0x11  }
0xc3: {  	s0 =	sor.u32 s1, s0  }
0xc4: {  	s0 =	sadd.s32 $0x8F2B, s0  }
0xc5: {  	[sflag:s0] =	ssyncadd.remote.s32 $0x1  }
0xc6: {  	_ =	sfence.sel $0xFFFF  }
0xc7: {  	[dreg:$0x0] =	wrdreg $0xFFFFFFFF;
	(pc) =	sbr.abs _section_cstart, $3  }
0xc8: {  	[dreg:$0x1] =	wrdreg $0xFFFFFFFF  }
0xc9: {  	_ =	task.clear_ibuf [dreg:s7], $0x2FFFF;
	_ =	strace $0x9FFFFFFF  }
0xca: {  	(tm) =	ssettm $0x7FFFFFFF  }
0xcb: {  	_ =	shalt  }
tec
execute0_lowered:
.L_overlay_start_1:
0x0: {  	(tag) =	ssettag $0x1  }
0x1: {  	s11 =	rddreg [dreg:$0x0]  }
0x2: {  	s15 =	rddreg [dreg:$0x1]  }
0x3: {  	s1 =	srdreg.scid;
	s2 =	rddreg [dreg:$0x2]  }
0x4: {  	s0 =	stileid.u32;
	s3 =	rddreg [dreg:$0x3];
	s4 =	simm.s32 $0x0  }
0x5: {  	s20 =	simm.s32 $0x2800;
	s21 =	simm.s32 $0x80;
	s22 =	simm.s32 $0x100  }
0x6: {  	s23 =	simm.s32 $0x5000;
	s24 =	simm.s32 $0x1400;
	s28 =	simm.s32 $0x10  }
0x7: {  	s29 =	simm.s32 $0x0;
	s9 =	sand.u32 $0x1, s1;
	s25 =	sshll.u32 s0, $0x1  }
0x8: {  	[smem:$0x7FF] =	sst s4;
	s26 =	sadd.s32 $0x15000, s11;
	s12 =	smul.u32 $0x4480, s0  }
0x9: {  	s6 =	sadd.s32 $0x15600, s11;
	s7 =	sadd.s32 $0xA600, s11;
	s30 =	sshll.u32 s0, $0x6  }
0xa: {  	s14 =	smul.u32 $0x8900, s0;
	s5 =	sor.u32 s9, s25;
	_ =	strace $0x8000004A  }
0xb: {  	s8 =	ssub.s32 $0x2, s9;
	[dreg:$0x5] =	wrdreg s26;
	s31 =	sshll.u32 s9, $0x7  }
0xc: {  	s25 =	simm.s32 $0x1;
	s26 =	simm.s32 $0x20;
	s5 =	smul.u32 $0x280, s5  }
0xd: {  	s10 =	sshrl.u32 s8, $0x1;
	s17 =	sadd.s32 s12, s2;
	s19 =	sadd.s32 s12, s3  }
0xe: {  	s14 =	sor.u32 s31, s14;
	s16 =	ssub.s32 s8, s10;
	s8 =	sor.u32 $0x1C02, s30  }
0xf: {  	s18 =	sadd.s32 $0x89000, s14;
	s14 =	sshrl.u32 s14, $0x3;
	s17 =	sshrl.u32 s17, $0x3  }
0x10: {  	s19 =	sshrl.u32 s19, $0x3;
	s13 =	sadd.s32 s5, s11;
	s11 =	sadd.s32 $0x15610, s11  }
0x11: {  	s18 =	sshrl.u32 s18, $0x3;
	s14 =	sadd.s32 s15, s14;
	s16 =	smax.u32 s16, $0x1  }
0x12: {  	s9 =	sadd.s32 $0xB000, s13;
	s10 =	sadd.s32 $0x600, s13;
	s12 =	sadd.s32 $0x10000, s13  }
0x13: {  	s13 =	sadd.s32 $0x5600, s13;
	s15 =	sadd.s32 s15, s18;
	s18 =	simm.s32 $0x2  }
.LBB2_1:
0x14: {  	[spmem:s17], [sflag:s8] =	dma.local [hbm:s7], $0x890  }
0x15: {  	_ =	swait.ge [sflag:s18], $0x890  }
0x16: {  	[sflag:s18] =	ssyncset.done $0x0  }
0x17: {  	[sflag:s18] =	ssyncadd.s32 $0xFFFFF770  }
0x18: {  	[spmem:s19], [sflag:s8] =	dma.local [hbm:s7], $0x890  }
0x19: {  	_ =	swait.ge [sflag:s18], $0x890  }
0x1a: {  	[sflag:s18] =	ssyncset.done $0x0  }
0x1b: {  	s0 =	rddreg [dreg:$0x5];
	[sflag:s18] =	ssyncadd.s32 $0xFFFFF770  }
0x1c: {  	[tilespmem:s20], [sflag:$0x2] =	stream.linear.gather [hbm4b:s0+s4], $0x2800, $0x38;
	[tilespmem:$0x12900] =	vst v63  }
0x1d: {  	_ =	swait.ge [sflag:s18], $0x2800  }
0x1e: {  	[sflag:s18] =	ssyncset.done $0x0  }
0x1f: {  	[sflag:s18] =	ssyncadd.s32 $0xFFFFD800  }
0x20: {  	[bflag:$0x0] =	sbarrier.arrive $0xFFFF  }
0x21: {  	[tilespmem:s23], [sflag:$0x2] =	stream.strided.gather [hbm4b:s6+s21], $0x2800, s22, s21, $0x38;
	[tilespmem:$0x12900] =	vst v63  }
0x22: {  	_ =	swait.ge [sflag:s18], $0x2800  }
0x23: {  	[sflag:s18] =	ssyncset.done $0x0  }
0x24: {  	[sflag:s18] =	ssyncadd.s32 $0xFFFFD800  }
0x25: {  	[tilespmem:s4], [sflag:$0x2] =	stream.linear.gather [hbm4b:s9+s4], $0x1400, $0x38;
	[tilespmem:$0x12900] =	vst v63  }
0x26: {  	_ =	swait.ge [sflag:s18], $0x1400  }
0x27: {  	[sflag:s18] =	ssyncset.done $0x0  }
0x28: {  	[sflag:s18] =	ssyncadd.s32 $0xFFFFEC00  }
0x29: {  	[tilespmem:s24], [sflag:$0x2] =	stream.linear.gather [hbm4b:s10+s4], $0x1400, $0x38;
	[tilespmem:$0x12900] =	vst v63  }
0x2a: {  	_ =	swait.ge [sflag:s18], $0x1400  }
0x2b: {  	[sflag:s18] =	ssyncset.done $0x0  }
0x2c: {  	s30 =	simm.s32 $0x0;
	[sflag:s18] =	ssyncadd.s32 $0xFFFFEC00  }
0x2d: {  	v0 =	vld [tilespmem:s30+$0x0];
	_ =	sdelay $0x5  }
0x2e: {  	v1 =	vld [tilespmem:s30+$0x1400]  }
0x2f: {  	v3 =	vld [tilespmem:s30+$0x10]  }
0x30: {  	v2 =	vld.idx.msk [tilespmem:v0+s20+$0x0], $0xffff  }
0x31: {  	v0 =	vld.idx.msk [tilespmem:v0+s23+$0x0], $0xffff;
	_ =	sdelay $0x2  }
0x32: {  	v1 =	vmul.u32 $0x1C, v1;
	_ =	sdelay $0x1  }
0x33: {  	v1 =	vadd.s32 v2, v1;
	[tilespmem:s30+$0x7800] =	vst v0;
	v2 =	vld [tilespmem:s30+$0x20]  }
0x34: {  	[tilespmem:s30+$0x8C00] =	vst v1;
	v1 =	vld [tilespmem:s30+$0x1410]  }
0x35: {  	v0 =	vld.idx.msk [tilespmem:v3+s20+$0x0], $0xffff  }
0x36: {  	v3 =	vld.idx.msk [tilespmem:v3+s23+$0x0], $0xffff;
	_ =	sdelay $0x2  }
0x37: {  	v1 =	vmul.u32 $0x1C, v1;
	_ =	sdelay $0x1  }
0x38: {  	[tilespmem:s30+$0x7810] =	vst v3;
	v0 =	vadd.s32 v0, v1;
	v1 =	vld [tilespmem:s30+$0x1420]  }
0x39: {  	[tilespmem:s30+$0x8C10] =	vst v0;
	v0 =	vld [tilespmem:s30+$0x30]  }
0x3a: {  	v3 =	vld.idx.msk [tilespmem:v2+s20+$0x0], $0xffff  }
0x3b: {  	v2 =	vld.idx.msk [tilespmem:v2+s23+$0x0], $0xffff;
	_ =	sdelay $0x2  }
0x3c: {  	v1 =	vmul.u32 $0x1C, v1;
	_ =	sdelay $0x1  }
0x3d: {  	v4 =	vld [tilespmem:s30+$0x1430];
	v1 =	vadd.s32 v3, v1;
	[tilespmem:s30+$0x7820] =	vst v2  }
0x3e: {  	v2 =	vld [tilespmem:s30+$0x40];
	[tilespmem:s30+$0x8C20] =	vst v1  }
0x3f: {  	v1 =	vld.idx.msk [tilespmem:v0+s20+$0x0], $0xffff  }
0x40: {  	v0 =	vld.idx.msk [tilespmem:v0+s23+$0x0], $0xffff;
	_ =	sdelay $0x2  }
0x41: {  	v3 =	vmul.u32 $0x1C, v4;
	_ =	sdelay $0x1  }
0x42: {  	v61 =	vld [tilespmem:s30+$0x1440];
	v1 =	vadd.s32 v1, v3;
	[tilespmem:s30+$0x7830] =	vst v0  }
0x43: {  	v0 =	vld [tilespmem:s30+$0x50];
	[tilespmem:s30+$0x8C30] =	vst v1  }
0x44: {  	v1 =	vld.idx.msk [tilespmem:v2+s20+$0x0], $0xffff  }
0x45: {  	v2 =	vld.idx.msk [tilespmem:v2+s23+$0x0], $0xffff;
	_ =	sdelay $0x2  }
0x46: {  	v3 =	vmul.u32 $0x1C, v61;
	_ =	sdelay $0x1  }
0x47: {  	v62 =	vld [tilespmem:s30+$0x1450];
	v1 =	vadd.s32 v1, v3;
	[tilespmem:s30+$0x7840] =	vst v2  }
0x48: {  	v2 =	vld [tilespmem:s30+$0x60];
	[tilespmem:s30+$0x8C40] =	vst v1  }
0x49: {  	v1 =	vld.idx.msk [tilespmem:v0+s20+$0x0], $0xffff  }
0x4a: {  	v0 =	vld.idx.msk [tilespmem:v0+s23+$0x0], $0xffff;
	_ =	sdelay $0x2  }
0x4b: {  	v3 =	vmul.u32 $0x1C, v62;
	_ =	sdelay $0x1  }
0x4c: {  	v63 =	vld [tilespmem:s30+$0x1460];
	v1 =	vadd.s32 v1, v3;
	[tilespmem:s30+$0x7850] =	vst v0  }
0x4d: {  	v0 =	vld [tilespmem:s30+$0x70];
	[tilespmem:s30+$0x8C50] =	vst v1  }
0x4e: {  	v3 =	vld.idx.msk [tilespmem:v2+s20+$0x0], $0xffff  }
0x4f: {  	v2 =	vld.idx.msk [tilespmem:v2+s23+$0x0], $0xffff;
	_ =	sdelay $0x1  }
0x50: {  	v1 =	vld [tilespmem:s30+$0x1470]  }
0x51: {  	v4 =	vmul.u32 $0x1C, v63;
	_ =	sdelay $0x1  }
0x52: {  	v3 =	vadd.s32 v3, v4;
	[tilespmem:s30+$0x7860] =	vst v2  }
0x53: {  	[tilespmem:s30+$0x8C60] =	vst v3  }
0x54: {  	s31 =	simm.s32 $0x200;
	v1 =	vmul.u32 $0x1C, v1;
	v2 =	vld.idx.msk [tilespmem:v0+s20+$0x0], $0xffff  }
.LBB2_2:
0x55: {  	p0 =	sne.s32 s31, $0x4E00;
	v0 =	vld.idx.msk [tilespmem:v0+s23+$0x0], $0xffff;
	s1 =	smov.u32 s31;
	s31 =	sadd.s32 $0x200, s31  }
0x56: {  	_ =	sdelay $0x3  }
0x57: {  	v1 =	vadd.s32 v2, v1  }
0x58: {  	s0 =	sadd.s32 $0x8C00, s30;
	s5 =	sadd.s32 $0x7800, s30;
	[tilespmem:s30+$0x8C70] =	vst v1  }
0x59: {  	[tilespmem:s30+$0x7870] =	vst v0;
	s30 =	sshra.s32 s1, $0x2  }
0x5a: {  	[spmem:s2] =	stream.indirect.scatter.add.f32 [tilespmem:s5], [sflag:$0x1], $0x1, s0, s21, $0xb8;
	[tilespmem:$0x12900] =	vst v63  }
0x5b: {  	v0 =	vld [tilespmem:s30+$0x0];
	_ =	sdelay $0x5  }
0x5c: {  	v1 =	vld [tilespmem:s30+$0x10]  }
0x5d: {  	v2 =	vld [tilespmem:s30+$0x1400]  }
0x5e: {  	v3 =	vld.idx.msk [tilespmem:v0+s20+$0x0], $0xffff  }
0x5f: {  	v0 =	vld.idx.msk [tilespmem:v0+s23+$0x0], $0xffff;
	_ =	sdelay $0x2  }
0x60: {  	v2 =	vmul.u32 $0x1C, v2;
	_ =	sdelay $0x1  }
0x61: {  	v2 =	vadd.s32 v3, v2  }
0x62: {  	[tilespmem:s30+$0x8C00] =	vst v2;
	v2 =	vld [tilespmem:s30+$0x1410]  }
0x63: {  	[tilespmem:s30+$0x7800] =	vst v0;
	v0 =	vld [tilespmem:s30+$0x20]  }
0x64: {  	v3 =	vld.idx.msk [tilespmem:v1+s20+$0x0], $0xffff  }
0x65: {  	v1 =	vld.idx.msk [tilespmem:v1+s23+$0x0], $0xffff;
	_ =	sdelay $0x1  }
0x66: {  	v2 =	vmul.u32 $0x1C, v2;
	_ =	sdelay $0x2  }
0x67: {  	v2 =	vadd.s32 v3, v2;
	v3 =	vld [tilespmem:s30+$0x1420]  }
0x68: {  	[tilespmem:s30+$0x8C10] =	vst v2  }
0x69: {  	[tilespmem:s30+$0x7810] =	vst v1;
	v1 =	vld [tilespmem:s30+$0x30]  }
0x6a: {  	v2 =	vld.idx.msk [tilespmem:v0+s20+$0x0], $0xffff  }
0x6b: {  	v0 =	vld.idx.msk [tilespmem:v0+s23+$0x0], $0xffff  }
0x6c: {  	v3 =	vmul.u32 $0x1C, v3;
	_ =	sdelay $0x2  }
0x6d: {  	v4 =	vld [tilespmem:s30+$0x1430]  }
0x6e: {  	v2 =	vadd.s32 v2, v3  }
0x6f: {  	[tilespmem:s30+$0x8C20] =	vst v2  }
0x70: {  	[tilespmem:s30+$0x7820] =	vst v0;
	v0 =	vld [tilespmem:s30+$0x40]  }
0x71: {  	v2 =	vld.idx.msk [tilespmem:v1+s20+$0x0], $0xffff  }
0x72: {  	v1 =	vld.idx.msk [tilespmem:v1+s23+$0x0], $0xffff;
	v3 =	vmul.u32 $0x1C, v4;
	_ =	sdelay $0x2  }
0x73: {  	v4 =	vld [tilespmem:s30+$0x1440];
	_ =	sdelay $0x1  }
0x74: {  	v2 =	vadd.s32 v2, v3  }
0x75: {  	[tilespmem:s30+$0x8C30] =	vst v2  }
0x76: {  	[tilespmem:s30+$0x7830] =	vst v1;
	v1 =	vld [tilespmem:s30+$0x50]  }
0x77: {  	v2 =	vld.idx.msk [tilespmem:v0+s20+$0x0], $0xffff;
	v3 =	vmul.u32 $0x1C, v4  }
0x78: {  	v0 =	vld.idx.msk [tilespmem:v0+s23+$0x0], $0xffff;
	_ =	sdelay $0x1  }
0x79: {  	v4 =	vld [tilespmem:s30+$0x1450];
	_ =	sdelay $0x2  }
0x7a: {  	v2 =	vadd.s32 v2, v3  }
0x7b: {  	[tilespmem:s30+$0x8C40] =	vst v2  }
0x7c: {  	[tilespmem:s30+$0x7840] =	vst v0;
	v0 =	vmul.u32 $0x1C, v4;
	v2 =	vld [tilespmem:s30+$0x60]  }
0x7d: {  	v3 =	vld.idx.msk [tilespmem:v1+s20+$0x0], $0xffff  }
0x7e: {  	v1 =	vld.idx.msk [tilespmem:v1+s23+$0x0], $0xffff  }
0x7f: {  	v4 =	vld [tilespmem:s30+$0x1460];
	_ =	sdelay $0x3  }
0x80: {  	v0 =	vadd.s32 v3, v0  }
0x81: {  	[tilespmem:s30+$0x8C50] =	vst v0;
	v3 =	vmul.u32 $0x1C, v4;
	v4 =	vld [tilespmem:s30+$0x1470]  }
0x82: {  	[tilespmem:s30+$0x7850] =	vst v1;
	v0 =	vld [tilespmem:s30+$0x70]  }
0x83: {  	v1 =	vld.idx.msk [tilespmem:v2+s20+$0x0], $0xffff  }
0x84: {  	v2 =	vld.idx.msk [tilespmem:v2+s23+$0x0], $0xffff;
	_ =	sdelay $0x3  }
.Ltmp0:
0x85: {  	(pc) =	sbr.rel @p0 .LBB2_2-.Ltmp0, $4  }
0x86: {  	v3 =	vadd.s32 v1, v3;
	v1 =	vmul.u32 $0x1C, v4  }
0x87: {  	[tilespmem:s30+$0x8C60] =	vst v3  }
0x88: {  	[tilespmem:s30+$0x7860] =	vst v2  }
0x89: {  	v2 =	vld.idx.msk [tilespmem:v0+s20+$0x0], $0xffff  }
0x8a: {  	_ =	sdelay $0x3  }
0x8b: {  	v0 =	vld.idx.msk [tilespmem:v0+s23+$0x0], $0xffff;
	_ =	sdelay $0x2  }
0x8c: {  	v1 =	vadd.s32 v2, v1  }
0x8d: {  	[tilespmem:s30+$0x8C70] =	vst v1  }
0x8e: {  	s0 =	sadd.s32 $0x8C00, s30;
	s1 =	sadd.s32 $0x7800, s30;
	[tilespmem:s30+$0x7870] =	vst v0  }
0x8f: {  	[spmem:s2] =	stream.indirect.scatter.add.f32 [tilespmem:s1], [sflag:$0x1], $0x1, s0, s21, $0xb8;
	[tilespmem:$0x12900] =	vst v63  }
0x90: {  	_ =	swait.ge [sflag:s25], $0x80  }
0x91: {  	s30 =	simm.s32 $0x27;
	[sflag:s25] =	ssyncset.done $0x0  }
.LBB2_4:
0x92: {  	p0 =	sne.s32 s30, $0x1;
	s30 =	sadd.s32 $0xFFFFFFFF, s30;
	[sflag:s25] =	ssyncadd.s32 $0xFFFFFF80  }
.Ltmp1:
0x93: {  	(pc) =	sbr.rel @p0 .LBB2_4-.Ltmp1, $3  }
0x94: {  	_ =	sdelay $0x1  }
0x95: {  	_ =	swait.ge [sflag:s25], $0x80  }
0x96: {  	[sflag:s25] =	ssyncset.done $0x0  }
0x97: {  	[sflag:s25] =	ssyncadd.s32 $0xFFFFFF80  }
0x98: {  	[tilespmem:s23], [sflag:$0x2] =	stream.strided.gather [hbm4b:s11+s21], $0x2800, s22, s21, $0x38;
	[tilespmem:$0x12900] =	vst v63  }
0x99: {  	_ =	swait.ge [sflag:s18], $0x2800  }
0x9a: {  	[sflag:s18] =	ssyncset.done $0x0  }
0x9b: {  	s0 =	simm.s32 $0x0;
	[sflag:s18] =	ssyncadd.s32 $0xFFFFD800  }
0x9c: {  	[tilespmem:s0], [sflag:$0x2] =	stream.linear.gather [hbm4b:s12+s0], $0x1400, $0x38;
	[tilespmem:$0x12900] =	vst v63  }
0x9d: {  	_ =	swait.ge [sflag:s18], $0x1400  }
0x9e: {  	[sflag:s18] =	ssyncset.done $0x0  }
0x9f: {  	[sflag:s18] =	ssyncadd.s32 $0xFFFFEC00  }
0xa0: {  	[tilespmem:s24], [sflag:$0x2] =	stream.linear.gather [hbm4b:s13+s0], $0x1400, $0x38;
	[tilespmem:$0x12900] =	vst v63  }
0xa1: {  	_ =	swait.ge [sflag:s18], $0x1400  }
0xa2: {  	[sflag:s18] =	ssyncset.done $0x0  }
0xa3: {  	s30 =	simm.s32 $0x0;
	[sflag:s18] =	ssyncadd.s32 $0xFFFFEC00  }
0xa4: {  	v0 =	vld [tilespmem:s30+$0x0];
	_ =	sdelay $0x5  }
0xa5: {  	v1 =	vld [tilespmem:s30+$0x1400]  }
0xa6: {  	v3 =	vld [tilespmem:s30+$0x10]  }
0xa7: {  	v2 =	vld.idx.msk [tilespmem:v0+s20+$0x0], $0xffff  }
0xa8: {  	v0 =	vld.idx.msk [tilespmem:v0+s23+$0x0], $0xffff;
	_ =	sdelay $0x2  }
0xa9: {  	v1 =	vmul.u32 $0x1C, v1;
	_ =	sdelay $0x1  }
0xaa: {  	v1 =	vadd.s32 v2, v1;
	[tilespmem:s30+$0x7800] =	vst v0;
	v2 =	vld [tilespmem:s30+$0x20]  }
0xab: {  	[tilespmem:s30+$0x8C00] =	vst v1;
	v1 =	vld [tilespmem:s30+$0x1410]  }
0xac: {  	v0 =	vld.idx.msk [tilespmem:v3+s20+$0x0], $0xffff  }
0xad: {  	v3 =	vld.idx.msk [tilespmem:v3+s23+$0x0], $0xffff;
	_ =	sdelay $0x2  }
0xae: {  	v1 =	vmul.u32 $0x1C, v1;
	_ =	sdelay $0x1  }
0xaf: {  	[tilespmem:s30+$0x7810] =	vst v3;
	v0 =	vadd.s32 v0, v1;
	v1 =	vld [tilespmem:s30+$0x1420]  }
0xb0: {  	[tilespmem:s30+$0x8C10] =	vst v0;
	v0 =	vld [tilespmem:s30+$0x30]  }
0xb1: {  	v3 =	vld.idx.msk [tilespmem:v2+s20+$0x0], $0xffff  }
0xb2: {  	v2 =	vld.idx.msk [tilespmem:v2+s23+$0x0], $0xffff;
	_ =	sdelay $0x2  }
0xb3: {  	v1 =	vmul.u32 $0x1C, v1;
	_ =	sdelay $0x1  }
0xb4: {  	v4 =	vld [tilespmem:s30+$0x1430];
	v1 =	vadd.s32 v3, v1;
	[tilespmem:s30+$0x7820] =	vst v2  }
0xb5: {  	v2 =	vld [tilespmem:s30+$0x40];
	[tilespmem:s30+$0x8C20] =	vst v1  }
0xb6: {  	v1 =	vld.idx.msk [tilespmem:v0+s20+$0x0], $0xffff  }
0xb7: {  	v0 =	vld.idx.msk [tilespmem:v0+s23+$0x0], $0xffff;
	_ =	sdelay $0x2  }
0xb8: {  	v3 =	vmul.u32 $0x1C, v4;
	_ =	sdelay $0x1  }
0xb9: {  	v61 =	vld [tilespmem:s30+$0x1440];
	v1 =	vadd.s32 v1, v3;
	[tilespmem:s30+$0x7830] =	vst v0  }
0xba: {  	v0 =	vld [tilespmem:s30+$0x50];
	[tilespmem:s30+$0x8C30] =	vst v1  }
0xbb: {  	v1 =	vld.idx.msk [tilespmem:v2+s20+$0x0], $0xffff  }
0xbc: {  	v2 =	vld.idx.msk [tilespmem:v2+s23+$0x0], $0xffff;
	_ =	sdelay $0x2  }
0xbd: {  	v3 =	vmul.u32 $0x1C, v61;
	_ =	sdelay $0x1  }
0xbe: {  	v62 =	vld [tilespmem:s30+$0x1450];
	v1 =	vadd.s32 v1, v3;
	[tilespmem:s30+$0x7840] =	vst v2  }
0xbf: {  	v2 =	vld [tilespmem:s30+$0x60];
	[tilespmem:s30+$0x8C40] =	vst v1  }
0xc0: {  	v1 =	vld.idx.msk [tilespmem:v0+s20+$0x0], $0xffff  }
0xc1: {  	v0 =	vld.idx.msk [tilespmem:v0+s23+$0x0], $0xffff;
	_ =	sdelay $0x2  }
0xc2: {  	v3 =	vmul.u32 $0x1C, v62;
	_ =	sdelay $0x1  }
0xc3: {  	v63 =	vld [tilespmem:s30+$0x1460];
	v1 =	vadd.s32 v1, v3;
	[tilespmem:s30+$0x7850] =	vst v0  }
0xc4: {  	v0 =	vld [tilespmem:s30+$0x70];
	[tilespmem:s30+$0x8C50] =	vst v1  }
0xc5: {  	v3 =	vld.idx.msk [tilespmem:v2+s20+$0x0], $0xffff  }
0xc6: {  	v2 =	vld.idx.msk [tilespmem:v2+s23+$0x0], $0xffff;
	_ =	sdelay $0x1  }
0xc7: {  	v1 =	vld [tilespmem:s30+$0x1470]  }
0xc8: {  	v4 =	vmul.u32 $0x1C, v63;
	_ =	sdelay $0x1  }
0xc9: {  	v3 =	vadd.s32 v3, v4;
	[tilespmem:s30+$0x7860] =	vst v2  }
0xca: {  	[tilespmem:s30+$0x8C60] =	vst v3  }
0xcb: {  	s31 =	simm.s32 $0x200;
	v1 =	vmul.u32 $0x1C, v1;
	v2 =	vld.idx.msk [tilespmem:v0+s20+$0x0], $0xffff  }
.LBB2_6:
0xcc: {  	p0 =	sne.s32 s31, $0x4E00;
	v0 =	vld.idx.msk [tilespmem:v0+s23+$0x0], $0xffff;
	s0 =	smov.u32 s31;
	s31 =	sadd.s32 $0x200, s31  }
0xcd: {  	_ =	sdelay $0x3  }
0xce: {  	v1 =	vadd.s32 v2, v1  }
0xcf: {  	s1 =	sadd.s32 $0x8C00, s30;
	s5 =	sadd.s32 $0x7800, s30;
	[tilespmem:s30+$0x8C70] =	vst v1  }
0xd0: {  	[tilespmem:s30+$0x7870] =	vst v0;
	s30 =	sshra.s32 s0, $0x2  }
0xd1: {  	[spmem:s3] =	stream.indirect.scatter.add.f32 [tilespmem:s5], [sflag:$0x1], $0x1, s1, s21, $0xb8;
	[tilespmem:$0x12900] =	vst v63  }
0xd2: {  	v0 =	vld [tilespmem:s30+$0x0];
	_ =	sdelay $0x5  }
0xd3: {  	v1 =	vld [tilespmem:s30+$0x10]  }
0xd4: {  	v2 =	vld [tilespmem:s30+$0x1400]  }
0xd5: {  	v3 =	vld.idx.msk [tilespmem:v0+s20+$0x0], $0xffff  }
0xd6: {  	v0 =	vld.idx.msk [tilespmem:v0+s23+$0x0], $0xffff;
	_ =	sdelay $0x2  }
0xd7: {  	v2 =	vmul.u32 $0x1C, v2;
	_ =	sdelay $0x1  }
0xd8: {  	v2 =	vadd.s32 v3, v2  }
0xd9: {  	[tilespmem:s30+$0x8C00] =	vst v2;
	v2 =	vld [tilespmem:s30+$0x1410]  }
0xda: {  	[tilespmem:s30+$0x7800] =	vst v0;
	v0 =	vld [tilespmem:s30+$0x20]  }
0xdb: {  	v3 =	vld.idx.msk [tilespmem:v1+s20+$0x0], $0xffff  }
0xdc: {  	v1 =	vld.idx.msk [tilespmem:v1+s23+$0x0], $0xffff;
	_ =	sdelay $0x1  }
0xdd: {  	v2 =	vmul.u32 $0x1C, v2;
	_ =	sdelay $0x2  }
0xde: {  	v2 =	vadd.s32 v3, v2;
	v3 =	vld [tilespmem:s30+$0x1420]  }
0xdf: {  	[tilespmem:s30+$0x8C10] =	vst v2  }
0xe0: {  	[tilespmem:s30+$0x7810] =	vst v1;
	v1 =	vld [tilespmem:s30+$0x30]  }
0xe1: {  	v2 =	vld.idx.msk [tilespmem:v0+s20+$0x0], $0xffff  }
0xe2: {  	v0 =	vld.idx.msk [tilespmem:v0+s23+$0x0], $0xffff  }
0xe3: {  	v3 =	vmul.u32 $0x1C, v3;
	_ =	sdelay $0x2  }
0xe4: {  	v4 =	vld [tilespmem:s30+$0x1430]  }
0xe5: {  	v2 =	vadd.s32 v2, v3  }
0xe6: {  	[tilespmem:s30+$0x8C20] =	vst v2  }
0xe7: {  	[tilespmem:s30+$0x7820] =	vst v0;
	v0 =	vld [tilespmem:s30+$0x40]  }
0xe8: {  	v2 =	vld.idx.msk [tilespmem:v1+s20+$0x0], $0xffff  }
0xe9: {  	v1 =	vld.idx.msk [tilespmem:v1+s23+$0x0], $0xffff;
	v3 =	vmul.u32 $0x1C, v4;
	_ =	sdelay $0x2  }
0xea: {  	v4 =	vld [tilespmem:s30+$0x1440];
	_ =	sdelay $0x1  }
0xeb: {  	v2 =	vadd.s32 v2, v3  }
0xec: {  	[tilespmem:s30+$0x8C30] =	vst v2  }
0xed: {  	[tilespmem:s30+$0x7830] =	vst v1;
	v1 =	vld [tilespmem:s30+$0x50]  }
0xee: {  	v2 =	vld.idx.msk [tilespmem:v0+s20+$0x0], $0xffff;
	v3 =	vmul.u32 $0x1C, v4  }
0xef: {  	v0 =	vld.idx.msk [tilespmem:v0+s23+$0x0], $0xffff;
	_ =	sdelay $0x1  }
0xf0: {  	v4 =	vld [tilespmem:s30+$0x1450];
	_ =	sdelay $0x2  }
0xf1: {  	v2 =	vadd.s32 v2, v3  }
0xf2: {  	[tilespmem:s30+$0x8C40] =	vst v2  }
0xf3: {  	[tilespmem:s30+$0x7840] =	vst v0;
	v0 =	vmul.u32 $0x1C, v4;
	v2 =	vld [tilespmem:s30+$0x60]  }
0xf4: {  	v3 =	vld.idx.msk [tilespmem:v1+s20+$0x0], $0xffff  }
0xf5: {  	v1 =	vld.idx.msk [tilespmem:v1+s23+$0x0], $0xffff  }
0xf6: {  	v4 =	vld [tilespmem:s30+$0x1460];
	_ =	sdelay $0x3  }
0xf7: {  	v0 =	vadd.s32 v3, v0  }
0xf8: {  	[tilespmem:s30+$0x8C50] =	vst v0;
	v3 =	vmul.u32 $0x1C, v4;
	v4 =	vld [tilespmem:s30+$0x1470]  }
0xf9: {  	[tilespmem:s30+$0x7850] =	vst v1;
	v0 =	vld [tilespmem:s30+$0x70]  }
0xfa: {  	v1 =	vld.idx.msk [tilespmem:v2+s20+$0x0], $0xffff  }
0xfb: {  	v2 =	vld.idx.msk [tilespmem:v2+s23+$0x0], $0xffff;
	_ =	sdelay $0x3  }
.Ltmp2:
0xfc: {  	(pc) =	sbr.rel @p0 .LBB2_6-.Ltmp2, $4  }
0xfd: {  	v3 =	vadd.s32 v1, v3;
	v1 =	vmul.u32 $0x1C, v4  }
0xfe: {  	[tilespmem:s30+$0x8C60] =	vst v3  }
0xff: {  	[tilespmem:s30+$0x7860] =	vst v2  }
0x100: {  	v2 =	vld.idx.msk [tilespmem:v0+s20+$0x0], $0xffff  }
0x101: {  	_ =	sdelay $0x3  }
0x102: {  	v0 =	vld.idx.msk [tilespmem:v0+s23+$0x0], $0xffff;
	_ =	sdelay $0x2  }
0x103: {  	v1 =	vadd.s32 v2, v1  }
0x104: {  	[tilespmem:s30+$0x8C70] =	vst v1  }
0x105: {  	s0 =	sadd.s32 $0x8C00, s30;
	s1 =	sadd.s32 $0x7800, s30;
	[tilespmem:s30+$0x7870] =	vst v0  }
0x106: {  	[spmem:s3] =	stream.indirect.scatter.add.f32 [tilespmem:s1], [sflag:$0x1], $0x1, s0, s21, $0xb8;
	[tilespmem:$0x12900] =	vst v63  }
0x107: {  	_ =	swait.ge [sflag:s25], $0x80  }
0x108: {  	s30 =	simm.s32 $0x27;
	[sflag:s25] =	ssyncset.done $0x0  }
.LBB2_8:
0x109: {  	p0 =	sne.s32 s30, $0x1;
	s30 =	sadd.s32 $0xFFFFFFFF, s30;
	[sflag:s25] =	ssyncadd.s32 $0xFFFFFF80  }
.Ltmp3:
0x10a: {  	(pc) =	sbr.rel @p0 .LBB2_8-.Ltmp3, $3  }
0x10b: {  	_ =	sdelay $0x1  }
0x10c: {  	_ =	swait.ge [sflag:s25], $0x80  }
0x10d: {  	[sflag:s25] =	ssyncset.done $0x0  }
0x10e: {  	[sflag:s25] =	ssyncadd.s32 $0xFFFFFF80  }
0x10f: {  	[bflag:$0x0] =	sbarrier.arrive $0xFFFF  }
0x110: {  	[hbm:s14@s26], [sflag:s8] =	dma.strided [spmem:s17@s28], $0x890, s25, $0x10   }
0x111: {  	s29 =	sadd.s32 $0x1, s29;
	_ =	swait.ge [sflag:s18], $0x890  }
0x112: {  	p0 =	sne.s32 s29, s16;
	[sflag:s18] =	ssyncset.done $0x0  }
.Ltmp4:
0x113: {  	[sflag:s18] =	ssyncadd.s32 $0xFFFFF770;
	(pc) =	sbr.rel @p0 .LBB2_1-.Ltmp4, $4  }
0x114: {  	[hbm:s15@s26], [sflag:s8] =	dma.strided [spmem:s19@s28], $0x890, s25, $0x10   }
0x115: {  	_ =	swait.ge [sflag:s18], $0x890  }
0x116: {  	[sflag:s18] =	ssyncset.done $0x0  }
0x117: {  	[sflag:s18] =	ssyncadd.s32 $0xFFFFF770  }
0x118: {  	_ =	sfence.sel $0x180000  }
0x119: {  	[bflag:$0x0] =	sbarrier.arrive $0xFFFF  }
0x11a: {  	_ =	strace $0x9000004A  }
0x11b: {  	s0 =	stileid.u32;
	[bflag:$0x2] =	sbarrier.arrive $0xFFFF  }
0x11c: {  	p0 =	sne.s32 s0, $0x0;
	s0 =	rddreg [dreg:$0x4]  }
0x11d: {  	s0 =	sadd.s32 @!p0 $0x100000, s0  }
0x11e: {  	[sflag:s0] =	ssyncadd.tile.s32 @!p0 $0x1;
	_ =	shalt  }
.Lfunc_end2:
_tile_overlayer_lowered:
.L_overlay_start_2:
0x11f: {  	(tag) =	ssettag $0x2  }
0x120: {  	s0 =	rddreg [dreg:$0x0];
	s2 =	stileid.u32  }
0x121: {  	s1 =	rddreg [dreg:$0x1];
	p0 =	sne.s32 s2, $0x0  }
0x122: {  	s3 =	rddreg [dreg:$0x2];
	[bflag:$0x3] =	sbarrier.arrive $0xFFFF;
	s2 =	simm.s32 @!p0 $0x1C02  }
0x123: {  	[timem:s3], [sflag:s2] =	dma.local @!p0 [hbm:s0], s1  }
0x124: {  	s0 =	simm.s32 @!p0 $0x2  }
0x125: {  	_ =	swait.ge @!p0 [sflag:s0], s1  }
0x126: {  	s1 =	ssub.s32 @!p0 $0x0, s1;
	[sflag:s0] =	ssyncset.done @!p0 $0x0  }
0x127: {  	[sflag:s0] =	ssyncadd.s32 @!p0 s1  }
0x128: {  	[bflag:$0x3] =	sbarrier.arrive $0xFFFF  }
0x129: {  	_ =	shalt  }

// kernel: kernel.14.cloned.1.call-start
scs
__scs_entry_jumppad:
0x0: {  	(pc) =	sbr.rel $0x88, $3  }
0x1: {  	(tag) =	ssettag $0x0;
	lr =	simm.s32 $0x1  }
0x2: {  	[smem:$0x3F94] =	sst lr;
	_ =	strace $0xD0000000  }
0x3: {  	_ = 	snop  }
0x4: {  	_ = 	snop  }
0x5: {  	_ = 	snop  }
0x6: {  	_ = 	snop  }
0x7: {  	_ = 	snop  }
__scs_overlays_trampoline_lowered:
0x8: {  	[smem:$0x3FA3] =	sst s0  }
0x9: {  	[smem:$0x3FA4] =	sst s1  }
0xa: {  	[smem:$0x3FA5] =	sst s2  }
0xb: {  	[smem:$0x3FA6] =	sst s3  }
0xc: {  	[smem:$0x3FA7] =	sst s4  }
0xd: {  	[smem:$0x3FA8] =	sst s5  }
0xe: {  	[smem:$0x3FA9] =	sst s6  }
0xf: {  	[smem:$0x3FAA] =	sst s7  }
0x10: {  	[smem:$0x3FAB] =	sst s8  }
0x11: {  	[smem:$0x3FAC] =	sst s9;
	s0 =	simm.s32 @!p0 $0x0  }
0x12: {  	s1 =	sld [smem:$0x3F92];
	s0 =	simm.s32 @p0 $0x1  }
0x13: {  	[smem:$0x3FAD] =	sst s0;
	s0 =	simm.s32 @!p1 $0x0  }
0x14: {  	s2 =	sld [smem:$0x3F91];
	s0 =	simm.s32 @p1 $0x1  }
0x15: {  	[smem:$0x3FAE] =	sst s0;
	s0 =	simm.s32 @!p2 $0x0  }
0x16: {  	s3 =	sld [smem:$0x3FDB];
	s0 =	simm.s32 @p2 $0x1  }
0x17: {  	s4 =	simm.s32 $0x1BF5;
	[smem:$0x3FB0] =	sst s0  }
0x18: {  	s0 =	sld [smem:$0x3F93];
	_ =	swait.ge [sflag:s4], $0x0  }
0x19: {  	s7 =	sld [smem:$0x3F94]  }
0x1a: {  	s8 =	sadd.s32 $0xFFFFE003, lr  }
0x1b: {  	s9 =	sadd.s32 $0xFFFFFEF7, lr;
	s5 =	simm.s32 $0xFFFFFFFF;
	p2 =	slt.u32 s8, $0xFFFFF086  }
0x1c: {  	p1 =	slt.u32 s9, $0xF7A;
	s5 =	simm.s32 @!p2 $0x0  }
0x1d: {  	s5 =	simm.s32 @p1 $0x1;
	p0 =	seq.s32 s7, s2  }
0x1e: {  	s7 =	smul.u32 @!p0 $0xF7A, s2;
	p2 =	seq.s32 @!p0 s5, $0x0  }
0x1f: {  	s9 =	smul.u32 $0xF7A, s1;
	s8 =	simm.s32 @!p0 $0x1BF5;
	p2 =	por !p2, p0  }
0x20: {  	[sflag:s8] =	ssyncset.s32 @!p0 $0xFFFFF086;
	s6 =	sadd.s32 @!p0 s3, s7;
	s7 =	simm.s32 @!p0 $0x108  }
0x21: {  	s3 =	sadd.s32 s3, s9;
	s6 =	sadd.s32 @!p0 $0x88, s6;
	s7 =	simm.s32 @p2 $0x1082  }
0x22: {  	[simem:s7], [sflag:s8] =	dma.local @!p0 [hbm:s6], $0xF7A  }
0x23: {  	s9 =	sor.u32 $0xD0000000, s2;
	s6 =	simm.s32 $0x108;
	_ =	swait.ge @!p0 [sflag:s8], $0x0  }
0x24: {  	s3 =	sadd.s32 $0x88, s3;
	s6 =	simm.s32 @!p1 $0x1082;
	[sflag:s4] =	ssyncset.s32 $0xFFFFF086  }
0x25: {  	[simem:s6], [sflag:s4] =	dma.local [hbm:s3], $0xF7A  }
0x26: {  	[smem:$0x3F94] =	sst s1;
	(tag) =	ssettag s2;
	_ =	strace s9  }
0x27: {  	s1 =	sld [smem:$0x3FA4]  }
0x28: {  	s2 =	sld [smem:$0x3FA5]  }
0x29: {  	s4 =	sld [smem:$0x3FA7]  }
0x2a: {  	p0 =	seq.s32 s5, $0x0;
	s5 =	sld [smem:$0x3FA8]  }
0x2b: {  	s6 =	sld [smem:$0x3FA9]  }
0x2c: {  	s7 =	sld [smem:$0x3FAA]  }
0x2d: {  	s3 =	simm.s32 $0x108;
	s8 =	sld [smem:$0x3FAB]  }
0x2e: {  	s3 =	simm.s32 @!p0 $0x1082;
	s9 =	sld [smem:$0x3FAC]  }
0x2f: {  	lr =	sadd.s32 s0, s3;
	s0 =	sld [smem:$0x3FA3]  }
0x30: {  	s3 =	sld [smem:$0x3FA6]  }
0x31: {  	[smem:$0x3FAF] =	sst s10  }
0x32: {  	s10 =	sld [smem:$0x3FAD];
	_ =	sdelay $0x3  }
0x33: {  	p0 =	seq.s32 s10, $0x1;
	s10 =	sld [smem:$0x3FAF];
	_ =	sdelay $0x3  }
0x34: {  	[smem:$0x3FAF] =	sst s10  }
0x35: {  	s10 =	sld [smem:$0x3FAE];
	_ =	sdelay $0x3  }
0x36: {  	p1 =	seq.s32 s10, $0x1;
	s10 =	sld [smem:$0x3FAF];
	_ =	sdelay $0x3  }
0x37: {  	[smem:$0x3FAF] =	sst s10  }
0x38: {  	s10 =	sld [smem:$0x3FB0]  }
0x39: {  	_ = 	snop;
	(pc) =	sbr.ind lr, $3  }
0x3a: {  	_ = 	snop  }
0x3b: {  	_ = 	snop  }
0x3c: {  	p2 =	seq.s32 s10, $0x1;
	s10 =	sld [smem:$0x3FAF]  }
0x3d: {  	_ =	shalt  }
0x3e: {  	_ =	shalt  }
0x3f: {  	_ =	shalt  }
0x40: {  	_ =	shalt  }
0x41: {  	_ =	shalt  }
0x42: {  	_ =	shalt  }
0x43: {  	_ =	shalt  }
0x44: {  	_ =	shalt  }
0x45: {  	_ =	shalt  }
0x46: {  	_ =	shalt  }
0x47: {  	_ =	shalt  }
0x48: {  	_ =	shalt  }
0x49: {  	_ =	shalt  }
0x4a: {  	_ =	shalt  }
0x4b: {  	_ =	shalt  }
0x4c: {  	_ =	shalt  }
0x4d: {  	_ =	shalt  }
0x4e: {  	_ =	shalt  }
0x4f: {  	_ =	shalt  }
0x50: {  	_ =	shalt  }
0x51: {  	_ =	shalt  }
0x52: {  	_ =	shalt  }
0x53: {  	_ =	shalt  }
0x54: {  	_ =	shalt  }
0x55: {  	_ =	shalt  }
0x56: {  	_ =	shalt  }
0x57: {  	_ =	shalt  }
0x58: {  	_ =	shalt  }
0x59: {  	_ =	shalt  }
0x5a: {  	_ =	shalt  }
0x5b: {  	_ =	shalt  }
0x5c: {  	_ =	shalt  }
0x5d: {  	_ =	shalt  }
0x5e: {  	_ =	shalt  }
0x5f: {  	_ =	shalt  }
0x60: {  	_ =	shalt  }
0x61: {  	_ =	shalt  }
0x62: {  	_ =	shalt  }
0x63: {  	_ =	shalt  }
0x64: {  	_ =	shalt  }
0x65: {  	_ =	shalt  }
0x66: {  	_ =	shalt  }
0x67: {  	_ =	shalt  }
0x68: {  	_ =	shalt  }
0x69: {  	_ =	shalt  }
0x6a: {  	_ =	shalt  }
0x6b: {  	_ =	shalt  }
0x6c: {  	_ =	shalt  }
0x6d: {  	_ =	shalt  }
0x6e: {  	_ =	shalt  }
0x6f: {  	_ =	shalt  }
0x70: {  	_ =	shalt  }
0x71: {  	_ =	shalt  }
0x72: {  	_ =	shalt  }
0x73: {  	_ =	shalt  }
0x74: {  	_ =	shalt  }
0x75: {  	_ =	shalt  }
0x76: {  	_ =	shalt  }
0x77: {  	_ =	shalt  }
0x78: {  	_ =	shalt  }
0x79: {  	_ =	shalt  }
0x7a: {  	_ =	shalt  }
0x7b: {  	_ =	shalt  }
0x7c: {  	_ =	shalt  }
0x7d: {  	_ =	shalt  }
0x7e: {  	_ =	shalt  }
0x7f: {  	_ =	shalt  }
0x80: {  	_ =	shalt  }
0x81: {  	_ =	shalt  }
0x82: {  	_ =	shalt  }
0x83: {  	_ =	shalt  }
0x84: {  	_ =	shalt  }
0x85: {  	_ =	shalt  }
0x86: {  	_ =	shalt  }
0x87: {  	_ =	shalt  }
.Lfunc_end0:
.L_simem_size_0:
called_computation.2_lowered:
.L_overlay_start_0:
0x88: {  	s2 =	sld [smem:$0x3FD9]  }
0x89: {  	s3 =	sld [smem:$0x3FFE];
	_ =	sdelay $0x1  }
0x8a: {  	s1 =	srdreg.scid  }
0x8b: {  	s0 =	sand.u32 $0x1, s1  }
0x8c: {  	s14 =	sshll.u32 s0, $0xA;
	s2 =	sadd.s32 s3, s2  }
0x8d: {  	s2 =	sadd.s32 s2, s14  }
0x8e: {  	[smem:$0x3FBB] =	sst s2  }
0x8f: {  	_ = 	snop  }
0x90: {  	s2 =	sld [smem:$0x3FD0];
	_ =	sdelay $0x2  }
0x91: {  	s15 =	simm.s32 $0xA;
	s4 =	simm.s32 $0x10  }
0x92: {  	[smem:s4], [sflag:s15] =	dma.local [hbm:s2], $0x1  }
0x93: {  	_ =	swait.eq [sflag:s15], $0x1  }
0x94: {  	[sflag:s15] =	ssyncset.done $0x0  }
0x95: {  	[sflag:s15] =	ssyncadd.s32 $0xFFFFFFFF  }
0x96: {  	s16 =	sld [smem:$0x11];
	(tm) =	ssettm $0x1  }
0x97: {  	s17 =	sld [smem:$0x3FFB];
	_ =	sdelay $0x3  }
0x98: {  	_ =	strace s17  }
0x99: {  	s3 =	sld [smem:$0x3FFC];
	_ =	sdelay $0x3  }
0x9a: {  	_ =	strace s3  }
0x9b: {  	s3 =	sld [smem:$0x3FFD];
	_ =	sdelay $0x3  }
0x9c: {  	_ =	strace s3  }
0x9d: {  	_ =	strace $0x8FFFFFFF  }
0x9e: {  	s18 =	sld [smem:$0x3FDB];
	_ =	sdelay $0x1  }
0x9f: {  	s19 =	simm.s32 $_scs_section_size  }
0xa0: {  	s5 =	simm.s32 $_size__tile_overlayer_lowered;
	s6 =	simm.s32 $_tile_overlayer_lowered  }
0xa1: {  	s22 =	simm.s32 $0x1BFF;
	s21 =	sshll.u32 s6, $0x1;
	s3 =	sadd.s32 s19, s18  }
0xa2: {  	s7 =	simm.s32 $0x0;
	s20 =	sshll.u32 s5, $0x1;
	s5 =	sadd.s32 s21, s3  }
0xa3: {  	[timem:s7], [sflag:s22] =	dma.local [hbm:s5], s20  }
0xa4: {  	_ =	swait.ge [sflag:s22], s20  }
0xa5: {  	s4 =	ssub.s32 $0x0, s20;
	[sflag:s22] =	ssyncset.done $0x0  }
0xa6: {  	[sflag:s22] =	ssyncadd.s32 s4;
	_ =	sdelay $0x1  }
0xa7: {  	s23 =	simm.s32 $0x1B8B  }
0xa8: {  	_ =	swait.ge [sflag:s23], $0x1  }
0xa9: {  	[sflag:s23] =	ssyncset.done $0x0  }
0xaa: {  	s25 =	simm.s32 $0x1B8E;
	s24 =	sld [smem:$0x3FFE];
	[sflag:s23] =	ssyncadd.s32 $0xFFFFFFFF  }
0xab: {  	s26 =	simm.s32 $execute0_lowered;
	[smem:$0x3FD2] =	sst s25  }
0xac: {  	s5 =	sshll.u32 s26, $0x1;
	_ =	strace $0x8000004C;
	[dreg:$0x1] =	wrdreg $0xFFFFFFFF  }
0xad: {  	s28 =	simm.s32 $_size_execute0_lowered;
	s3 =	sadd.s32 s3, s5;
	[dreg:$0x0] =	wrdreg $0x0  }
0xae: {  	s5 =	sshll.u32 s28, $0x1;
	[dreg:$0x2] =	wrdreg s3  }
0xaf: {  	[dreg:$0x3] =	wrdreg s5  }
0xb0: {  	[dreg:$0x4] =	wrdreg $0xC0  }
0xb1: {  	_ =	task [dreg:s7], $0x5FFFF  }
0xb2: {  	[dreg:$0x1] =	wrdreg $0xFFFFFFFF  }
0xb3: {  	[dreg:$0x0] =	wrdreg $0x60  }
0xb4: {  	[dreg:$0x2] =	wrdreg s24  }
0xb5: {  	[dreg:$0x3] =	wrdreg s16  }
0xb6: {  	[dreg:$0x4] =	wrdreg $0x64000  }
0xb7: {  	[dreg:$0x5] =	wrdreg $0x66800  }
0xb8: {  	[dreg:$0x6] =	wrdreg $0x9  }
0xb9: {  	_ =	task.clear_ibuf [dreg:s7], $0x7FFFF;
	_ =	strace $0x9000004C  }
0xba: {  	s29 =	simm.s32 $0x9;
	_ =	strace $0x8000004E  }
0xbb: {  	_ =	swait.ge [sflag:s29], $0x1  }
0xbc: {  	[sflag:s29] =	ssyncadd.s32 $0xFFFFFFFF  }
0xbd: {  	_ =	strace $0x9000004E  }
0xbe: {  	_ =	sfence  }
0xbf: {  	s30 =	sld [smem:$0x0];
	_ =	sdelay $0x2  }
0xc0: {  	s31 =	sshll.u32 s1, $0xD;
	s1 =	sshrl.u32 s1, $0x2  }
0xc1: {  	s3 =	sand.u32 $0x4000, s31;
	s1 =	sadd.s32 s1, s30  }
0xc2: {  	s0 =	sor.u32 s3, s0;
	s1 =	sshll.u32 s1, $0x11  }
0xc3: {  	s0 =	sor.u32 s1, s0  }
0xc4: {  	s0 =	sadd.s32 $0x8F2B, s0  }
0xc5: {  	[sflag:s0] =	ssyncadd.remote.s32 $0x1  }
0xc6: {  	_ =	sfence.sel $0xFFFF  }
0xc7: {  	[dreg:$0x0] =	wrdreg $0xFFFFFFFF;
	(pc) =	sbr.abs _section_cstart, $3  }
0xc8: {  	[dreg:$0x1] =	wrdreg $0xFFFFFFFF  }
0xc9: {  	_ =	task.clear_ibuf [dreg:s7], $0x2FFFF;
	_ =	strace $0x9FFFFFFF  }
0xca: {  	(tm) =	ssettm $0x7FFFFFFF  }
0xcb: {  	_ =	shalt  }
tec
execute0_lowered:
.L_overlay_start_1:
0x0: {  	(tag) =	ssettag $0x1  }
0x1: {  	s10 =	rddreg [dreg:$0x0]  }
0x2: {  	s14 =	rddreg [dreg:$0x1]  }
0x3: {  	s2 =	rddreg [dreg:$0x2];
	s1 =	srdreg.scid  }
0x4: {  	s0 =	stileid.u32;
	s3 =	rddreg [dreg:$0x3];
	s4 =	simm.s32 $0x0  }
0x5: {  	s19 =	simm.s32 $0x80;
	s20 =	simm.s32 $0x100;
	s21 =	simm.s32 $0x2800  }
0x6: {  	s22 =	simm.s32 $0x1400;
	s23 =	simm.s32 $0x1;
	s24 =	simm.s32 $0x20  }
0x7: {  	s25 =	simm.s32 $0x10;
	s26 =	simm.s32 $0x0;
	s8 =	sand.u32 $0x1, s1  }
0x8: {  	s5 =	sshll.u32 s0, $0x1;
	[smem:$0x7FF] =	sst s4;
	s11 =	smul.u32 $0x280, s0  }
0x9: {  	s6 =	sadd.s32 $0xA600, s10;
	s30 =	sshll.u32 s0, $0x6;
	s31 =	smul.u32 $0x500, s0  }
0xa: {  	s5 =	sor.u32 s8, s5;
	_ =	strace $0x8000004D;
	s7 =	ssub.s32 $0x2, s8  }
0xb: {  	s13 =	sshll.u32 s8, $0x7;
	s5 =	smul.u32 $0x280, s5;
	s9 =	sshrl.u32 s7, $0x1  }
0xc: {  	s16 =	sadd.s32 s11, s2;
	s18 =	sadd.s32 s11, s3;
	s13 =	sor.u32 s13, s31  }
0xd: {  	s15 =	ssub.s32 s7, s9;
	s7 =	sor.u32 $0x1C02, s30;
	s17 =	sadd.s32 $0x5000, s13  }
0xe: {  	s13 =	sshrl.u32 s13, $0x3;
	s16 =	sshrl.u32 s16, $0x3;
	s18 =	sshrl.u32 s18, $0x3  }
0xf: {  	s12 =	sadd.s32 s5, s10;
	s5 =	sadd.s32 $0x15000, s10;
	s10 =	sadd.s32 $0x15010, s10  }
0x10: {  	s17 =	sshrl.u32 s17, $0x3;
	s13 =	sadd.s32 s14, s13;
	s15 =	smax.u32 s15, $0x1  }
0x11: {  	s8 =	sadd.s32 $0xB000, s12;
	s9 =	sadd.s32 $0x600, s12;
	s11 =	sadd.s32 $0x10000, s12  }
0x12: {  	s12 =	sadd.s32 $0x5600, s12;
	s14 =	sadd.s32 s14, s17;
	s17 =	simm.s32 $0x2  }
.LBB2_1:
0x13: {  	[spmem:s16], [sflag:s7] =	dma.local [hbm:s6], $0x50  }
0x14: {  	_ =	swait.ge [sflag:s17], $0x50  }
0x15: {  	[sflag:s17] =	ssyncset.done $0x0  }
0x16: {  	[sflag:s17] =	ssyncadd.s32 $0xFFFFFFB0  }
0x17: {  	[spmem:s18], [sflag:s7] =	dma.local [hbm:s6], $0x50  }
0x18: {  	_ =	swait.ge [sflag:s17], $0x50  }
0x19: {  	[sflag:s17] =	ssyncset.done $0x0  }
0x1a: {  	[sflag:s17] =	ssyncadd.s32 $0xFFFFFFB0  }
0x1b: {  	[bflag:$0x0] =	sbarrier.arrive $0xFFFF  }
0x1c: {  	[tilespmem:s21], [sflag:$0x2] =	stream.strided.gather [hbm4b:s5+s19], $0x2800, s20, s19, $0x38;
	[tilespmem:$0x6900] =	vst v63  }
0x1d: {  	_ =	swait.ge [sflag:s17], $0x2800  }
0x1e: {  	[sflag:s17] =	ssyncset.done $0x0  }
0x1f: {  	[sflag:s17] =	ssyncadd.s32 $0xFFFFD800  }
0x20: {  	[tilespmem:s4], [sflag:$0x2] =	stream.linear.gather [hbm4b:s8+s4], $0x1400, $0x38;
	[tilespmem:$0x6900] =	vst v63  }
0x21: {  	_ =	swait.ge [sflag:s17], $0x1400  }
0x22: {  	[sflag:s17] =	ssyncset.done $0x0  }
0x23: {  	[sflag:s17] =	ssyncadd.s32 $0xFFFFEC00  }
0x24: {  	[tilespmem:s22], [sflag:$0x2] =	stream.linear.gather [hbm4b:s9+s4], $0x1400, $0x38;
	[tilespmem:$0x6900] =	vst v63  }
0x25: {  	_ =	swait.ge [sflag:s17], $0x1400  }
0x26: {  	[sflag:s17] =	ssyncset.done $0x0  }
0x27: {  	s28 =	simm.s32 $0x0;
	[sflag:s17] =	ssyncadd.s32 $0xFFFFEC00  }
0x28: {  	s29 =	simm.s32 $0x200;
	v0 =	vld [tilespmem:s28+$0x0]  }
.LBB2_2:
0x29: {  	p0 =	sne.s32 s29, $0x4E00;
	_ =	sdelay $0x5  }
0x2a: {  	v1 =	vld [tilespmem:s28+$0x10]  }
0x2b: {  	v0 =	vld.idx.msk [tilespmem:v0+s21+$0x0], $0xffff;
	_ =	sdelay $0x5  }
0x2c: {  	[tilespmem:s28+$0x5000] =	vst v0;
	v0 =	vld [tilespmem:s28+$0x20]  }
0x2d: {  	v1 =	vld.idx.msk [tilespmem:v1+s21+$0x0], $0xffff;
	_ =	sdelay $0x5  }
0x2e: {  	[tilespmem:s28+$0x5010] =	vst v1;
	v1 =	vld [tilespmem:s28+$0x30]  }
0x2f: {  	v0 =	vld.idx.msk [tilespmem:v0+s21+$0x0], $0xffff;
	_ =	sdelay $0x5  }
0x30: {  	[tilespmem:s28+$0x5020] =	vst v0;
	v0 =	vld [tilespmem:s28+$0x40]  }
0x31: {  	v1 =	vld.idx.msk [tilespmem:v1+s21+$0x0], $0xffff;
	_ =	sdelay $0x5  }
0x32: {  	[tilespmem:s28+$0x5030] =	vst v1;
	v1 =	vld [tilespmem:s28+$0x50]  }
0x33: {  	v0 =	vld.idx.msk [tilespmem:v0+s21+$0x0], $0xffff;
	_ =	sdelay $0x5  }
0x34: {  	[tilespmem:s28+$0x5040] =	vst v0;
	v0 =	vld [tilespmem:s28+$0x60]  }
0x35: {  	v1 =	vld.idx.msk [tilespmem:v1+s21+$0x0], $0xffff;
	_ =	sdelay $0x5  }
0x36: {  	[tilespmem:s28+$0x5050] =	vst v1;
	v1 =	vld [tilespmem:s28+$0x70]  }
0x37: {  	v0 =	vld.idx.msk [tilespmem:v0+s21+$0x0], $0xffff;
	_ =	sdelay $0x5  }
0x38: {  	[tilespmem:s28+$0x5060] =	vst v0  }
0x39: {  	v0 =	vld.idx.msk [tilespmem:v1+s21+$0x0], $0xffff;
	_ =	sdelay $0x2  }
.Ltmp0:
0x3a: {  	(pc) =	sbr.rel @p0 .LBB2_2-.Ltmp0, $4  }
0x3b: {  	_ = 	snop  }
0x3c: {  	s30 =	sshra.s32 s29, $0x2;
	s31 =	sadd.s32 $0x5000, s28;
	s1 =	sadd.s32 $0x1400, s28  }
0x3d: {  	[tilespmem:s28+$0x5070] =	vst v0;
	[spmem:s2] =	stream.indirect.scatter.add.f32 [tilespmem:s31], [sflag:$0x1], $0x1, s1, s19, $0xb8  }
0x3e: {  	s29 =	sadd.s32 $0x200, s29;
	s28 =	smov.u32 s30;
	v0 =	vld [tilespmem:s30+$0x0]  }
0x3f: {  	_ =	sdelay $0x5  }
0x40: {  	v1 =	vld [tilespmem:s28+$0x10];
	_ =	sdelay $0x1  }
0x41: {  	v0 =	vld.idx.msk [tilespmem:v0+s21+$0x0], $0xffff;
	_ =	sdelay $0x3  }
0x42: {  	v58 =	vld [tilespmem:s28+$0x20]  }
0x43: {  	[tilespmem:s28+$0x5000] =	vst v0  }
0x44: {  	v1 =	vld.idx.msk [tilespmem:v1+s21+$0x0], $0xffff;
	_ =	sdelay $0x3  }
0x45: {  	v59 =	vld [tilespmem:s28+$0x30]  }
0x46: {  	[tilespmem:s28+$0x5010] =	vst v1  }
0x47: {  	v0 =	vld.idx.msk [tilespmem:v58+s21+$0x0], $0xffff;
	_ =	sdelay $0x3  }
0x48: {  	v60 =	vld [tilespmem:s28+$0x40]  }
0x49: {  	[tilespmem:s28+$0x5020] =	vst v0  }
0x4a: {  	v1 =	vld.idx.msk [tilespmem:v59+s21+$0x0], $0xffff;
	_ =	sdelay $0x3  }
0x4b: {  	v61 =	vld [tilespmem:s28+$0x50]  }
0x4c: {  	[tilespmem:s28+$0x5030] =	vst v1  }
0x4d: {  	v0 =	vld.idx.msk [tilespmem:v60+s21+$0x0], $0xffff;
	_ =	sdelay $0x3  }
0x4e: {  	v62 =	vld [tilespmem:s28+$0x60]  }
0x4f: {  	[tilespmem:s28+$0x5040] =	vst v0  }
0x50: {  	v1 =	vld.idx.msk [tilespmem:v61+s21+$0x0], $0xffff;
	_ =	sdelay $0x3  }
0x51: {  	v63 =	vld [tilespmem:s28+$0x70]  }
0x52: {  	[tilespmem:s28+$0x5050] =	vst v1  }
0x53: {  	v0 =	vld.idx.msk [tilespmem:v62+s21+$0x0], $0xffff;
	_ =	sdelay $0x4  }
0x54: {  	[tilespmem:s28+$0x5060] =	vst v0  }
0x55: {  	v0 =	vld.idx.msk [tilespmem:v63+s21+$0x0], $0xffff;
	_ =	sdelay $0x4  }
0x56: {  	s1 =	sadd.s32 $0x5000, s28;
	s29 =	sadd.s32 $0x1400, s28;
	[tilespmem:s28+$0x5070] =	vst v0  }
0x57: {  	[spmem:s2] =	stream.indirect.scatter.add.f32 [tilespmem:s1], [sflag:$0x1], $0x1, s29, s19, $0xb8;
	[tilespmem:$0x6900] =	vst v63  }
0x58: {  	_ =	swait.ge [sflag:s23], $0x80  }
0x59: {  	s28 =	simm.s32 $0x27;
	[sflag:s23] =	ssyncset.done $0x0  }
.LBB2_4:
0x5a: {  	p0 =	sne.s32 s28, $0x1;
	s28 =	sadd.s32 $0xFFFFFFFF, s28;
	[sflag:s23] =	ssyncadd.s32 $0xFFFFFF80  }
.Ltmp1:
0x5b: {  	(pc) =	sbr.rel @p0 .LBB2_4-.Ltmp1, $3  }
0x5c: {  	_ =	sdelay $0x1  }
0x5d: {  	_ =	swait.ge [sflag:s23], $0x80  }
0x5e: {  	[sflag:s23] =	ssyncset.done $0x0  }
0x5f: {  	[sflag:s23] =	ssyncadd.s32 $0xFFFFFF80  }
0x60: {  	[tilespmem:s21], [sflag:$0x2] =	stream.strided.gather [hbm4b:s10+s19], $0x2800, s20, s19, $0x38;
	[tilespmem:$0x6900] =	vst v63  }
0x61: {  	_ =	swait.ge [sflag:s17], $0x2800  }
0x62: {  	[sflag:s17] =	ssyncset.done $0x0  }
0x63: {  	s1 =	simm.s32 $0x0;
	[sflag:s17] =	ssyncadd.s32 $0xFFFFD800  }
0x64: {  	[tilespmem:s1], [sflag:$0x2] =	stream.linear.gather [hbm4b:s11+s1], $0x1400, $0x38;
	[tilespmem:$0x6900] =	vst v63  }
0x65: {  	_ =	swait.ge [sflag:s17], $0x1400  }
0x66: {  	[sflag:s17] =	ssyncset.done $0x0  }
0x67: {  	[sflag:s17] =	ssyncadd.s32 $0xFFFFEC00  }
0x68: {  	[tilespmem:s22], [sflag:$0x2] =	stream.linear.gather [hbm4b:s12+s1], $0x1400, $0x38;
	[tilespmem:$0x6900] =	vst v63  }
0x69: {  	_ =	swait.ge [sflag:s17], $0x1400  }
0x6a: {  	[sflag:s17] =	ssyncset.done $0x0  }
0x6b: {  	s28 =	simm.s32 $0x0;
	[sflag:s17] =	ssyncadd.s32 $0xFFFFEC00  }
0x6c: {  	s29 =	simm.s32 $0x200;
	v0 =	vld [tilespmem:s28+$0x0]  }
.LBB2_6:
0x6d: {  	p0 =	sne.s32 s29, $0x4E00;
	_ =	sdelay $0x5  }
0x6e: {  	v1 =	vld [tilespmem:s28+$0x10]  }
0x6f: {  	v0 =	vld.idx.msk [tilespmem:v0+s21+$0x0], $0xffff;
	_ =	sdelay $0x5  }
0x70: {  	[tilespmem:s28+$0x5000] =	vst v0;
	v0 =	vld [tilespmem:s28+$0x20]  }
0x71: {  	v1 =	vld.idx.msk [tilespmem:v1+s21+$0x0], $0xffff;
	_ =	sdelay $0x5  }
0x72: {  	[tilespmem:s28+$0x5010] =	vst v1;
	v1 =	vld [tilespmem:s28+$0x30]  }
0x73: {  	v0 =	vld.idx.msk [tilespmem:v0+s21+$0x0], $0xffff;
	_ =	sdelay $0x5  }
0x74: {  	[tilespmem:s28+$0x5020] =	vst v0;
	v0 =	vld [tilespmem:s28+$0x40]  }
0x75: {  	v1 =	vld.idx.msk [tilespmem:v1+s21+$0x0], $0xffff;
	_ =	sdelay $0x5  }
0x76: {  	[tilespmem:s28+$0x5030] =	vst v1;
	v1 =	vld [tilespmem:s28+$0x50]  }
0x77: {  	v0 =	vld.idx.msk [tilespmem:v0+s21+$0x0], $0xffff;
	_ =	sdelay $0x5  }
0x78: {  	[tilespmem:s28+$0x5040] =	vst v0;
	v0 =	vld [tilespmem:s28+$0x60]  }
0x79: {  	v1 =	vld.idx.msk [tilespmem:v1+s21+$0x0], $0xffff;
	_ =	sdelay $0x5  }
0x7a: {  	[tilespmem:s28+$0x5050] =	vst v1;
	v1 =	vld [tilespmem:s28+$0x70]  }
0x7b: {  	v0 =	vld.idx.msk [tilespmem:v0+s21+$0x0], $0xffff;
	_ =	sdelay $0x5  }
0x7c: {  	[tilespmem:s28+$0x5060] =	vst v0  }
0x7d: {  	v0 =	vld.idx.msk [tilespmem:v1+s21+$0x0], $0xffff;
	_ =	sdelay $0x2  }
.Ltmp2:
0x7e: {  	(pc) =	sbr.rel @p0 .LBB2_6-.Ltmp2, $4  }
0x7f: {  	_ = 	snop  }
0x80: {  	s1 =	sshra.s32 s29, $0x2;
	s30 =	sadd.s32 $0x5000, s28;
	s31 =	sadd.s32 $0x1400, s28  }
0x81: {  	[tilespmem:s28+$0x5070] =	vst v0;
	[spmem:s3] =	stream.indirect.scatter.add.f32 [tilespmem:s30], [sflag:$0x1], $0x1, s31, s19, $0xb8  }
0x82: {  	s29 =	sadd.s32 $0x200, s29;
	s28 =	smov.u32 s1;
	v0 =	vld [tilespmem:s1+$0x0]  }
0x83: {  	_ =	sdelay $0x5  }
0x84: {  	v1 =	vld [tilespmem:s28+$0x10];
	_ =	sdelay $0x1  }
0x85: {  	v0 =	vld.idx.msk [tilespmem:v0+s21+$0x0], $0xffff;
	_ =	sdelay $0x3  }
0x86: {  	v58 =	vld [tilespmem:s28+$0x20]  }
0x87: {  	[tilespmem:s28+$0x5000] =	vst v0  }
0x88: {  	v1 =	vld.idx.msk [tilespmem:v1+s21+$0x0], $0xffff;
	_ =	sdelay $0x3  }
0x89: {  	v59 =	vld [tilespmem:s28+$0x30]  }
0x8a: {  	[tilespmem:s28+$0x5010] =	vst v1  }
0x8b: {  	v0 =	vld.idx.msk [tilespmem:v58+s21+$0x0], $0xffff;
	_ =	sdelay $0x3  }
0x8c: {  	v60 =	vld [tilespmem:s28+$0x40]  }
0x8d: {  	[tilespmem:s28+$0x5020] =	vst v0  }
0x8e: {  	v1 =	vld.idx.msk [tilespmem:v59+s21+$0x0], $0xffff;
	_ =	sdelay $0x3  }
0x8f: {  	v61 =	vld [tilespmem:s28+$0x50]  }
0x90: {  	[tilespmem:s28+$0x5030] =	vst v1  }
0x91: {  	v0 =	vld.idx.msk [tilespmem:v60+s21+$0x0], $0xffff;
	_ =	sdelay $0x3  }
0x92: {  	v62 =	vld [tilespmem:s28+$0x60]  }
0x93: {  	[tilespmem:s28+$0x5040] =	vst v0  }
0x94: {  	v1 =	vld.idx.msk [tilespmem:v61+s21+$0x0], $0xffff;
	_ =	sdelay $0x3  }
0x95: {  	v63 =	vld [tilespmem:s28+$0x70]  }
0x96: {  	[tilespmem:s28+$0x5050] =	vst v1  }
0x97: {  	v0 =	vld.idx.msk [tilespmem:v62+s21+$0x0], $0xffff;
	_ =	sdelay $0x4  }
0x98: {  	[tilespmem:s28+$0x5060] =	vst v0  }
0x99: {  	v0 =	vld.idx.msk [tilespmem:v63+s21+$0x0], $0xffff;
	_ =	sdelay $0x4  }
0x9a: {  	s1 =	sadd.s32 $0x5000, s28;
	s29 =	sadd.s32 $0x1400, s28;
	[tilespmem:s28+$0x5070] =	vst v0  }
0x9b: {  	[spmem:s3] =	stream.indirect.scatter.add.f32 [tilespmem:s1], [sflag:$0x1], $0x1, s29, s19, $0xb8;
	[tilespmem:$0x6900] =	vst v63  }
0x9c: {  	_ =	swait.ge [sflag:s23], $0x80  }
0x9d: {  	s28 =	simm.s32 $0x27;
	[sflag:s23] =	ssyncset.done $0x0  }
.LBB2_8:
0x9e: {  	p0 =	sne.s32 s28, $0x1;
	s28 =	sadd.s32 $0xFFFFFFFF, s28;
	[sflag:s23] =	ssyncadd.s32 $0xFFFFFF80  }
.Ltmp3:
0x9f: {  	(pc) =	sbr.rel @p0 .LBB2_8-.Ltmp3, $3  }
0xa0: {  	_ =	sdelay $0x1  }
0xa1: {  	_ =	swait.ge [sflag:s23], $0x80  }
0xa2: {  	[sflag:s23] =	ssyncset.done $0x0  }
0xa3: {  	[sflag:s23] =	ssyncadd.s32 $0xFFFFFF80  }
0xa4: {  	[bflag:$0x0] =	sbarrier.arrive $0xFFFF  }
0xa5: {  	[hbm:s13@s24], [sflag:s7] =	dma.strided [spmem:s16@s25], $0x50, s23, $0x10   }
0xa6: {  	s26 =	sadd.s32 $0x1, s26;
	_ =	swait.ge [sflag:s17], $0x50  }
0xa7: {  	p0 =	sne.s32 s26, s15;
	[sflag:s17] =	ssyncset.done $0x0  }
.Ltmp4:
0xa8: {  	[sflag:s17] =	ssyncadd.s32 $0xFFFFFFB0;
	(pc) =	sbr.rel @p0 .LBB2_1-.Ltmp4, $4  }
0xa9: {  	[hbm:s14@s24], [sflag:s7] =	dma.strided [spmem:s18@s25], $0x50, s23, $0x10   }
0xaa: {  	_ =	swait.ge [sflag:s17], $0x50  }
0xab: {  	[sflag:s17] =	ssyncset.done $0x0  }
0xac: {  	[sflag:s17] =	ssyncadd.s32 $0xFFFFFFB0  }
0xad: {  	_ =	sfence.sel $0x180000  }
0xae: {  	[bflag:$0x0] =	sbarrier.arrive $0xFFFF  }
0xaf: {  	_ =	strace $0x9000004D  }
0xb0: {  	[bflag:$0x2] =	sbarrier.arrive $0xFFFF  }
0xb1: {  	p0 =	sne.s32 s0, $0x0;
	s0 =	rddreg [dreg:$0x4]  }
0xb2: {  	s0 =	sadd.s32 @!p0 $0x100000, s0  }
0xb3: {  	[sflag:s0] =	ssyncadd.tile.s32 @!p0 $0x1;
	_ =	shalt  }
.Lfunc_end2:
_tile_overlayer_lowered:
.L_overlay_start_2:
0xb4: {  	(tag) =	ssettag $0x2  }
0xb5: {  	s0 =	rddreg [dreg:$0x0];
	s2 =	stileid.u32  }
0xb6: {  	s1 =	rddreg [dreg:$0x1];
	p0 =	sne.s32 s2, $0x0  }
0xb7: {  	s3 =	rddreg [dreg:$0x2];
	[bflag:$0x3] =	sbarrier.arrive $0xFFFF;
	s2 =	simm.s32 @!p0 $0x1C02  }
0xb8: {  	[timem:s3], [sflag:s2] =	dma.local @!p0 [hbm:s0], s1  }
0xb9: {  	s0 =	simm.s32 @!p0 $0x2  }
0xba: {  	_ =	swait.ge @!p0 [sflag:s0], s1  }
0xbb: {  	s1 =	ssub.s32 @!p0 $0x0, s1;
	[sflag:s0] =	ssyncset.done @!p0 $0x0  }
0xbc: {  	[sflag:s0] =	ssyncadd.s32 @!p0 s1  }
0xbd: {  	[bflag:$0x3] =	sbarrier.arrive $0xFFFF  }
0xbe: {  	_ =	shalt  }

// kernel: kernel.8.cloned.1.call-start
scs
__scs_entry_jumppad:
0x0: {  	(pc) =	sbr.rel $0x88, $3  }
0x1: {  	(tag) =	ssettag $0x0;
	lr =	simm.s32 $0x1  }
0x2: {  	[smem:$0x3F94] =	sst lr;
	_ =	strace $0xD0000000  }
0x3: {  	_ = 	snop  }
0x4: {  	_ = 	snop  }
0x5: {  	_ = 	snop  }
0x6: {  	_ = 	snop  }
0x7: {  	_ = 	snop  }
__scs_overlays_trampoline_lowered:
0x8: {  	[smem:$0x3FA3] =	sst s0  }
0x9: {  	[smem:$0x3FA4] =	sst s1  }
0xa: {  	[smem:$0x3FA5] =	sst s2  }
0xb: {  	[smem:$0x3FA6] =	sst s3  }
0xc: {  	[smem:$0x3FA7] =	sst s4  }
0xd: {  	[smem:$0x3FA8] =	sst s5  }
0xe: {  	[smem:$0x3FA9] =	sst s6  }
0xf: {  	[smem:$0x3FAA] =	sst s7  }
0x10: {  	[smem:$0x3FAB] =	sst s8  }
0x11: {  	[smem:$0x3FAC] =	sst s9;
	s0 =	simm.s32 @!p0 $0x0  }
0x12: {  	s1 =	sld [smem:$0x3F92];
	s0 =	simm.s32 @p0 $0x1  }
0x13: {  	[smem:$0x3FAD] =	sst s0;
	s0 =	simm.s32 @!p1 $0x0  }
0x14: {  	s2 =	sld [smem:$0x3F91];
	s0 =	simm.s32 @p1 $0x1  }
0x15: {  	[smem:$0x3FAE] =	sst s0;
	s0 =	simm.s32 @!p2 $0x0  }
0x16: {  	s3 =	sld [smem:$0x3FDB];
	s0 =	simm.s32 @p2 $0x1  }
0x17: {  	s4 =	simm.s32 $0x1BF5;
	[smem:$0x3FB0] =	sst s0  }
0x18: {  	s0 =	sld [smem:$0x3F93];
	_ =	swait.ge [sflag:s4], $0x0  }
0x19: {  	s7 =	sld [smem:$0x3F94]  }
0x1a: {  	s8 =	sadd.s32 $0xFFFFE003, lr  }
0x1b: {  	s9 =	sadd.s32 $0xFFFFFEF7, lr;
	s5 =	simm.s32 $0xFFFFFFFF;
	p2 =	slt.u32 s8, $0xFFFFF086  }
0x1c: {  	p1 =	slt.u32 s9, $0xF7A;
	s5 =	simm.s32 @!p2 $0x0  }
0x1d: {  	s5 =	simm.s32 @p1 $0x1;
	p0 =	seq.s32 s7, s2  }
0x1e: {  	s7 =	smul.u32 @!p0 $0xF7A, s2;
	p2 =	seq.s32 @!p0 s5, $0x0  }
0x1f: {  	s9 =	smul.u32 $0xF7A, s1;
	s8 =	simm.s32 @!p0 $0x1BF5;
	p2 =	por !p2, p0  }
0x20: {  	[sflag:s8] =	ssyncset.s32 @!p0 $0xFFFFF086;
	s6 =	sadd.s32 @!p0 s3, s7;
	s7 =	simm.s32 @!p0 $0x108  }
0x21: {  	s3 =	sadd.s32 s3, s9;
	s6 =	sadd.s32 @!p0 $0x88, s6;
	s7 =	simm.s32 @p2 $0x1082  }
0x22: {  	[simem:s7], [sflag:s8] =	dma.local @!p0 [hbm:s6], $0xF7A  }
0x23: {  	s9 =	sor.u32 $0xD0000000, s2;
	s6 =	simm.s32 $0x108;
	_ =	swait.ge @!p0 [sflag:s8], $0x0  }
0x24: {  	s3 =	sadd.s32 $0x88, s3;
	s6 =	simm.s32 @!p1 $0x1082;
	[sflag:s4] =	ssyncset.s32 $0xFFFFF086  }
0x25: {  	[simem:s6], [sflag:s4] =	dma.local [hbm:s3], $0xF7A  }
0x26: {  	[smem:$0x3F94] =	sst s1;
	(tag) =	ssettag s2;
	_ =	strace s9  }
0x27: {  	s1 =	sld [smem:$0x3FA4]  }
0x28: {  	s2 =	sld [smem:$0x3FA5]  }
0x29: {  	s4 =	sld [smem:$0x3FA7]  }
0x2a: {  	p0 =	seq.s32 s5, $0x0;
	s5 =	sld [smem:$0x3FA8]  }
0x2b: {  	s6 =	sld [smem:$0x3FA9]  }
0x2c: {  	s7 =	sld [smem:$0x3FAA]  }
0x2d: {  	s3 =	simm.s32 $0x108;
	s8 =	sld [smem:$0x3FAB]  }
0x2e: {  	s3 =	simm.s32 @!p0 $0x1082;
	s9 =	sld [smem:$0x3FAC]  }
0x2f: {  	lr =	sadd.s32 s0, s3;
	s0 =	sld [smem:$0x3FA3]  }
0x30: {  	s3 =	sld [smem:$0x3FA6]  }
0x31: {  	[smem:$0x3FAF] =	sst s10  }
0x32: {  	s10 =	sld [smem:$0x3FAD];
	_ =	sdelay $0x3  }
0x33: {  	p0 =	seq.s32 s10, $0x1;
	s10 =	sld [smem:$0x3FAF];
	_ =	sdelay $0x3  }
0x34: {  	[smem:$0x3FAF] =	sst s10  }
0x35: {  	s10 =	sld [smem:$0x3FAE];
	_ =	sdelay $0x3  }
0x36: {  	p1 =	seq.s32 s10, $0x1;
	s10 =	sld [smem:$0x3FAF];
	_ =	sdelay $0x3  }
0x37: {  	[smem:$0x3FAF] =	sst s10  }
0x38: {  	s10 =	sld [smem:$0x3FB0]  }
0x39: {  	_ = 	snop;
	(pc) =	sbr.ind lr, $3  }
0x3a: {  	_ = 	snop  }
0x3b: {  	_ = 	snop  }
0x3c: {  	p2 =	seq.s32 s10, $0x1;
	s10 =	sld [smem:$0x3FAF]  }
0x3d: {  	_ =	shalt  }
0x3e: {  	_ =	shalt  }
0x3f: {  	_ =	shalt  }
0x40: {  	_ =	shalt  }
0x41: {  	_ =	shalt  }
0x42: {  	_ =	shalt  }
0x43: {  	_ =	shalt  }
0x44: {  	_ =	shalt  }
0x45: {  	_ =	shalt  }
0x46: {  	_ =	shalt  }
0x47: {  	_ =	shalt  }
0x48: {  	_ =	shalt  }
0x49: {  	_ =	shalt  }
0x4a: {  	_ =	shalt  }
0x4b: {  	_ =	shalt  }
0x4c: {  	_ =	shalt  }
0x4d: {  	_ =	shalt  }
0x4e: {  	_ =	shalt  }
0x4f: {  	_ =	shalt  }
0x50: {  	_ =	shalt  }
0x51: {  	_ =	shalt  }
0x52: {  	_ =	shalt  }
0x53: {  	_ =	shalt  }
0x54: {  	_ =	shalt  }
0x55: {  	_ =	shalt  }
0x56: {  	_ =	shalt  }
0x57: {  	_ =	shalt  }
0x58: {  	_ =	shalt  }
0x59: {  	_ =	shalt  }
0x5a: {  	_ =	shalt  }
0x5b: {  	_ =	shalt  }
0x5c: {  	_ =	shalt  }
0x5d: {  	_ =	shalt  }
0x5e: {  	_ =	shalt  }
0x5f: {  	_ =	shalt  }
0x60: {  	_ =	shalt  }
0x61: {  	_ =	shalt  }
0x62: {  	_ =	shalt  }
0x63: {  	_ =	shalt  }
0x64: {  	_ =	shalt  }
0x65: {  	_ =	shalt  }
0x66: {  	_ =	shalt  }
0x67: {  	_ =	shalt  }
0x68: {  	_ =	shalt  }
0x69: {  	_ =	shalt  }
0x6a: {  	_ =	shalt  }
0x6b: {  	_ =	shalt  }
0x6c: {  	_ =	shalt  }
0x6d: {  	_ =	shalt  }
0x6e: {  	_ =	shalt  }
0x6f: {  	_ =	shalt  }
0x70: {  	_ =	shalt  }
0x71: {  	_ =	shalt  }
0x72: {  	_ =	shalt  }
0x73: {  	_ =	shalt  }
0x74: {  	_ =	shalt  }
0x75: {  	_ =	shalt  }
0x76: {  	_ =	shalt  }
0x77: {  	_ =	shalt  }
0x78: {  	_ =	shalt  }
0x79: {  	_ =	shalt  }
0x7a: {  	_ =	shalt  }
0x7b: {  	_ =	shalt  }
0x7c: {  	_ =	shalt  }
0x7d: {  	_ =	shalt  }
0x7e: {  	_ =	shalt  }
0x7f: {  	_ =	shalt  }
0x80: {  	_ =	shalt  }
0x81: {  	_ =	shalt  }
0x82: {  	_ =	shalt  }
0x83: {  	_ =	shalt  }
0x84: {  	_ =	shalt  }
0x85: {  	_ =	shalt  }
0x86: {  	_ =	shalt  }
0x87: {  	_ =	shalt  }
.Lfunc_end0:
.L_simem_size_0:
called_computation_lowered:
.L_overlay_start_0:
0x88: {  	s2 =	sld [smem:$0x3FD9]  }
0x89: {  	s3 =	sld [smem:$0x3FFE];
	_ =	sdelay $0x1  }
0x8a: {  	s1 =	srdreg.scid  }
0x8b: {  	s0 =	sand.u32 $0x1, s1  }
0x8c: {  	s14 =	sshll.u32 s0, $0xA;
	s2 =	sadd.s32 s3, s2  }
0x8d: {  	s2 =	sadd.s32 s2, s14  }
0x8e: {  	[smem:$0x3FBB] =	sst s2  }
0x8f: {  	_ = 	snop  }
0x90: {  	s2 =	sld [smem:$0x3FD0];
	_ =	sdelay $0x2  }
0x91: {  	s15 =	simm.s32 $0xA;
	s4 =	simm.s32 $0x10  }
0x92: {  	[smem:s4], [sflag:s15] =	dma.local [hbm:s2], $0x1  }
0x93: {  	_ =	swait.eq [sflag:s15], $0x1  }
0x94: {  	[sflag:s15] =	ssyncset.done $0x0  }
0x95: {  	s16 =	sld [smem:$0x10];
	[sflag:s15] =	ssyncadd.s32 $0xFFFFFFFF  }
0x96: {  	s17 =	sld [smem:$0x11];
	(tm) =	ssettm $0x1  }
0x97: {  	s18 =	sld [smem:$0x3FFB];
	_ =	sdelay $0x3  }
0x98: {  	_ =	strace s18  }
0x99: {  	s4 =	sld [smem:$0x3FFC];
	_ =	sdelay $0x3  }
0x9a: {  	_ =	strace s4  }
0x9b: {  	s4 =	sld [smem:$0x3FFD];
	_ =	sdelay $0x3  }
0x9c: {  	_ =	strace s4  }
0x9d: {  	_ =	strace $0x8FFFFFFF  }
0x9e: {  	s19 =	sld [smem:$0x3FDB];
	_ =	sdelay $0x1  }
0x9f: {  	s5 =	simm.s32 $_scs_section_size  }
0xa0: {  	s6 =	simm.s32 $_size__tile_overlayer_lowered;
	s7 =	simm.s32 $_tile_overlayer_lowered  }
0xa1: {  	s22 =	simm.s32 $0x1BFF;
	s21 =	sshll.u32 s7, $0x1;
	s4 =	sadd.s32 s5, s19  }
0xa2: {  	s8 =	simm.s32 $0x0;
	s20 =	sshll.u32 s6, $0x1;
	s6 =	sadd.s32 s21, s4  }
0xa3: {  	[timem:s8], [sflag:s22] =	dma.local [hbm:s6], s20  }
0xa4: {  	_ =	swait.ge [sflag:s22], s20  }
0xa5: {  	s5 =	ssub.s32 $0x0, s20;
	[sflag:s22] =	ssyncset.done $0x0  }
0xa6: {  	[sflag:s22] =	ssyncadd.s32 s5;
	_ =	sdelay $0x1  }
0xa7: {  	s23 =	simm.s32 $0x1B8B  }
0xa8: {  	_ =	swait.ge [sflag:s23], $0x1  }
0xa9: {  	[sflag:s23] =	ssyncset.done $0x0  }
0xaa: {  	s25 =	simm.s32 $0x1B8E;
	s24 =	sld [smem:$0x3FFE];
	[sflag:s23] =	ssyncadd.s32 $0xFFFFFFFF  }
0xab: {  	s26 =	simm.s32 $execute0_lowered;
	[smem:$0x3FD2] =	sst s25  }
0xac: {  	s6 =	sshll.u32 s26, $0x1;
	_ =	strace $0x80000046;
	[dreg:$0x1] =	wrdreg $0xFFFFFFFF  }
0xad: {  	s28 =	simm.s32 $_size_execute0_lowered;
	s4 =	sadd.s32 s4, s6;
	[dreg:$0x0] =	wrdreg $0x0  }
0xae: {  	s6 =	sshll.u32 s28, $0x1;
	[dreg:$0x2] =	wrdreg s4  }
0xaf: {  	[dreg:$0x3] =	wrdreg s6  }
0xb0: {  	[dreg:$0x4] =	wrdreg $0xC0  }
0xb1: {  	_ =	task [dreg:s8], $0x5FFFF  }
0xb2: {  	[dreg:$0x1] =	wrdreg $0xFFFFFFFF  }
0xb3: {  	[dreg:$0x0] =	wrdreg $0x60  }
0xb4: {  	[dreg:$0x2] =	wrdreg s24  }
0xb5: {  	[dreg:$0x3] =	wrdreg s16  }
0xb6: {  	[dreg:$0x4] =	wrdreg s17  }
0xb7: {  	[dreg:$0x5] =	wrdreg $0x14800  }
0xb8: {  	[dreg:$0x6] =	wrdreg $0x17000  }
0xb9: {  	[dreg:$0x7] =	wrdreg $0x9  }
0xba: {  	_ =	task.clear_ibuf [dreg:s8], $0x8FFFF;
	_ =	strace $0x90000046  }
0xbb: {  	s29 =	simm.s32 $0x9;
	_ =	strace $0x80000048  }
0xbc: {  	_ =	swait.ge [sflag:s29], $0x1  }
0xbd: {  	[sflag:s29] =	ssyncadd.s32 $0xFFFFFFFF  }
0xbe: {  	_ =	strace $0x90000048  }
0xbf: {  	_ =	sfence  }
0xc0: {  	s30 =	sld [smem:$0x0];
	_ =	sdelay $0x2  }
0xc1: {  	s31 =	sshll.u32 s1, $0xD;
	s1 =	sshrl.u32 s1, $0x2  }
0xc2: {  	s3 =	sand.u32 $0x4000, s31;
	s1 =	sadd.s32 s1, s30  }
0xc3: {  	s0 =	sor.u32 s3, s0;
	s1 =	sshll.u32 s1, $0x11  }
0xc4: {  	s0 =	sor.u32 s1, s0  }
0xc5: {  	s0 =	sadd.s32 $0x8F2B, s0  }
0xc6: {  	[sflag:s0] =	ssyncadd.remote.s32 $0x1  }
0xc7: {  	_ =	sfence.sel $0xFFFF  }
0xc8: {  	[dreg:$0x0] =	wrdreg $0xFFFFFFFF;
	(pc) =	sbr.abs _section_cstart, $3  }
0xc9: {  	[dreg:$0x1] =	wrdreg $0xFFFFFFFF  }
0xca: {  	_ =	task.clear_ibuf [dreg:s8], $0x2FFFF;
	_ =	strace $0x9FFFFFFF  }
0xcb: {  	(tm) =	ssettm $0x7FFFFFFF  }
tec
execute0_lowered:
.L_overlay_start_1:
0x0: {  	(tag) =	ssettag $0x1  }
0x1: {  	s0 =	rddreg [dreg:$0x0]  }
0x2: {  	s1 =	rddreg [dreg:$0x2]  }
0x3: {  	s3 =	rddreg [dreg:$0x3];
	s2 =	srdreg.scid  }
0x4: {  	s12 =	stileid.u32;
	s4 =	rddreg [dreg:$0x4];
	s5 =	simm.s32 $0x0  }
0x5: {  	s14 =	simm.s32 $0x2;
	s16 =	simm.s32 $0x1400;
	s17 =	simm.s32 $0x80  }
0x6: {  	s19 =	simm.s32 $0xC00;
	s20 =	simm.s32 $0xC80;
	s21 =	simm.s32 $0xD00  }
0x7: {  	s22 =	simm.s32 $0xD80;
	s28 =	simm.s32 $0x1000;
	s29 =	simm.s32 $0x1080  }
0x8: {  	s30 =	simm.s32 $0x1100;
	s31 =	simm.s32 $0x1180;
	s2 =	sand.u32 $0x1, s2  }
0x9: {  	s6 =	sshll.u32 s12, $0x1;
	[smem:$0x7FF] =	sst s5;
	s8 =	smul.u32 $0x280, s12  }
0xa: {  	s11 =	smul.u32 $0x500, s12;
	s25 =	sshll.u32 s12, $0x6;
	s12 =	simm.s32 $0x0  }
0xb: {  	s6 =	sor.u32 s2, s6;
	_ =	strace $0x80000047;
	s7 =	ssub.s32 $0x2, s2  }
0xc: {  	s2 =	sshll.u32 s2, $0x7;
	s6 =	smul.u32 $0x280, s6;
	s10 =	sshrl.u32 s7, $0x1  }
0xd: {  	s24 =	sadd.s32 s8, s3;
	s2 =	sor.u32 s2, s11;
	s8 =	sadd.s32 s8, s4  }
0xe: {  	s23 =	ssub.s32 s7, s10;
	s7 =	sor.u32 $0x1C02, s25;
	s11 =	sadd.s32 $0x5000, s2  }
0xf: {  	s2 =	sshrl.u32 s2, $0x3;
	s13 =	sshrl.u32 s24, $0x3;
	s15 =	sshrl.u32 s8, $0x3  }
0x10: {  	s24 =	simm.s32 $0xE80;
	s25 =	simm.s32 $0xF00;
	s8 =	simm.s32 $0x1380  }
0x11: {  	s10 =	simm.s32 $0x20;
	s9 =	sadd.s32 s6, s0;
	s2 =	sadd.s32 s1, s2  }
0x12: {  	s6 =	sadd.s32 $0xA600, s0;
	s0 =	smax.u32 s23, $0x1;
	[dreg:$0x8] =	wrdreg s2  }
0x13: {  	s11 =	sshrl.u32 s11, $0x3;
	s26 =	sadd.s32 $0x600, s9;
	[dreg:$0xa] =	wrdreg s0  }
0x14: {  	s23 =	simm.s32 $0xE00;
	s9 =	sadd.s32 $0x5600, s9;
	[dreg:$0x6] =	wrdreg s26  }
0x15: {  	s1 =	sadd.s32 s1, s11;
	s2 =	simm.s32 $0x1200;
	[dreg:$0x7] =	wrdreg s9  }
0x16: {  	s0 =	simm.s32 $0x1280;
	s11 =	simm.s32 $0x10;
	[dreg:$0x9] =	wrdreg s1  }
0x17: {  	s26 =	simm.s32 $0xF80;
	s1 =	simm.s32 $0x1300;
	s9 =	simm.s32 $0x1  }
.LBB2_1:
0x18: {  	[spmem:s13], [sflag:s7] =	dma.local [hbm:s6], $0x50  }
0x19: {  	_ =	swait.ge [sflag:s14], $0x50  }
0x1a: {  	[sflag:s14] =	ssyncset.done $0x0  }
0x1b: {  	[sflag:s14] =	ssyncadd.s32 $0xFFFFFFB0  }
0x1c: {  	[spmem:s15], [sflag:s7] =	dma.local [hbm:s6], $0x50  }
0x1d: {  	_ =	swait.ge [sflag:s14], $0x50  }
0x1e: {  	[sflag:s14] =	ssyncset.done $0x0  }
0x1f: {  	[sflag:s14] =	ssyncadd.s32 $0xFFFFFFB0  }
0x20: {  	s18 =	rddreg [dreg:$0x1]  }
0x21: {  	[tilespmem:s16], [sflag:$0x2] =	stream.linear.gather [hbm4b:s18+s5], $0x80, $0x38;
	[tilespmem:$0x1980] =	vst v63  }
0x22: {  	_ =	swait.ge [sflag:s14], $0x80  }
0x23: {  	[sflag:s14] =	ssyncset.done $0x0  }
0x24: {  	[sflag:s14] =	ssyncadd.s32 $0xFFFFFF80  }
0x25: {  	[bflag:$0x0] =	sbarrier.arrive $0xFFFF  }
0x26: {  	s18 =	rddreg [dreg:$0x6]  }
0x27: {  	[tilespmem:s5], [sflag:$0x2] =	stream.linear.gather [hbm4b:s18+s5], $0x1400, $0x38;
	[tilespmem:$0x1980] =	vst v63  }
0x28: {  	_ =	swait.ge [sflag:s14], $0x1400  }
0x29: {  	[sflag:s14] =	ssyncset.done $0x0  }
0x2a: {  	[sflag:s14] =	ssyncadd.s32 $0xFFFFEC00  }
0x2b: {  	[spmem:s3] =	stream.indirect.scatter.add.f32 [tilespmem:s16], [sflag:$0x1], $0x1, s5, s17, $0xb8;
	[tilespmem:$0x1980] =	vst v63  }
0x2c: {  	_ = 	snop  }
0x2d: {  	[spmem:s3] =	stream.indirect.scatter.add.f32 [tilespmem:s16], [sflag:$0x1], $0x1, s17, s17, $0xb8;
	[tilespmem:$0x1980] =	vst v63  }
0x2e: {  	s18 =	simm.s32 $0x100  }
0x2f: {  	[spmem:s3] =	stream.indirect.scatter.add.f32 [tilespmem:s16], [sflag:$0x1], $0x1, s18, s17, $0xb8;
	[tilespmem:$0x1980] =	vst v63  }
0x30: {  	s18 =	simm.s32 $0x180  }
0x31: {  	[spmem:s3] =	stream.indirect.scatter.add.f32 [tilespmem:s16], [sflag:$0x1], $0x1, s18, s17, $0xb8;
	[tilespmem:$0x1980] =	vst v63  }
0x32: {  	s18 =	simm.s32 $0x200  }
0x33: {  	[spmem:s3] =	stream.indirect.scatter.add.f32 [tilespmem:s16], [sflag:$0x1], $0x1, s18, s17, $0xb8;
	[tilespmem:$0x1980] =	vst v63  }
0x34: {  	s18 =	simm.s32 $0x280  }
0x35: {  	[spmem:s3] =	stream.indirect.scatter.add.f32 [tilespmem:s16], [sflag:$0x1], $0x1, s18, s17, $0xb8;
	[tilespmem:$0x1980] =	vst v63  }
0x36: {  	s18 =	simm.s32 $0x300  }
0x37: {  	[spmem:s3] =	stream.indirect.scatter.add.f32 [tilespmem:s16], [sflag:$0x1], $0x1, s18, s17, $0xb8;
	[tilespmem:$0x1980] =	vst v63  }
0x38: {  	s18 =	simm.s32 $0x380  }
0x39: {  	[spmem:s3] =	stream.indirect.scatter.add.f32 [tilespmem:s16], [sflag:$0x1], $0x1, s18, s17, $0xb8;
	[tilespmem:$0x1980] =	vst v63  }
0x3a: {  	s18 =	simm.s32 $0x400  }
0x3b: {  	[spmem:s3] =	stream.indirect.scatter.add.f32 [tilespmem:s16], [sflag:$0x1], $0x1, s18, s17, $0xb8;
	[tilespmem:$0x1980] =	vst v63  }
0x3c: {  	s18 =	simm.s32 $0x480  }
0x3d: {  	[spmem:s3] =	stream.indirect.scatter.add.f32 [tilespmem:s16], [sflag:$0x1], $0x1, s18, s17, $0xb8;
	[tilespmem:$0x1980] =	vst v63  }
0x3e: {  	s18 =	simm.s32 $0x500  }
0x3f: {  	[spmem:s3] =	stream.indirect.scatter.add.f32 [tilespmem:s16], [sflag:$0x1], $0x1, s18, s17, $0xb8;
	[tilespmem:$0x1980] =	vst v63  }
0x40: {  	s18 =	simm.s32 $0x580  }
0x41: {  	[spmem:s3] =	stream.indirect.scatter.add.f32 [tilespmem:s16], [sflag:$0x1], $0x1, s18, s17, $0xb8;
	[tilespmem:$0x1980] =	vst v63  }
0x42: {  	s18 =	simm.s32 $0x600  }
0x43: {  	[spmem:s3] =	stream.indirect.scatter.add.f32 [tilespmem:s16], [sflag:$0x1], $0x1, s18, s17, $0xb8;
	[tilespmem:$0x1980] =	vst v63  }
0x44: {  	s18 =	simm.s32 $0x680  }
0x45: {  	[spmem:s3] =	stream.indirect.scatter.add.f32 [tilespmem:s16], [sflag:$0x1], $0x1, s18, s17, $0xb8;
	[tilespmem:$0x1980] =	vst v63  }
0x46: {  	s18 =	simm.s32 $0x700  }
0x47: {  	[spmem:s3] =	stream.indirect.scatter.add.f32 [tilespmem:s16], [sflag:$0x1], $0x1, s18, s17, $0xb8;
	[tilespmem:$0x1980] =	vst v63  }
0x48: {  	s18 =	simm.s32 $0x780  }
0x49: {  	[spmem:s3] =	stream.indirect.scatter.add.f32 [tilespmem:s16], [sflag:$0x1], $0x1, s18, s17, $0xb8;
	[tilespmem:$0x1980] =	vst v63  }
0x4a: {  	s18 =	simm.s32 $0x800  }
0x4b: {  	[spmem:s3] =	stream.indirect.scatter.add.f32 [tilespmem:s16], [sflag:$0x1], $0x1, s18, s17, $0xb8;
	[tilespmem:$0x1980] =	vst v63  }
0x4c: {  	s18 =	simm.s32 $0x880  }
0x4d: {  	[spmem:s3] =	stream.indirect.scatter.add.f32 [tilespmem:s16], [sflag:$0x1], $0x1, s18, s17, $0xb8;
	[tilespmem:$0x1980] =	vst v63  }
0x4e: {  	s18 =	simm.s32 $0x900  }
0x4f: {  	[spmem:s3] =	stream.indirect.scatter.add.f32 [tilespmem:s16], [sflag:$0x1], $0x1, s18, s17, $0xb8;
	[tilespmem:$0x1980] =	vst v63  }
0x50: {  	s18 =	simm.s32 $0x980  }
0x51: {  	[spmem:s3] =	stream.indirect.scatter.add.f32 [tilespmem:s16], [sflag:$0x1], $0x1, s18, s17, $0xb8;
	[tilespmem:$0x1980] =	vst v63  }
0x52: {  	s18 =	simm.s32 $0xA00  }
0x53: {  	[spmem:s3] =	stream.indirect.scatter.add.f32 [tilespmem:s16], [sflag:$0x1], $0x1, s18, s17, $0xb8;
	[tilespmem:$0x1980] =	vst v63  }
0x54: {  	s18 =	simm.s32 $0xA80  }
0x55: {  	[spmem:s3] =	stream.indirect.scatter.add.f32 [tilespmem:s16], [sflag:$0x1], $0x1, s18, s17, $0xb8;
	[tilespmem:$0x1980] =	vst v63  }
0x56: {  	s18 =	simm.s32 $0xB00  }
0x57: {  	[spmem:s3] =	stream.indirect.scatter.add.f32 [tilespmem:s16], [sflag:$0x1], $0x1, s18, s17, $0xb8;
	[tilespmem:$0x1980] =	vst v63  }
0x58: {  	s18 =	simm.s32 $0xB80  }
0x59: {  	[spmem:s3] =	stream.indirect.scatter.add.f32 [tilespmem:s16], [sflag:$0x1], $0x1, s18, s17, $0xb8;
	[tilespmem:$0x1980] =	vst v63  }
0x5a: {  	_ = 	snop  }
0x5b: {  	[spmem:s3] =	stream.indirect.scatter.add.f32 [tilespmem:s16], [sflag:$0x1], $0x1, s19, s17, $0xb8;
	[tilespmem:$0x1980] =	vst v63  }
0x5c: {  	_ = 	snop  }
0x5d: {  	[spmem:s3] =	stream.indirect.scatter.add.f32 [tilespmem:s16], [sflag:$0x1], $0x1, s20, s17, $0xb8;
	[tilespmem:$0x1980] =	vst v63  }
0x5e: {  	_ = 	snop  }
0x5f: {  	[spmem:s3] =	stream.indirect.scatter.add.f32 [tilespmem:s16], [sflag:$0x1], $0x1, s21, s17, $0xb8;
	[tilespmem:$0x1980] =	vst v63  }
0x60: {  	_ = 	snop  }
0x61: {  	[spmem:s3] =	stream.indirect.scatter.add.f32 [tilespmem:s16], [sflag:$0x1], $0x1, s22, s17, $0xb8;
	[tilespmem:$0x1980] =	vst v63  }
0x62: {  	_ = 	snop  }
0x63: {  	[spmem:s3] =	stream.indirect.scatter.add.f32 [tilespmem:s16], [sflag:$0x1], $0x1, s23, s17, $0xb8;
	[tilespmem:$0x1980] =	vst v63  }
0x64: {  	_ = 	snop  }
0x65: {  	[spmem:s3] =	stream.indirect.scatter.add.f32 [tilespmem:s16], [sflag:$0x1], $0x1, s24, s17, $0xb8;
	[tilespmem:$0x1980] =	vst v63  }
0x66: {  	_ = 	snop  }
0x67: {  	[spmem:s3] =	stream.indirect.scatter.add.f32 [tilespmem:s16], [sflag:$0x1], $0x1, s25, s17, $0xb8;
	[tilespmem:$0x1980] =	vst v63  }
0x68: {  	_ = 	snop  }
0x69: {  	[spmem:s3] =	stream.indirect.scatter.add.f32 [tilespmem:s16], [sflag:$0x1], $0x1, s26, s17, $0xb8;
	[tilespmem:$0x1980] =	vst v63  }
0x6a: {  	_ = 	snop  }
0x6b: {  	[spmem:s3] =	stream.indirect.scatter.add.f32 [tilespmem:s16], [sflag:$0x1], $0x1, s28, s17, $0xb8;
	[tilespmem:$0x1980] =	vst v63  }
0x6c: {  	_ = 	snop  }
0x6d: {  	[spmem:s3] =	stream.indirect.scatter.add.f32 [tilespmem:s16], [sflag:$0x1], $0x1, s29, s17, $0xb8;
	[tilespmem:$0x1980] =	vst v63  }
0x6e: {  	_ = 	snop  }
0x6f: {  	[spmem:s3] =	stream.indirect.scatter.add.f32 [tilespmem:s16], [sflag:$0x1], $0x1, s30, s17, $0xb8;
	[tilespmem:$0x1980] =	vst v63  }
0x70: {  	_ = 	snop  }
0x71: {  	[spmem:s3] =	stream.indirect.scatter.add.f32 [tilespmem:s16], [sflag:$0x1], $0x1, s31, s17, $0xb8;
	[tilespmem:$0x1980] =	vst v63  }
0x72: {  	_ = 	snop  }
0x73: {  	[spmem:s3] =	stream.indirect.scatter.add.f32 [tilespmem:s16], [sflag:$0x1], $0x1, s2, s17, $0xb8;
	[tilespmem:$0x1980] =	vst v63  }
0x74: {  	_ = 	snop  }
0x75: {  	[spmem:s3] =	stream.indirect.scatter.add.f32 [tilespmem:s16], [sflag:$0x1], $0x1, s0, s17, $0xb8;
	[tilespmem:$0x1980] =	vst v63  }
0x76: {  	_ = 	snop  }
0x77: {  	[spmem:s3] =	stream.indirect.scatter.add.f32 [tilespmem:s16], [sflag:$0x1], $0x1, s1, s17, $0xb8;
	[tilespmem:$0x1980] =	vst v63  }
0x78: {  	_ = 	snop  }
0x79: {  	[spmem:s3] =	stream.indirect.scatter.add.f32 [tilespmem:s16], [sflag:$0x1], $0x1, s8, s17, $0xb8;
	[tilespmem:$0x1980] =	vst v63  }
0x7a: {  	_ =	swait.ge [sflag:s9], $0x80  }
0x7b: {  	s18 =	simm.s32 $0x27;
	[sflag:s9] =	ssyncset.done $0x0  }
.LBB2_2:
0x7c: {  	p0 =	sne.s32 s18, $0x1;
	s18 =	sadd.s32 $0xFFFFFFFF, s18;
	[sflag:s9] =	ssyncadd.s32 $0xFFFFFF80  }
.Ltmp0:
0x7d: {  	(pc) =	sbr.rel @p0 .LBB2_2-.Ltmp0, $3  }
0x7e: {  	_ =	sdelay $0x1  }
0x7f: {  	_ =	swait.ge [sflag:s9], $0x80  }
0x80: {  	[sflag:s9] =	ssyncset.done $0x0  }
0x81: {  	[sflag:s9] =	ssyncadd.s32 $0xFFFFFF80;
	s18 =	rddreg [dreg:$0x7]  }
0x82: {  	[tilespmem:s5], [sflag:$0x2] =	stream.linear.gather [hbm4b:s18+s5], $0x1400, $0x38;
	[tilespmem:$0x1980] =	vst v63  }
0x83: {  	_ =	swait.ge [sflag:s14], $0x1400  }
0x84: {  	[sflag:s14] =	ssyncset.done $0x0  }
0x85: {  	[sflag:s14] =	ssyncadd.s32 $0xFFFFEC00  }
0x86: {  	[spmem:s4] =	stream.indirect.scatter.add.f32 [tilespmem:s16], [sflag:$0x1], $0x1, s5, s17, $0xb8;
	[tilespmem:$0x1980] =	vst v63  }
0x87: {  	_ = 	snop  }
0x88: {  	[spmem:s4] =	stream.indirect.scatter.add.f32 [tilespmem:s16], [sflag:$0x1], $0x1, s17, s17, $0xb8;
	[tilespmem:$0x1980] =	vst v63  }
0x89: {  	s18 =	simm.s32 $0x100  }
0x8a: {  	[spmem:s4] =	stream.indirect.scatter.add.f32 [tilespmem:s16], [sflag:$0x1], $0x1, s18, s17, $0xb8;
	[tilespmem:$0x1980] =	vst v63  }
0x8b: {  	s18 =	simm.s32 $0x180  }
0x8c: {  	[spmem:s4] =	stream.indirect.scatter.add.f32 [tilespmem:s16], [sflag:$0x1], $0x1, s18, s17, $0xb8;
	[tilespmem:$0x1980] =	vst v63  }
0x8d: {  	s18 =	simm.s32 $0x200  }
0x8e: {  	[spmem:s4] =	stream.indirect.scatter.add.f32 [tilespmem:s16], [sflag:$0x1], $0x1, s18, s17, $0xb8;
	[tilespmem:$0x1980] =	vst v63  }
0x8f: {  	s18 =	simm.s32 $0x280  }
0x90: {  	[spmem:s4] =	stream.indirect.scatter.add.f32 [tilespmem:s16], [sflag:$0x1], $0x1, s18, s17, $0xb8;
	[tilespmem:$0x1980] =	vst v63  }
0x91: {  	s18 =	simm.s32 $0x300  }
0x92: {  	[spmem:s4] =	stream.indirect.scatter.add.f32 [tilespmem:s16], [sflag:$0x1], $0x1, s18, s17, $0xb8;
	[tilespmem:$0x1980] =	vst v63  }
0x93: {  	s18 =	simm.s32 $0x380  }
0x94: {  	[spmem:s4] =	stream.indirect.scatter.add.f32 [tilespmem:s16], [sflag:$0x1], $0x1, s18, s17, $0xb8;
	[tilespmem:$0x1980] =	vst v63  }
0x95: {  	s18 =	simm.s32 $0x400  }
0x96: {  	[spmem:s4] =	stream.indirect.scatter.add.f32 [tilespmem:s16], [sflag:$0x1], $0x1, s18, s17, $0xb8;
	[tilespmem:$0x1980] =	vst v63  }
0x97: {  	s18 =	simm.s32 $0x480  }
0x98: {  	[spmem:s4] =	stream.indirect.scatter.add.f32 [tilespmem:s16], [sflag:$0x1], $0x1, s18, s17, $0xb8;
	[tilespmem:$0x1980] =	vst v63  }
0x99: {  	s18 =	simm.s32 $0x500  }
0x9a: {  	[spmem:s4] =	stream.indirect.scatter.add.f32 [tilespmem:s16], [sflag:$0x1], $0x1, s18, s17, $0xb8;
	[tilespmem:$0x1980] =	vst v63  }
0x9b: {  	s18 =	simm.s32 $0x580  }
0x9c: {  	[spmem:s4] =	stream.indirect.scatter.add.f32 [tilespmem:s16], [sflag:$0x1], $0x1, s18, s17, $0xb8;
	[tilespmem:$0x1980] =	vst v63  }
0x9d: {  	s18 =	simm.s32 $0x600  }
0x9e: {  	[spmem:s4] =	stream.indirect.scatter.add.f32 [tilespmem:s16], [sflag:$0x1], $0x1, s18, s17, $0xb8;
	[tilespmem:$0x1980] =	vst v63  }
0x9f: {  	s18 =	simm.s32 $0x680  }
0xa0: {  	[spmem:s4] =	stream.indirect.scatter.add.f32 [tilespmem:s16], [sflag:$0x1], $0x1, s18, s17, $0xb8;
	[tilespmem:$0x1980] =	vst v63  }
0xa1: {  	s18 =	simm.s32 $0x700  }
0xa2: {  	[spmem:s4] =	stream.indirect.scatter.add.f32 [tilespmem:s16], [sflag:$0x1], $0x1, s18, s17, $0xb8;
	[tilespmem:$0x1980] =	vst v63  }
0xa3: {  	s18 =	simm.s32 $0x780  }
0xa4: {  	[spmem:s4] =	stream.indirect.scatter.add.f32 [tilespmem:s16], [sflag:$0x1], $0x1, s18, s17, $0xb8;
	[tilespmem:$0x1980] =	vst v63  }
0xa5: {  	s18 =	simm.s32 $0x800  }
0xa6: {  	[spmem:s4] =	stream.indirect.scatter.add.f32 [tilespmem:s16], [sflag:$0x1], $0x1, s18, s17, $0xb8;
	[tilespmem:$0x1980] =	vst v63  }
0xa7: {  	s18 =	simm.s32 $0x880  }
0xa8: {  	[spmem:s4] =	stream.indirect.scatter.add.f32 [tilespmem:s16], [sflag:$0x1], $0x1, s18, s17, $0xb8;
	[tilespmem:$0x1980] =	vst v63  }
0xa9: {  	s18 =	simm.s32 $0x900  }
0xaa: {  	[spmem:s4] =	stream.indirect.scatter.add.f32 [tilespmem:s16], [sflag:$0x1], $0x1, s18, s17, $0xb8;
	[tilespmem:$0x1980] =	vst v63  }
0xab: {  	s18 =	simm.s32 $0x980  }
0xac: {  	[spmem:s4] =	stream.indirect.scatter.add.f32 [tilespmem:s16], [sflag:$0x1], $0x1, s18, s17, $0xb8;
	[tilespmem:$0x1980] =	vst v63  }
0xad: {  	s18 =	simm.s32 $0xA00  }
0xae: {  	[spmem:s4] =	stream.indirect.scatter.add.f32 [tilespmem:s16], [sflag:$0x1], $0x1, s18, s17, $0xb8;
	[tilespmem:$0x1980] =	vst v63  }
0xaf: {  	s18 =	simm.s32 $0xA80  }
0xb0: {  	[spmem:s4] =	stream.indirect.scatter.add.f32 [tilespmem:s16], [sflag:$0x1], $0x1, s18, s17, $0xb8;
	[tilespmem:$0x1980] =	vst v63  }
0xb1: {  	s18 =	simm.s32 $0xB00  }
0xb2: {  	[spmem:s4] =	stream.indirect.scatter.add.f32 [tilespmem:s16], [sflag:$0x1], $0x1, s18, s17, $0xb8;
	[tilespmem:$0x1980] =	vst v63  }
0xb3: {  	s18 =	simm.s32 $0xB80  }
0xb4: {  	[spmem:s4] =	stream.indirect.scatter.add.f32 [tilespmem:s16], [sflag:$0x1], $0x1, s18, s17, $0xb8;
	[tilespmem:$0x1980] =	vst v63  }
0xb5: {  	_ = 	snop  }
0xb6: {  	[spmem:s4] =	stream.indirect.scatter.add.f32 [tilespmem:s16], [sflag:$0x1], $0x1, s19, s17, $0xb8;
	[tilespmem:$0x1980] =	vst v63  }
0xb7: {  	_ = 	snop  }
0xb8: {  	[spmem:s4] =	stream.indirect.scatter.add.f32 [tilespmem:s16], [sflag:$0x1], $0x1, s20, s17, $0xb8;
	[tilespmem:$0x1980] =	vst v63  }
0xb9: {  	_ = 	snop  }
0xba: {  	[spmem:s4] =	stream.indirect.scatter.add.f32 [tilespmem:s16], [sflag:$0x1], $0x1, s21, s17, $0xb8;
	[tilespmem:$0x1980] =	vst v63  }
0xbb: {  	_ = 	snop  }
0xbc: {  	[spmem:s4] =	stream.indirect.scatter.add.f32 [tilespmem:s16], [sflag:$0x1], $0x1, s22, s17, $0xb8;
	[tilespmem:$0x1980] =	vst v63  }
0xbd: {  	_ = 	snop  }
0xbe: {  	[spmem:s4] =	stream.indirect.scatter.add.f32 [tilespmem:s16], [sflag:$0x1], $0x1, s23, s17, $0xb8;
	[tilespmem:$0x1980] =	vst v63  }
0xbf: {  	_ = 	snop  }
0xc0: {  	[spmem:s4] =	stream.indirect.scatter.add.f32 [tilespmem:s16], [sflag:$0x1], $0x1, s24, s17, $0xb8;
	[tilespmem:$0x1980] =	vst v63  }
0xc1: {  	_ = 	snop  }
0xc2: {  	[spmem:s4] =	stream.indirect.scatter.add.f32 [tilespmem:s16], [sflag:$0x1], $0x1, s25, s17, $0xb8;
	[tilespmem:$0x1980] =	vst v63  }
0xc3: {  	_ = 	snop  }
0xc4: {  	[spmem:s4] =	stream.indirect.scatter.add.f32 [tilespmem:s16], [sflag:$0x1], $0x1, s26, s17, $0xb8;
	[tilespmem:$0x1980] =	vst v63  }
0xc5: {  	_ = 	snop  }
0xc6: {  	[spmem:s4] =	stream.indirect.scatter.add.f32 [tilespmem:s16], [sflag:$0x1], $0x1, s28, s17, $0xb8;
	[tilespmem:$0x1980] =	vst v63  }
0xc7: {  	_ = 	snop  }
0xc8: {  	[spmem:s4] =	stream.indirect.scatter.add.f32 [tilespmem:s16], [sflag:$0x1], $0x1, s29, s17, $0xb8;
	[tilespmem:$0x1980] =	vst v63  }
0xc9: {  	_ = 	snop  }
0xca: {  	[spmem:s4] =	stream.indirect.scatter.add.f32 [tilespmem:s16], [sflag:$0x1], $0x1, s30, s17, $0xb8;
	[tilespmem:$0x1980] =	vst v63  }
0xcb: {  	_ = 	snop  }
0xcc: {  	[spmem:s4] =	stream.indirect.scatter.add.f32 [tilespmem:s16], [sflag:$0x1], $0x1, s31, s17, $0xb8;
	[tilespmem:$0x1980] =	vst v63  }
0xcd: {  	_ = 	snop  }
0xce: {  	[spmem:s4] =	stream.indirect.scatter.add.f32 [tilespmem:s16], [sflag:$0x1], $0x1, s2, s17, $0xb8;
	[tilespmem:$0x1980] =	vst v63  }
0xcf: {  	_ = 	snop  }
0xd0: {  	[spmem:s4] =	stream.indirect.scatter.add.f32 [tilespmem:s16], [sflag:$0x1], $0x1, s0, s17, $0xb8;
	[tilespmem:$0x1980] =	vst v63  }
0xd1: {  	_ = 	snop  }
0xd2: {  	[spmem:s4] =	stream.indirect.scatter.add.f32 [tilespmem:s16], [sflag:$0x1], $0x1, s1, s17, $0xb8;
	[tilespmem:$0x1980] =	vst v63  }
0xd3: {  	_ = 	snop  }
0xd4: {  	[spmem:s4] =	stream.indirect.scatter.add.f32 [tilespmem:s16], [sflag:$0x1], $0x1, s8, s17, $0xb8;
	[tilespmem:$0x1980] =	vst v63  }
0xd5: {  	_ =	swait.ge [sflag:s9], $0x80  }
0xd6: {  	s18 =	simm.s32 $0x27;
	[sflag:s9] =	ssyncset.done $0x0  }
.LBB2_4:
0xd7: {  	p0 =	sne.s32 s18, $0x1;
	s18 =	sadd.s32 $0xFFFFFFFF, s18;
	[sflag:s9] =	ssyncadd.s32 $0xFFFFFF80  }
.Ltmp1:
0xd8: {  	(pc) =	sbr.rel @p0 .LBB2_4-.Ltmp1, $3  }
0xd9: {  	_ =	sdelay $0x1  }
0xda: {  	_ =	swait.ge [sflag:s9], $0x80  }
0xdb: {  	[sflag:s9] =	ssyncset.done $0x0  }
0xdc: {  	[sflag:s9] =	ssyncadd.s32 $0xFFFFFF80  }
0xdd: {  	[bflag:$0x0] =	sbarrier.arrive $0xFFFF  }
0xde: {  	s18 =	rddreg [dreg:$0x8]  }
0xdf: {  	[hbm:s18@s10], [sflag:s7] =	dma.strided [spmem:s13@s11], $0x50, s9, $0x10   }
0xe0: {  	_ =	swait.ge [sflag:s14], $0x50  }
0xe1: {  	[sflag:s14] =	ssyncset.done $0x0  }
0xe2: {  	s18 =	rddreg [dreg:$0x9];
	[sflag:s14] =	ssyncadd.s32 $0xFFFFFFB0  }
0xe3: {  	[hbm:s18@s10], [sflag:s7] =	dma.strided [spmem:s15@s11], $0x50, s9, $0x10   }
0xe4: {  	_ =	swait.ge [sflag:s14], $0x50  }
0xe5: {  	s12 =	sadd.s32 $0x1, s12;
	s18 =	rddreg [dreg:$0xa]  }
0xe6: {  	p0 =	sne.s32 s12, s18  }
.Ltmp2:
0xe7: {  	_ = 	snop;
	(pc) =	sbr.rel @p0 .LBB2_1-.Ltmp2, $3  }
0xe8: {  	_ =	sdelay $0x1  }
0xe9: {  	[sflag:s14] =	ssyncset.done $0x0  }
0xea: {  	[sflag:s14] =	ssyncadd.s32 $0xFFFFFFB0  }
0xeb: {  	_ =	sfence.sel $0x180000  }
0xec: {  	[bflag:$0x0] =	sbarrier.arrive $0xFFFF  }
0xed: {  	_ =	strace $0x90000047  }
0xee: {  	s0 =	stileid.u32;
	[bflag:$0x2] =	sbarrier.arrive $0xFFFF  }
0xef: {  	p0 =	sne.s32 s0, $0x0;
	s0 =	rddreg [dreg:$0x5]  }
0xf0: {  	s0 =	sadd.s32 @!p0 $0x100000, s0  }
0xf1: {  	[sflag:s0] =	ssyncadd.tile.s32 @!p0 $0x1;
	_ =	shalt  }
.Lfunc_end2:
_tile_overlayer_lowered:
.L_overlay_start_2:
0xf2: {  	(tag) =	ssettag $0x2  }
0xf3: {  	s0 =	rddreg [dreg:$0x0];
	s2 =	stileid.u32  }
0xf4: {  	s1 =	rddreg [dreg:$0x1];
	p0 =	sne.s32 s2, $0x0  }
0xf5: {  	s3 =	rddreg [dreg:$0x2];
	[bflag:$0x3] =	sbarrier.arrive $0xFFFF;
	s2 =	simm.s32 @!p0 $0x1C02  }
0xf6: {  	[timem:s3], [sflag:s2] =	dma.local @!p0 [hbm:s0], s1  }
0xf7: {  	s0 =	simm.s32 @!p0 $0x2  }
0xf8: {  	_ =	swait.ge @!p0 [sflag:s0], s1  }
0xf9: {  	s1 =	ssub.s32 @!p0 $0x0, s1;
	[sflag:s0] =	ssyncset.done @!p0 $0x0  }
0xfa: {  	[sflag:s0] =	ssyncadd.s32 @!p0 s1  }
0xfb: {  	[bflag:$0x3] =	sbarrier.arrive $0xFFFF  }
0xfc: {  	_ =	shalt  }

</sc_bundles>
